<compile_context>
chip_gen: v7x
topology: tpu7x:2x2x1
jax: 0.10.2.dev20260603
libtpu: 0.0.44.dev20260713+nightly
codegen_flags: <defaults>
</compile_context>

<pallas_src>
import functools

import jax
import jax.numpy as jnp
from jax import lax
from jax.experimental import pallas as pl
from jax.experimental.pallas import tpu as pltpu
from jax.experimental.pallas import tpu_sc as plsc

N = 10000
NP = 10240
D = 256
HF = 128
E = 160000
EP = 163840
G = 64
C = 2
NTILE = 16
NCHUNK = EP // (NTILE * 128)
HCHUNK = NCHUNK // 2



def _sc_mesh():
    return plsc.VectorSubcoreMesh(core_axis_name="c", subcore_axis_name="s")


@functools.partial(
    pl.kernel,
    mesh=_sc_mesh(),
    out_type=jax.ShapeDtypeStruct((2, NP, 128), jnp.float32),
    scratch_types=[
        pltpu.VMEM((HCHUNK, 128), jnp.int32),
        pltpu.VMEM((128, 128), jnp.float32),
        pltpu.VMEM_SHARED((NP, 128), jnp.float32),
        pltpu.SemaphoreType.DMA,
    ],
)
def _count_kernel(dst_hbm, zeros_hbm, ones_hbm, out_hbm,
                  idx_v, ones_v, acc_sh, sem):
    cid = lax.axis_index("c")
    sid = lax.axis_index("s")

    pltpu.sync_copy(ones_hbm, ones_v)

    @pl.when(sid == 0)
    def _():
        pltpu.sync_copy(zeros_hbm.at[pl.ds(0, NP // 2)],
                        acc_sh.at[pl.ds(0, NP // 2)])

    @pl.when(sid == 1)
    def _():
        pltpu.sync_copy(zeros_hbm.at[pl.ds(NP // 2, NP // 2)],
                        acc_sh.at[pl.ds(NP // 2, NP // 2)])

    plsc.subcore_barrier()

    pltpu.sync_copy(dst_hbm.at[sid, pl.ds(cid * HCHUNK, HCHUNK)], idx_v)

    def _chunk(j, c):
        pltpu.async_copy(ones_v, acc_sh.at[idx_v.at[j]], sem, add=True)
        return c

    lax.fori_loop(0, HCHUNK, _chunk, 0)

    def _drain(j, c):
        pltpu.make_async_copy(ones_v, acc_sh.at[idx_v.at[j]], sem).wait()
        return c

    lax.fori_loop(0, HCHUNK, _drain, 0)
    plsc.subcore_barrier()

    @pl.when(sid == 0)
    def _():
        pltpu.sync_copy(acc_sh.at[pl.ds(0, NP // 2)],
                        out_hbm.at[cid, pl.ds(0, NP // 2)])

    @pl.when(sid == 1)
    def _():
        pltpu.sync_copy(acc_sh.at[pl.ds(NP // 2, NP // 2)],
                        out_hbm.at[cid, pl.ds(NP // 2, NP // 2)])


@functools.partial(
    pl.kernel,
    mesh=_sc_mesh(),
    out_type=jax.ShapeDtypeStruct((2, NP, HF), jnp.float32),
    scratch_types=[
        pltpu.VMEM((HCHUNK, 128), jnp.int32),
        pltpu.VMEM((HCHUNK, 128), jnp.int32),
        pltpu.VMEM((128, HF), jnp.float32),
        pltpu.VMEM((128, HF), jnp.float32),
        pltpu.VMEM_SHARED((NP, HF), jnp.float32),
        pltpu.SemaphoreType.DMA,
        pltpu.SemaphoreType.DMA,
    ],
)
def _prop_kernel(y_hbm, src_hbm, dst_hbm, zeros_hbm, out_hbm,
                 src_v, dst_v, buf0, buf1, acc_sh, g0, g1):
    cid = lax.axis_index("c")
    sid = lax.axis_index("s")

    @pl.when(sid == 0)
    def _():
        pltpu.sync_copy(zeros_hbm.at[pl.ds(0, NP // 2)],
                        acc_sh.at[pl.ds(0, NP // 2)])

    @pl.when(sid == 1)
    def _():
        pltpu.sync_copy(zeros_hbm.at[pl.ds(NP // 2, NP // 2)],
                        acc_sh.at[pl.ds(NP // 2, NP // 2)])

    plsc.subcore_barrier()

    for h in range(2):
        pltpu.sync_copy(src_hbm.at[cid, sid, pl.ds(h * HCHUNK, HCHUNK)], src_v)
        pltpu.sync_copy(dst_hbm.at[sid, pl.ds(h * HCHUNK, HCHUNK)], dst_v)

        pltpu.async_copy(y_hbm.at[src_v.at[0]], buf0, g0)

        def _body(k, c):
            j0 = 2 * k
            j1 = 2 * k + 1
            pltpu.async_copy(y_hbm.at[src_v.at[j1]], buf1, g1)
            pltpu.make_async_copy(y_hbm.at[src_v.at[j0]], buf0, g0).wait()
            pltpu.sync_copy(buf0, acc_sh.at[dst_v.at[j0]], add=True)

            @pl.when(j1 + 1 < HCHUNK)
            def _():
                pltpu.async_copy(y_hbm.at[src_v.at[j1 + 1]], buf0, g0)

            pltpu.make_async_copy(y_hbm.at[src_v.at[j1]], buf1, g1).wait()
            pltpu.sync_copy(buf1, acc_sh.at[dst_v.at[j1]], add=True)
            return c

        lax.fori_loop(0, HCHUNK // 2, _body, 0)
    plsc.subcore_barrier()

    @pl.when(sid == 0)
    def _():
        pltpu.sync_copy(acc_sh.at[pl.ds(0, NP // 2)],
                        out_hbm.at[cid, pl.ds(0, NP // 2)])

    @pl.when(sid == 1)
    def _():
        pltpu.sync_copy(acc_sh.at[pl.ds(NP // 2, NP // 2)],
                        out_hbm.at[cid, pl.ds(NP // 2, NP // 2)])



_BN = 1024
_NBLK = NP // _BN


def _dinv_from(cnt_ref):
    cnt = cnt_ref[0, :, 0:1] + cnt_ref[1, :, 0:1]
    return lax.rsqrt(cnt + 1.0)


def _mm_first_body(x_ref, w_ref, cnt_ref, out_ref):
    dinv = _dinv_from(cnt_ref)
    y = jnp.dot(x_ref[...], w_ref[...],
                preferred_element_type=jnp.float32,
                precision=lax.Precision.HIGHEST) * dinv
    out_ref[0] = y[:, :HF]
    out_ref[1] = y[:, HF:]


def _mm_mid_body(agg_ref, y_ref, w_ref, b_ref, cnt_ref, out_ref):
    dinv = _dinv_from(cnt_ref)
    h = jnp.concatenate([agg_ref[0], agg_ref[1]], axis=1)
    yp = jnp.concatenate([y_ref[0], y_ref[1]], axis=1)
    z = (h + yp) * dinv + b_ref[...]
    z = jnp.where(z >= 0, z, 0.01 * z)
    y = jnp.dot(z, w_ref[...],
                preferred_element_type=jnp.float32,
                precision=lax.Precision.HIGHEST) * dinv
    out_ref[0] = y[:, :HF]
    out_ref[1] = y[:, HF:]


_BNP = 512
_NBP = NP // _BNP


def _pool_body(agg_ref, y_ref, b_ref, cnt_ref, batch_ref, wl_ref, bl_ref,
               out_ref, acc_ref, gcnt_ref):
    i = pl.program_id(0)

    @pl.when(i == 0)
    def _():
        acc_ref[...] = jnp.zeros_like(acc_ref)
        gcnt_ref[...] = jnp.zeros_like(gcnt_ref)

    dinv = _dinv_from(cnt_ref)
    h = (jnp.concatenate([agg_ref[0], agg_ref[1]], axis=1)
         + jnp.concatenate([y_ref[0], y_ref[1]], axis=1)) * dinv + b_ref[...]
    bt = batch_ref[0, 0, :]
    onehot = (bt[:, None] == lax.broadcasted_iota(jnp.int32, (_BNP, G), 1))
    onehot = onehot.astype(jnp.float32)
    acc_ref[...] += lax.dot_general(
        onehot, h, (((0,), (0,)), ((), ())),
        preferred_element_type=jnp.float32,
        precision=lax.Precision.HIGHEST)
    gcnt_ref[...] += jnp.sum(onehot, axis=0, keepdims=True)

    @pl.when(i == _NBP - 1)
    def _():
        pooled = acc_ref[...] / jnp.maximum(gcnt_ref[0, :], 1.0)[:, None]
        logits = jnp.dot(pooled, wl_ref[...],
                         preferred_element_type=jnp.float32,
                         precision=lax.Precision.HIGHEST) + bl_ref[...]
        m = jnp.max(logits, axis=1, keepdims=True)
        e = jnp.exp(logits - m)
        out_ref[...] = e / jnp.sum(e, axis=1, keepdims=True)


def _mm_first(x_p, w, counts2):
    return pl.pallas_call(
        _mm_first_body,
        grid=(_NBLK,),
        in_specs=[
            pl.BlockSpec((_BN, D), lambda i: (i, 0)),
            pl.BlockSpec((D, D), lambda i: (0, 0)),
            pl.BlockSpec((2, _BN, 128), lambda i: (0, i, 0)),
        ],
        out_specs=pl.BlockSpec((2, _BN, HF), lambda i: (0, i, 0)),
        out_shape=jax.ShapeDtypeStruct((2, NP, HF), jnp.float32),
    )(x_p, w, counts2)


def _mm_mid(agg, y, w, b2d, counts2):
    return pl.pallas_call(
        _mm_mid_body,
        grid=(_NBLK,),
        in_specs=[
            pl.BlockSpec((2, _BN, HF), lambda i: (0, i, 0)),
            pl.BlockSpec((2, _BN, HF), lambda i: (0, i, 0)),
            pl.BlockSpec((D, D), lambda i: (0, 0)),
            pl.BlockSpec((1, D), lambda i: (0, 0)),
            pl.BlockSpec((2, _BN, 128), lambda i: (0, i, 0)),
        ],
        out_specs=pl.BlockSpec((2, _BN, HF), lambda i: (0, i, 0)),
        out_shape=jax.ShapeDtypeStruct((2, NP, HF), jnp.float32),
    )(agg, y, w, b2d, counts2)


def _pool(agg, y, b2d, counts2, batch3, wl, bl2d):
    return pl.pallas_call(
        _pool_body,
        grid=(_NBP,),
        in_specs=[
            pl.BlockSpec((2, _BNP, HF), lambda i: (0, i, 0)),
            pl.BlockSpec((2, _BNP, HF), lambda i: (0, i, 0)),
            pl.BlockSpec((1, D), lambda i: (0, 0)),
            pl.BlockSpec((2, _BNP, 128), lambda i: (0, i, 0)),
            pl.BlockSpec((1, 1, _BNP), lambda i: (i, 0, 0)),
            pl.BlockSpec((D, C), lambda i: (0, 0)),
            pl.BlockSpec((1, C), lambda i: (0, 0)),
        ],
        out_specs=pl.BlockSpec((G, C), lambda i: (0, 0)),
        out_shape=jax.ShapeDtypeStruct((G, C), jnp.float32),
        scratch_shapes=[
            pltpu.VMEM((G, D), jnp.float32),
            pltpu.VMEM((1, G), jnp.float32),
        ],
    )(agg, y, b2d, counts2, batch3, wl, bl2d)



def kernel(x, edge_index, batch, W1, b1, W2, b2, W3, b3, Wl, bl):
    src = edge_index[0].astype(jnp.int32)
    dst = edge_index[1].astype(jnp.int32)

    pad = EP - E
    ar = jnp.arange(pad, dtype=jnp.int32)
    pad_src = (ar * 37) % N
    pad_dst = N + ar % (NP - N)
    srcp = jnp.concatenate([src, pad_src]).reshape(NTILE, NCHUNK, 128)
    dstp = jnp.concatenate([dst, pad_dst]).reshape(NTILE, NCHUNK, 128)
    src2 = jnp.stack([srcp, srcp + NP])

    x_p = jnp.concatenate([x, jnp.zeros((NP - N, D), jnp.float32)], axis=0)
    batch3 = jnp.concatenate(
        [batch.astype(jnp.int32), jnp.full((NP - N,), G, jnp.int32)]
    ).reshape(_NBP, 1, _BNP)
    b1_2d = b1.reshape(1, D)
    b2_2d = b2.reshape(1, D)
    b3_2d = b3.reshape(1, D)
    bl_2d = bl.reshape(1, C)

    zeros_nf = jnp.zeros((NP, 128), jnp.float32)
    ones_f = jnp.ones((128, 128), jnp.float32)

    counts2 = _count_kernel(dstp, zeros_nf, ones_f)

    y1 = _mm_first(x_p, W1, counts2)
    agg1 = _prop_kernel(y1.reshape(2 * NP, HF), src2, dstp, zeros_nf)
    y2 = _mm_mid(agg1, y1, W2, b1_2d, counts2)
    agg2 = _prop_kernel(y2.reshape(2 * NP, HF), src2, dstp, zeros_nf)
    y3 = _mm_mid(agg2, y2, W3, b2_2d, counts2)
    agg3 = _prop_kernel(y3.reshape(2 * NP, HF), src2, dstp, zeros_nf)

    return _pool(agg3, y3, b3_2d, counts2, batch3, Wl, bl_2d)

# --- scband reference (transcript-rebuilt; emitter-appended) ---
"""Pipeline reference for scband-gcnclassifier-26302379720852 (READ-ONLY COPY).

The authoritative reference and input builder live on the scoring server;
editing this copy changes nothing except your own understanding.
"""

import jax, jax.numpy as jnp
import numpy as np

N = 10000
E = 160000
D = 256
H = 256
C = 2
G = 64


def gcn_conv(x, src, dst, W, b, num_nodes):
    # GCNConv with added self-loops and symmetric normalization (PyG default)
    loop = jnp.arange(num_nodes, dtype=src.dtype)
    s = jnp.concatenate([src, loop])
    d = jnp.concatenate([dst, loop])
    deg = jax.ops.segment_sum(jnp.ones_like(d, dtype=x.dtype), d, num_segments=num_nodes)
    dinv = jnp.where(deg > 0, jax.lax.rsqrt(jnp.maximum(deg, 1e-12)), 0.0)
    norm = dinv[s] * dinv[d]
    xw = x @ W
    msg = xw[s] * norm[:, None]
    out = jax.ops.segment_sum(msg, d, num_segments=num_nodes)
    return out + b


def setup_inputs(seed: int = 0) -> dict:
    key = jax.random.key(seed)
    ks = [jax.random.fold_in(key, i) for i in range(12)]
    x = jax.random.normal(ks[0], (N, D), dtype=jnp.float32)
    edge_index = jax.random.randint(ks[1], (2, E), 0, N, dtype=jnp.int64 if jax.config.jax_enable_x64 else jnp.int32)
    batch = jnp.sort(jax.random.randint(ks[2], (N,), 0, G, dtype=jnp.int64 if jax.config.jax_enable_x64 else jnp.int32))
    W1 = jax.random.normal(ks[3], (D, H), dtype=jnp.float32) * 0.05
    b1 = jnp.zeros((H,), dtype=jnp.float32)
    W2 = jax.random.normal(ks[4], (H, H), dtype=jnp.float32) * 0.05
    b2 = jnp.zeros((H,), dtype=jnp.float32)
    W3 = jax.random.normal(ks[5], (H, H), dtype=jnp.float32) * 0.05
    b3 = jnp.zeros((H,), dtype=jnp.float32)
    Wl = jax.random.normal(ks[6], (H, C), dtype=jnp.float32) * 0.05
    bl = jnp.zeros((C,), dtype=jnp.float32)
    return {"x": x, "edge_index": edge_index, "batch": batch,
            "W1": W1, "b1": b1, "W2": W2, "b2": b2, "W3": W3, "b3": b3,
            "Wl": Wl, "bl": bl}


def reference(x, edge_index, batch, W1, b1, W2, b2, W3, b3, Wl, bl):
    src = edge_index[0]
    dst = edge_index[1]
    h = gcn_conv(x, src, dst, W1, b1, N)
    h = jax.nn.leaky_relu(h, negative_slope=0.01)
    h = gcn_conv(h, src, dst, W2, b2, N)
    h = jax.nn.leaky_relu(h, negative_slope=0.01)
    h = gcn_conv(h, src, dst, W3, b3, N)
    # global_mean_pool
    summ = jax.ops.segment_sum(h, batch, num_segments=G)
    cnt = jax.ops.segment_sum(jnp.ones((N,), dtype=h.dtype), batch, num_segments=G)
    pooled = summ / jnp.maximum(cnt, 1.0)[:, None]
    # dropout is identity in eval / deterministic reference
    logits = pooled @ Wl + bl
    return jax.nn.softmax(logits, axis=1)

if __name__ == "__main__":
    import jax
    _d = setup_inputs()
    print(jax.jit(kernel)(*tuple(_d.values())))

</pallas_src>

<mosaic_0001>
#map = affine_map<(d0, d1) -> (0, 0, 0)>
#map1 = affine_map<(d0, d1) -> (0, 0)>
module attributes {stable_mosaic.version = 14 : i64} {
  func.func @_count_kernel(%arg0: i32, %arg1: i32, %arg2: memref<16x80x128xi32, #tpu.memory_space<hbm>>, %arg3: memref<10240x128xf32, #tpu.memory_space<hbm>>, %arg4: memref<128x128xf32, #tpu.memory_space<hbm>>, %arg5: memref<2x10240x128xf32, #tpu.memory_space<hbm>>, %arg6: memref<40x128xi32, #tpu.memory_space<vmem>>, %arg7: memref<128x128xf32, #tpu.memory_space<vmem>>, %arg8: memref<10240x128xf32, #tpu.memory_space<vmem_shared>>, %arg9: memref<!tpu.dma_semaphore, #tpu.memory_space<semaphore_mem>>) attributes {dimension_semantics = [#tpu.dimension_semantics<core_parallel>, #tpu.dimension_semantics<subcore_parallel>], iteration_bounds = array<i64: 2, 16>, scalar_prefetch = 0 : i64, scratch_operands = 4 : i64, tpu.core_type = #tpu.core_type<sc_vector_subcore>, window_params = [{transform_indices = #map}, {transform_indices = #map1}, {transform_indices = #map1}, {transform_indices = #map}]} {
    "tpu.region"() ({
      %run_scoped3A = tpu.sem_alloc : memref<!tpu.dma_semaphore, #tpu.memory_space<semaphore_mem>>
      tpu.enqueue_dma source(%arg4 : memref<128x128xf32, #tpu.memory_space<hbm>>) target(%arg7 : memref<128x128xf32, #tpu.memory_space<vmem>>) target_semaphore(%run_scoped3A : memref<!tpu.dma_semaphore, #tpu.memory_space<semaphore_mem>>)
      tpu.wait_dma2 semaphore(%run_scoped3A : memref<!tpu.dma_semaphore, #tpu.memory_space<semaphore_mem>>) src(%arg4 : memref<128x128xf32, #tpu.memory_space<hbm>>) dst(%arg7 : memref<128x128xf32, #tpu.memory_space<vmem>>)
      tpu.yield
    }) : () -> ()
    %eq3A = arith.constant 0 : i32
    %eq3A_0 = arith.cmpi eq, %arg1, %eq3A : i32
    %convert_element_type3A = arith.extui %eq3A_0 : i1 to i32
    %cond3A = arith.constant 0 : i32
    %cond3A_1 = arith.cmpi ne, %convert_element_type3A, %cond3A : i32
    scf.if %cond3A_1 {
      "tpu.region"() ({
        %run_scoped3A = tpu.sem_alloc : memref<!tpu.dma_semaphore, #tpu.memory_space<semaphore_mem>>
        %dma_start3A = arith.constant 0 : i32
        %dma_start3A_30 = arith.constant 0 : i32
        %dma_start3A_31 = tpu.memref_slice %arg8[%dma_start3A, %dma_start3A_30] : memref<10240x128xf32, #tpu.memory_space<vmem_shared>> -> memref<5120x128xf32, #tpu.memory_space<vmem_shared>>
        %dma_start3A_32 = arith.constant 0 : i32
        %dma_start3A_33 = arith.constant 0 : i32
        %dma_start3A_34 = tpu.memref_slice %arg3[%dma_start3A_32, %dma_start3A_33] : memref<10240x128xf32, #tpu.memory_space<hbm>> -> memref<5120x128xf32, #tpu.memory_space<hbm>>
        tpu.enqueue_dma source(%dma_start3A_34 : memref<5120x128xf32, #tpu.memory_space<hbm>>) target(%dma_start3A_31 : memref<5120x128xf32, #tpu.memory_space<vmem_shared>>) target_semaphore(%run_scoped3A : memref<!tpu.dma_semaphore, #tpu.memory_space<semaphore_mem>>)
        %dma_wait3A = arith.constant 0 : i32
        %dma_wait3A_35 = arith.constant 0 : i32
        %dma_wait3A_36 = tpu.memref_slice %arg8[%dma_wait3A, %dma_wait3A_35] : memref<10240x128xf32, #tpu.memory_space<vmem_shared>> -> memref<5120x128xf32, #tpu.memory_space<vmem_shared>>
        %dma_wait3A_37 = arith.constant 0 : i32
        %dma_wait3A_38 = arith.constant 0 : i32
        %dma_wait3A_39 = tpu.memref_slice %arg3[%dma_wait3A_37, %dma_wait3A_38] : memref<10240x128xf32, #tpu.memory_space<hbm>> -> memref<5120x128xf32, #tpu.memory_space<hbm>>
        tpu.wait_dma2 semaphore(%run_scoped3A : memref<!tpu.dma_semaphore, #tpu.memory_space<semaphore_mem>>) src(%dma_wait3A_39 : memref<5120x128xf32, #tpu.memory_space<hbm>>) dst(%dma_wait3A_36 : memref<5120x128xf32, #tpu.memory_space<vmem_shared>>)
        tpu.yield
      }) : () -> ()
    } else {
    }
    %eq3A_2 = arith.constant 1 : i32
    %eq3A_3 = arith.cmpi eq, %arg1, %eq3A_2 : i32
    %convert_element_type3A_4 = arith.extui %eq3A_3 : i1 to i32
    %cond3A_5 = arith.constant 0 : i32
    %cond3A_6 = arith.cmpi ne, %convert_element_type3A_4, %cond3A_5 : i32
    scf.if %cond3A_6 {
      "tpu.region"() ({
        %run_scoped3A = tpu.sem_alloc : memref<!tpu.dma_semaphore, #tpu.memory_space<semaphore_mem>>
        %dma_start3A = arith.constant 5120 : i32
        %dma_start3A_30 = arith.constant 0 : i32
        %dma_start3A_31 = tpu.memref_slice %arg8[%dma_start3A, %dma_start3A_30] : memref<10240x128xf32, #tpu.memory_space<vmem_shared>> -> memref<5120x128xf32, #tpu.memory_space<vmem_shared>>
        %dma_start3A_32 = arith.constant 5120 : i32
        %dma_start3A_33 = arith.constant 0 : i32
        %dma_start3A_34 = tpu.memref_slice %arg3[%dma_start3A_32, %dma_start3A_33] : memref<10240x128xf32, #tpu.memory_space<hbm>> -> memref<5120x128xf32, #tpu.memory_space<hbm>>
        tpu.enqueue_dma source(%dma_start3A_34 : memref<5120x128xf32, #tpu.memory_space<hbm>>) target(%dma_start3A_31 : memref<5120x128xf32, #tpu.memory_space<vmem_shared>>) target_semaphore(%run_scoped3A : memref<!tpu.dma_semaphore, #tpu.memory_space<semaphore_mem>>)
        %dma_wait3A = arith.constant 5120 : i32
        %dma_wait3A_35 = arith.constant 0 : i32
        %dma_wait3A_36 = tpu.memref_slice %arg8[%dma_wait3A, %dma_wait3A_35] : memref<10240x128xf32, #tpu.memory_space<vmem_shared>> -> memref<5120x128xf32, #tpu.memory_space<vmem_shared>>
        %dma_wait3A_37 = arith.constant 5120 : i32
        %dma_wait3A_38 = arith.constant 0 : i32
        %dma_wait3A_39 = tpu.memref_slice %arg3[%dma_wait3A_37, %dma_wait3A_38] : memref<10240x128xf32, #tpu.memory_space<hbm>> -> memref<5120x128xf32, #tpu.memory_space<hbm>>
        tpu.wait_dma2 semaphore(%run_scoped3A : memref<!tpu.dma_semaphore, #tpu.memory_space<semaphore_mem>>) src(%dma_wait3A_39 : memref<5120x128xf32, #tpu.memory_space<hbm>>) dst(%dma_wait3A_36 : memref<5120x128xf32, #tpu.memory_space<vmem_shared>>)
        tpu.yield
      }) : () -> ()
    } else {
    }
    %barrier3A = arith.constant 0 : index
    tpu.barrier barrier_id(%barrier3A)
    %mul3A = arith.constant 40 : i32
    %mul3A_7 = arith.muli %arg0, %mul3A : i32
    "tpu.region"() ({
      %run_scoped3A = tpu.sem_alloc : memref<!tpu.dma_semaphore, #tpu.memory_space<semaphore_mem>>
      %dma_start3A = arith.constant 0 : i32
      %dma_start3A_30 = tpu.memref_slice %arg2[%arg1, %mul3A_7, %dma_start3A] : memref<16x80x128xi32, #tpu.memory_space<hbm>> -> memref<1x40x128xi32, #tpu.memory_space<hbm>>
      %dma_start3A_31 = tpu.memref_squeeze %dma_start3A_30 : memref<1x40x128xi32, #tpu.memory_space<hbm>> -> memref<40x128xi32, #tpu.memory_space<hbm>>
      %dma_start3A_32 = arith.constant 0 : i32
      %dma_start3A_33 = tpu.memref_slice %arg2[%arg1, %mul3A_7, %dma_start3A_32] : memref<16x80x128xi32, #tpu.memory_space<hbm>> -> memref<1x40x128xi32, #tpu.memory_space<hbm>>
      %dma_start3A_34 = tpu.memref_squeeze %dma_start3A_33 : memref<1x40x128xi32, #tpu.memory_space<hbm>> -> memref<40x128xi32, #tpu.memory_space<hbm>>
      tpu.enqueue_dma source(%dma_start3A_34 : memref<40x128xi32, #tpu.memory_space<hbm>>) target(%arg6 : memref<40x128xi32, #tpu.memory_space<vmem>>) target_semaphore(%run_scoped3A : memref<!tpu.dma_semaphore, #tpu.memory_space<semaphore_mem>>)
      %dma_wait3A = arith.constant 0 : i32
      %dma_wait3A_35 = tpu.memref_slice %arg2[%arg1, %mul3A_7, %dma_wait3A] : memref<16x80x128xi32, #tpu.memory_space<hbm>> -> memref<1x40x128xi32, #tpu.memory_space<hbm>>
      %dma_wait3A_36 = tpu.memref_squeeze %dma_wait3A_35 : memref<1x40x128xi32, #tpu.memory_space<hbm>> -> memref<40x128xi32, #tpu.memory_space<hbm>>
      %dma_wait3A_37 = arith.constant 0 : i32
      %dma_wait3A_38 = tpu.memref_slice %arg2[%arg1, %mul3A_7, %dma_wait3A_37] : memref<16x80x128xi32, #tpu.memory_space<hbm>> -> memref<1x40x128xi32, #tpu.memory_space<hbm>>
      %dma_wait3A_39 = tpu.memref_squeeze %dma_wait3A_38 : memref<1x40x128xi32, #tpu.memory_space<hbm>> -> memref<40x128xi32, #tpu.memory_space<hbm>>
      tpu.wait_dma2 semaphore(%run_scoped3A : memref<!tpu.dma_semaphore, #tpu.memory_space<semaphore_mem>>) src(%dma_wait3A_39 : memref<40x128xi32, #tpu.memory_space<hbm>>) dst(%arg6 : memref<40x128xi32, #tpu.memory_space<vmem>>)
      tpu.yield
    }) : () -> ()
    %scan3A = arith.constant 0 : i32
    %scan3A_8 = arith.constant 0 : i32
    %scan3A_9 = arith.constant 40 : i32
    %scan3A_10 = arith.addi %scan3A_8, %scan3A_9 : i32
    %scan3A_11 = arith.constant 1 : i32
    scf.for %scan3A_30 = %scan3A_8 to %scan3A_10 step %scan3A_11  : i32 {
      %dma_start3A = arith.constant 0 : i32
      %dma_start3A_31 = tpu.memref_slice %arg6[%scan3A_30, %dma_start3A] : memref<40x128xi32, #tpu.memory_space<vmem>> -> memref<1x128xi32, #tpu.memory_space<vmem>>
      %dma_start3A_32 = tpu.memref_squeeze %dma_start3A_31 : memref<1x128xi32, #tpu.memory_space<vmem>> -> memref<128xi32, #tpu.memory_space<vmem>>
      %dma_start3A_33 = arith.constant 0 : i32
      %dma_start3A_34 = arith.constant 0 : i32
      %dma_start3A_35 = tpu.memref_slice %arg8[%dma_start3A_33, %dma_start3A_34] : memref<10240x128xf32, #tpu.memory_space<vmem_shared>> -> memref<10240x128xf32, #tpu.memory_space<vmem_shared>>
      tpu.enqueue_indirect_dma source(%arg7 : memref<128x128xf32, #tpu.memory_space<vmem>>) target(%dma_start3A_35 : memref<10240x128xf32, #tpu.memory_space<vmem_shared>>) offsets(%dma_start3A_32 : memref<128xi32, #tpu.memory_space<vmem>>) semaphore(%arg9 : memref<!tpu.dma_semaphore, #tpu.memory_space<semaphore_mem>>) {add = true}
    }
    %scan3A_12 = arith.constant 40 : i32
    %scan3A_13 = arith.constant 0 : i32
    %scan3A_14 = arith.constant 0 : i32
    %scan3A_15 = arith.constant 40 : i32
    %scan3A_16 = arith.addi %scan3A_14, %scan3A_15 : i32
    %scan3A_17 = arith.constant 1 : i32
    scf.for %scan3A_30 = %scan3A_14 to %scan3A_16 step %scan3A_17  : i32 {
      %dma_wait3A = arith.constant 0 : i32
      %dma_wait3A_31 = tpu.memref_slice %arg6[%scan3A_30, %dma_wait3A] : memref<40x128xi32, #tpu.memory_space<vmem>> -> memref<1x128xi32, #tpu.memory_space<vmem>>
      %dma_wait3A_32 = tpu.memref_squeeze %dma_wait3A_31 : memref<1x128xi32, #tpu.memory_space<vmem>> -> memref<128xi32, #tpu.memory_space<vmem>>
      %dma_wait3A_33 = arith.constant 0 : i32
      %dma_wait3A_34 = arith.constant 0 : i32
      %dma_wait3A_35 = tpu.memref_slice %arg8[%dma_wait3A_33, %dma_wait3A_34] : memref<10240x128xf32, #tpu.memory_space<vmem_shared>> -> memref<10240x128xf32, #tpu.memory_space<vmem_shared>>
      tpu.wait_indirect_dma semaphore(%arg9 : memref<!tpu.dma_semaphore, #tpu.memory_space<semaphore_mem>>) src(%arg7 : memref<128x128xf32, #tpu.memory_space<vmem>>) dst(%dma_wait3A_35 : memref<10240x128xf32, #tpu.memory_space<vmem_shared>>)
    }
    %scan3A_18 = arith.constant 40 : i32
    %barrier3A_19 = arith.constant 0 : index
    tpu.barrier barrier_id(%barrier3A_19)
    %eq3A_20 = arith.constant 0 : i32
    %eq3A_21 = arith.cmpi eq, %arg1, %eq3A_20 : i32
    %convert_element_type3A_22 = arith.extui %eq3A_21 : i1 to i32
    %cond3A_23 = arith.constant 0 : i32
    %cond3A_24 = arith.cmpi ne, %convert_element_type3A_22, %cond3A_23 : i32
    scf.if %cond3A_24 {
      "tpu.region"() ({
        %run_scoped3A = tpu.sem_alloc : memref<!tpu.dma_semaphore, #tpu.memory_space<semaphore_mem>>
        %dma_start3A = arith.constant 0 : i32
        %dma_start3A_30 = arith.constant 0 : i32
        %dma_start3A_31 = tpu.memref_slice %arg5[%arg0, %dma_start3A, %dma_start3A_30] : memref<2x10240x128xf32, #tpu.memory_space<hbm>> -> memref<1x5120x128xf32, #tpu.memory_space<hbm>>
        %dma_start3A_32 = tpu.memref_squeeze %dma_start3A_31 : memref<1x5120x128xf32, #tpu.memory_space<hbm>> -> memref<5120x128xf32, #tpu.memory_space<hbm>>
        %dma_start3A_33 = arith.constant 0 : i32
        %dma_start3A_34 = arith.constant 0 : i32
        %dma_start3A_35 = tpu.memref_slice %arg8[%dma_start3A_33, %dma_start3A_34] : memref<10240x128xf32, #tpu.memory_space<vmem_shared>> -> memref<5120x128xf32, #tpu.memory_space<vmem_shared>>
        tpu.enqueue_dma source(%dma_start3A_35 : memref<5120x128xf32, #tpu.memory_space<vmem_shared>>) target(%dma_start3A_32 : memref<5120x128xf32, #tpu.memory_space<hbm>>) target_semaphore(%run_scoped3A : memref<!tpu.dma_semaphore, #tpu.memory_space<semaphore_mem>>)
        %dma_wait3A = arith.constant 0 : i32
        %dma_wait3A_36 = arith.constant 0 : i32
        %dma_wait3A_37 = tpu.memref_slice %arg5[%arg0, %dma_wait3A, %dma_wait3A_36] : memref<2x10240x128xf32, #tpu.memory_space<hbm>> -> memref<1x5120x128xf32, #tpu.memory_space<hbm>>
        %dma_wait3A_38 = tpu.memref_squeeze %dma_wait3A_37 : memref<1x5120x128xf32, #tpu.memory_space<hbm>> -> memref<5120x128xf32, #tpu.memory_space<hbm>>
        %dma_wait3A_39 = arith.constant 0 : i32
        %dma_wait3A_40 = arith.constant 0 : i32
        %dma_wait3A_41 = tpu.memref_slice %arg8[%dma_wait3A_39, %dma_wait3A_40] : memref<10240x128xf32, #tpu.memory_space<vmem_shared>> -> memref<5120x128xf32, #tpu.memory_space<vmem_shared>>
        tpu.wait_dma2 semaphore(%run_scoped3A : memref<!tpu.dma_semaphore, #tpu.memory_space<semaphore_mem>>) src(%dma_wait3A_41 : memref<5120x128xf32, #tpu.memory_space<vmem_shared>>) dst(%dma_wait3A_38 : memref<5120x128xf32, #tpu.memory_space<hbm>>)
        tpu.yield
      }) : () -> ()
    } else {
    }
    %eq3A_25 = arith.constant 1 : i32
    %eq3A_26 = arith.cmpi eq, %arg1, %eq3A_25 : i32
    %convert_element_type3A_27 = arith.extui %eq3A_26 : i1 to i32
    %cond3A_28 = arith.constant 0 : i32
    %cond3A_29 = arith.cmpi ne, %convert_element_type3A_27, %cond3A_28 : i32
    scf.if %cond3A_29 {
      "tpu.region"() ({
        %run_scoped3A = tpu.sem_alloc : memref<!tpu.dma_semaphore, #tpu.memory_space<semaphore_mem>>
        %dma_start3A = arith.constant 5120 : i32
        %dma_start3A_30 = arith.constant 0 : i32
        %dma_start3A_31 = tpu.memref_slice %arg5[%arg0, %dma_start3A, %dma_start3A_30] : memref<2x10240x128xf32, #tpu.memory_space<hbm>> -> memref<1x5120x128xf32, #tpu.memory_space<hbm>>
        %dma_start3A_32 = tpu.memref_squeeze %dma_start3A_31 : memref<1x5120x128xf32, #tpu.memory_space<hbm>> -> memref<5120x128xf32, #tpu.memory_space<hbm>>
        %dma_start3A_33 = arith.constant 5120 : i32
        %dma_start3A_34 = arith.constant 0 : i32
        %dma_start3A_35 = tpu.memref_slice %arg8[%dma_start3A_33, %dma_start3A_34] : memref<10240x128xf32, #tpu.memory_space<vmem_shared>> -> memref<5120x128xf32, #tpu.memory_space<vmem_shared>>
        tpu.enqueue_dma source(%dma_start3A_35 : memref<5120x128xf32, #tpu.memory_space<vmem_shared>>) target(%dma_start3A_32 : memref<5120x128xf32, #tpu.memory_space<hbm>>) target_semaphore(%run_scoped3A : memref<!tpu.dma_semaphore, #tpu.memory_space<semaphore_mem>>)
        %dma_wait3A = arith.constant 5120 : i32
        %dma_wait3A_36 = arith.constant 0 : i32
        %dma_wait3A_37 = tpu.memref_slice %arg5[%arg0, %dma_wait3A, %dma_wait3A_36] : memref<2x10240x128xf32, #tpu.memory_space<hbm>> -> memref<1x5120x128xf32, #tpu.memory_space<hbm>>
        %dma_wait3A_38 = tpu.memref_squeeze %dma_wait3A_37 : memref<1x5120x128xf32, #tpu.memory_space<hbm>> -> memref<5120x128xf32, #tpu.memory_space<hbm>>
        %dma_wait3A_39 = arith.constant 5120 : i32
        %dma_wait3A_40 = arith.constant 0 : i32
        %dma_wait3A_41 = tpu.memref_slice %arg8[%dma_wait3A_39, %dma_wait3A_40] : memref<10240x128xf32, #tpu.memory_space<vmem_shared>> -> memref<5120x128xf32, #tpu.memory_space<vmem_shared>>
        tpu.wait_dma2 semaphore(%run_scoped3A : memref<!tpu.dma_semaphore, #tpu.memory_space<semaphore_mem>>) src(%dma_wait3A_41 : memref<5120x128xf32, #tpu.memory_space<vmem_shared>>) dst(%dma_wait3A_38 : memref<5120x128xf32, #tpu.memory_space<hbm>>)
        tpu.yield
      }) : () -> ()
    } else {
    }
    return
  }
}

#map = affine_map<(d0, d1) -> (0, 0)>
#map1 = affine_map<(d0, d1) -> (0, 0, 0, 0)>
#map2 = affine_map<(d0, d1) -> (0, 0, 0)>
module attributes {stable_mosaic.version = 14 : i64} {
  func.func @_prop_kernel(%arg0: i32, %arg1: i32, %arg2: memref<20480x128xf32, #tpu.memory_space<hbm>>, %arg3: memref<2x16x80x128xi32, #tpu.memory_space<hbm>>, %arg4: memref<16x80x128xi32, #tpu.memory_space<hbm>>, %arg5: memref<10240x128xf32, #tpu.memory_space<hbm>>, %arg6: memref<2x10240x128xf32, #tpu.memory_space<hbm>>, %arg7: memref<40x128xi32, #tpu.memory_space<vmem>>, %arg8: memref<40x128xi32, #tpu.memory_space<vmem>>, %arg9: memref<128x128xf32, #tpu.memory_space<vmem>>, %arg10: memref<128x128xf32, #tpu.memory_space<vmem>>, %arg11: memref<10240x128xf32, #tpu.memory_space<vmem_shared>>, %arg12: memref<!tpu.dma_semaphore, #tpu.memory_space<semaphore_mem>>, %arg13: memref<!tpu.dma_semaphore, #tpu.memory_space<semaphore_mem>>) attributes {dimension_semantics = [#tpu.dimension_semantics<core_parallel>, #tpu.dimension_semantics<subcore_parallel>], iteration_bounds = array<i64: 2, 16>, scalar_prefetch = 0 : i64, scratch_operands = 7 : i64, tpu.core_type = #tpu.core_type<sc_vector_subcore>, window_params = [{transform_indices = #map}, {transform_indices = #map1}, {transform_indices = #map2}, {transform_indices = #map}, {transform_indices = #map2}]} {
    %eq3A = arith.constant 0 : i32
    %eq3A_0 = arith.cmpi eq, %arg1, %eq3A : i32
    %convert_element_type3A = arith.extui %eq3A_0 : i1 to i32
    %cond3A = arith.constant 0 : i32
    %cond3A_1 = arith.cmpi ne, %convert_element_type3A, %cond3A : i32
    scf.if %cond3A_1 {
      "tpu.region"() ({
        %run_scoped3A = tpu.sem_alloc : memref<!tpu.dma_semaphore, #tpu.memory_space<semaphore_mem>>
        %dma_start3A_42 = arith.constant 0 : i32
        %dma_start3A_43 = arith.constant 0 : i32
        %dma_start3A_44 = tpu.memref_slice %arg11[%dma_start3A_42, %dma_start3A_43] : memref<10240x128xf32, #tpu.memory_space<vmem_shared>> -> memref<5120x128xf32, #tpu.memory_space<vmem_shared>>
        %dma_start3A_45 = arith.constant 0 : i32
        %dma_start3A_46 = arith.constant 0 : i32
        %dma_start3A_47 = tpu.memref_slice %arg5[%dma_start3A_45, %dma_start3A_46] : memref<10240x128xf32, #tpu.memory_space<hbm>> -> memref<5120x128xf32, #tpu.memory_space<hbm>>
        tpu.enqueue_dma source(%dma_start3A_47 : memref<5120x128xf32, #tpu.memory_space<hbm>>) target(%dma_start3A_44 : memref<5120x128xf32, #tpu.memory_space<vmem_shared>>) target_semaphore(%run_scoped3A : memref<!tpu.dma_semaphore, #tpu.memory_space<semaphore_mem>>)
        %dma_wait3A = arith.constant 0 : i32
        %dma_wait3A_48 = arith.constant 0 : i32
        %dma_wait3A_49 = tpu.memref_slice %arg11[%dma_wait3A, %dma_wait3A_48] : memref<10240x128xf32, #tpu.memory_space<vmem_shared>> -> memref<5120x128xf32, #tpu.memory_space<vmem_shared>>
        %dma_wait3A_50 = arith.constant 0 : i32
        %dma_wait3A_51 = arith.constant 0 : i32
        %dma_wait3A_52 = tpu.memref_slice %arg5[%dma_wait3A_50, %dma_wait3A_51] : memref<10240x128xf32, #tpu.memory_space<hbm>> -> memref<5120x128xf32, #tpu.memory_space<hbm>>
        tpu.wait_dma2 semaphore(%run_scoped3A : memref<!tpu.dma_semaphore, #tpu.memory_space<semaphore_mem>>) src(%dma_wait3A_52 : memref<5120x128xf32, #tpu.memory_space<hbm>>) dst(%dma_wait3A_49 : memref<5120x128xf32, #tpu.memory_space<vmem_shared>>)
        tpu.yield
      }) : () -> ()
    } else {
    }
    %eq3A_2 = arith.constant 1 : i32
    %eq3A_3 = arith.cmpi eq, %arg1, %eq3A_2 : i32
    %convert_element_type3A_4 = arith.extui %eq3A_3 : i1 to i32
    %cond3A_5 = arith.constant 0 : i32
    %cond3A_6 = arith.cmpi ne, %convert_element_type3A_4, %cond3A_5 : i32
    scf.if %cond3A_6 {
      "tpu.region"() ({
        %run_scoped3A = tpu.sem_alloc : memref<!tpu.dma_semaphore, #tpu.memory_space<semaphore_mem>>
        %dma_start3A_42 = arith.constant 5120 : i32
        %dma_start3A_43 = arith.constant 0 : i32
        %dma_start3A_44 = tpu.memref_slice %arg11[%dma_start3A_42, %dma_start3A_43] : memref<10240x128xf32, #tpu.memory_space<vmem_shared>> -> memref<5120x128xf32, #tpu.memory_space<vmem_shared>>
        %dma_start3A_45 = arith.constant 5120 : i32
        %dma_start3A_46 = arith.constant 0 : i32
        %dma_start3A_47 = tpu.memref_slice %arg5[%dma_start3A_45, %dma_start3A_46] : memref<10240x128xf32, #tpu.memory_space<hbm>> -> memref<5120x128xf32, #tpu.memory_space<hbm>>
        tpu.enqueue_dma source(%dma_start3A_47 : memref<5120x128xf32, #tpu.memory_space<hbm>>) target(%dma_start3A_44 : memref<5120x128xf32, #tpu.memory_space<vmem_shared>>) target_semaphore(%run_scoped3A : memref<!tpu.dma_semaphore, #tpu.memory_space<semaphore_mem>>)
        %dma_wait3A = arith.constant 5120 : i32
        %dma_wait3A_48 = arith.constant 0 : i32
        %dma_wait3A_49 = tpu.memref_slice %arg11[%dma_wait3A, %dma_wait3A_48] : memref<10240x128xf32, #tpu.memory_space<vmem_shared>> -> memref<5120x128xf32, #tpu.memory_space<vmem_shared>>
        %dma_wait3A_50 = arith.constant 5120 : i32
        %dma_wait3A_51 = arith.constant 0 : i32
        %dma_wait3A_52 = tpu.memref_slice %arg5[%dma_wait3A_50, %dma_wait3A_51] : memref<10240x128xf32, #tpu.memory_space<hbm>> -> memref<5120x128xf32, #tpu.memory_space<hbm>>
        tpu.wait_dma2 semaphore(%run_scoped3A : memref<!tpu.dma_semaphore, #tpu.memory_space<semaphore_mem>>) src(%dma_wait3A_52 : memref<5120x128xf32, #tpu.memory_space<hbm>>) dst(%dma_wait3A_49 : memref<5120x128xf32, #tpu.memory_space<vmem_shared>>)
        tpu.yield
      }) : () -> ()
    } else {
    }
    %barrier3A = arith.constant 0 : index
    tpu.barrier barrier_id(%barrier3A)
    "tpu.region"() ({
      %run_scoped3A = tpu.sem_alloc : memref<!tpu.dma_semaphore, #tpu.memory_space<semaphore_mem>>
      %dma_start3A_42 = arith.constant 0 : i32
      %dma_start3A_43 = arith.constant 0 : i32
      %dma_start3A_44 = tpu.memref_slice %arg3[%arg0, %arg1, %dma_start3A_42, %dma_start3A_43] : memref<2x16x80x128xi32, #tpu.memory_space<hbm>> -> memref<1x1x40x128xi32, #tpu.memory_space<hbm>>
      %dma_start3A_45 = tpu.memref_squeeze %dma_start3A_44 : memref<1x1x40x128xi32, #tpu.memory_space<hbm>> -> memref<40x128xi32, #tpu.memory_space<hbm>>
      %dma_start3A_46 = arith.constant 0 : i32
      %dma_start3A_47 = arith.constant 0 : i32
      %dma_start3A_48 = tpu.memref_slice %arg3[%arg0, %arg1, %dma_start3A_46, %dma_start3A_47] : memref<2x16x80x128xi32, #tpu.memory_space<hbm>> -> memref<1x1x40x128xi32, #tpu.memory_space<hbm>>
      %dma_start3A_49 = tpu.memref_squeeze %dma_start3A_48 : memref<1x1x40x128xi32, #tpu.memory_space<hbm>> -> memref<40x128xi32, #tpu.memory_space<hbm>>
      tpu.enqueue_dma source(%dma_start3A_49 : memref<40x128xi32, #tpu.memory_space<hbm>>) target(%arg7 : memref<40x128xi32, #tpu.memory_space<vmem>>) target_semaphore(%run_scoped3A : memref<!tpu.dma_semaphore, #tpu.memory_space<semaphore_mem>>)
      %dma_wait3A = arith.constant 0 : i32
      %dma_wait3A_50 = arith.constant 0 : i32
      %dma_wait3A_51 = tpu.memref_slice %arg3[%arg0, %arg1, %dma_wait3A, %dma_wait3A_50] : memref<2x16x80x128xi32, #tpu.memory_space<hbm>> -> memref<1x1x40x128xi32, #tpu.memory_space<hbm>>
      %dma_wait3A_52 = tpu.memref_squeeze %dma_wait3A_51 : memref<1x1x40x128xi32, #tpu.memory_space<hbm>> -> memref<40x128xi32, #tpu.memory_space<hbm>>
      %dma_wait3A_53 = arith.constant 0 : i32
      %dma_wait3A_54 = arith.constant 0 : i32
      %dma_wait3A_55 = tpu.memref_slice %arg3[%arg0, %arg1, %dma_wait3A_53, %dma_wait3A_54] : memref<2x16x80x128xi32, #tpu.memory_space<hbm>> -> memref<1x1x40x128xi32, #tpu.memory_space<hbm>>
      %dma_wait3A_56 = tpu.memref_squeeze %dma_wait3A_55 : memref<1x1x40x128xi32, #tpu.memory_space<hbm>> -> memref<40x128xi32, #tpu.memory_space<hbm>>
      tpu.wait_dma2 semaphore(%run_scoped3A : memref<!tpu.dma_semaphore, #tpu.memory_space<semaphore_mem>>) src(%dma_wait3A_56 : memref<40x128xi32, #tpu.memory_space<hbm>>) dst(%arg7 : memref<40x128xi32, #tpu.memory_space<vmem>>)
      tpu.yield
    }) : () -> ()
    "tpu.region"() ({
      %run_scoped3A = tpu.sem_alloc : memref<!tpu.dma_semaphore, #tpu.memory_space<semaphore_mem>>
      %dma_start3A_42 = arith.constant 0 : i32
      %dma_start3A_43 = arith.constant 0 : i32
      %dma_start3A_44 = tpu.memref_slice %arg4[%arg1, %dma_start3A_42, %dma_start3A_43] : memref<16x80x128xi32, #tpu.memory_space<hbm>> -> memref<1x40x128xi32, #tpu.memory_space<hbm>>
      %dma_start3A_45 = tpu.memref_squeeze %dma_start3A_44 : memref<1x40x128xi32, #tpu.memory_space<hbm>> -> memref<40x128xi32, #tpu.memory_space<hbm>>
      %dma_start3A_46 = arith.constant 0 : i32
      %dma_start3A_47 = arith.constant 0 : i32
      %dma_start3A_48 = tpu.memref_slice %arg4[%arg1, %dma_start3A_46, %dma_start3A_47] : memref<16x80x128xi32, #tpu.memory_space<hbm>> -> memref<1x40x128xi32, #tpu.memory_space<hbm>>
      %dma_start3A_49 = tpu.memref_squeeze %dma_start3A_48 : memref<1x40x128xi32, #tpu.memory_space<hbm>> -> memref<40x128xi32, #tpu.memory_space<hbm>>
      tpu.enqueue_dma source(%dma_start3A_49 : memref<40x128xi32, #tpu.memory_space<hbm>>) target(%arg8 : memref<40x128xi32, #tpu.memory_space<vmem>>) target_semaphore(%run_scoped3A : memref<!tpu.dma_semaphore, #tpu.memory_space<semaphore_mem>>)
      %dma_wait3A = arith.constant 0 : i32
      %dma_wait3A_50 = arith.constant 0 : i32
      %dma_wait3A_51 = tpu.memref_slice %arg4[%arg1, %dma_wait3A, %dma_wait3A_50] : memref<16x80x128xi32, #tpu.memory_space<hbm>> -> memref<1x40x128xi32, #tpu.memory_space<hbm>>
      %dma_wait3A_52 = tpu.memref_squeeze %dma_wait3A_51 : memref<1x40x128xi32, #tpu.memory_space<hbm>> -> memref<40x128xi32, #tpu.memory_space<hbm>>
      %dma_wait3A_53 = arith.constant 0 : i32
      %dma_wait3A_54 = arith.constant 0 : i32
      %dma_wait3A_55 = tpu.memref_slice %arg4[%arg1, %dma_wait3A_53, %dma_wait3A_54] : memref<16x80x128xi32, #tpu.memory_space<hbm>> -> memref<1x40x128xi32, #tpu.memory_space<hbm>>
      %dma_wait3A_56 = tpu.memref_squeeze %dma_wait3A_55 : memref<1x40x128xi32, #tpu.memory_space<hbm>> -> memref<40x128xi32, #tpu.memory_space<hbm>>
      tpu.wait_dma2 semaphore(%run_scoped3A : memref<!tpu.dma_semaphore, #tpu.memory_space<semaphore_mem>>) src(%dma_wait3A_56 : memref<40x128xi32, #tpu.memory_space<hbm>>) dst(%arg8 : memref<40x128xi32, #tpu.memory_space<vmem>>)
      tpu.yield
    }) : () -> ()
    %dma_start3A = arith.constant 0 : i32
    %dma_start3A_7 = arith.constant 0 : i32
    %dma_start3A_8 = tpu.memref_slice %arg7[%dma_start3A, %dma_start3A_7] : memref<40x128xi32, #tpu.memory_space<vmem>> -> memref<1x128xi32, #tpu.memory_space<vmem>>
    %dma_start3A_9 = tpu.memref_squeeze %dma_start3A_8 : memref<1x128xi32, #tpu.memory_space<vmem>> -> memref<128xi32, #tpu.memory_space<vmem>>
    %dma_start3A_10 = arith.constant 0 : i32
    %dma_start3A_11 = arith.constant 0 : i32
    %dma_start3A_12 = tpu.memref_slice %arg2[%dma_start3A_10, %dma_start3A_11] : memref<20480x128xf32, #tpu.memory_space<hbm>> -> memref<20480x128xf32, #tpu.memory_space<hbm>>
    tpu.enqueue_indirect_dma source(%dma_start3A_12 : memref<20480x128xf32, #tpu.memory_space<hbm>>) target(%arg9 : memref<128x128xf32, #tpu.memory_space<vmem>>) offsets(%dma_start3A_9 : memref<128xi32, #tpu.memory_space<vmem>>) semaphore(%arg12 : memref<!tpu.dma_semaphore, #tpu.memory_space<semaphore_mem>>)
    %scan3A = arith.constant 0 : i32
    %scan3A_13 = arith.constant 0 : i32
    %scan3A_14 = arith.constant 20 : i32
    %scan3A_15 = arith.addi %scan3A_13, %scan3A_14 : i32
    %scan3A_16 = arith.constant 1 : i32
    scf.for %scan3A_42 = %scan3A_13 to %scan3A_15 step %scan3A_16  : i32 {
      %mul3A = arith.constant 2 : i32
      %mul3A_43 = arith.muli %mul3A, %scan3A_42 : i32
      %mul3A_44 = arith.constant 2 : i32
      %mul3A_45 = arith.muli %mul3A_44, %scan3A_42 : i32
      %add3A = arith.constant 1 : i32
      %add3A_46 = arith.addi %mul3A_45, %add3A : i32
      %dma_start3A_47 = arith.constant 0 : i32
      %dma_start3A_48 = tpu.memref_slice %arg7[%add3A_46, %dma_start3A_47] : memref<40x128xi32, #tpu.memory_space<vmem>> -> memref<1x128xi32, #tpu.memory_space<vmem>>
      %dma_start3A_49 = tpu.memref_squeeze %dma_start3A_48 : memref<1x128xi32, #tpu.memory_space<vmem>> -> memref<128xi32, #tpu.memory_space<vmem>>
      %dma_start3A_50 = arith.constant 0 : i32
      %dma_start3A_51 = arith.constant 0 : i32
      %dma_start3A_52 = tpu.memref_slice %arg2[%dma_start3A_50, %dma_start3A_51] : memref<20480x128xf32, #tpu.memory_space<hbm>> -> memref<20480x128xf32, #tpu.memory_space<hbm>>
      tpu.enqueue_indirect_dma source(%dma_start3A_52 : memref<20480x128xf32, #tpu.memory_space<hbm>>) target(%arg10 : memref<128x128xf32, #tpu.memory_space<vmem>>) offsets(%dma_start3A_49 : memref<128xi32, #tpu.memory_space<vmem>>) semaphore(%arg13 : memref<!tpu.dma_semaphore, #tpu.memory_space<semaphore_mem>>)
      %dma_wait3A = arith.constant 0 : i32
      %dma_wait3A_53 = tpu.memref_slice %arg7[%mul3A_43, %dma_wait3A] : memref<40x128xi32, #tpu.memory_space<vmem>> -> memref<1x128xi32, #tpu.memory_space<vmem>>
      %dma_wait3A_54 = tpu.memref_squeeze %dma_wait3A_53 : memref<1x128xi32, #tpu.memory_space<vmem>> -> memref<128xi32, #tpu.memory_space<vmem>>
      %dma_wait3A_55 = arith.constant 0 : i32
      %dma_wait3A_56 = arith.constant 0 : i32
      %dma_wait3A_57 = tpu.memref_slice %arg2[%dma_wait3A_55, %dma_wait3A_56] : memref<20480x128xf32, #tpu.memory_space<hbm>> -> memref<20480x128xf32, #tpu.memory_space<hbm>>
      tpu.wait_indirect_dma semaphore(%arg12 : memref<!tpu.dma_semaphore, #tpu.memory_space<semaphore_mem>>) src(%dma_wait3A_57 : memref<20480x128xf32, #tpu.memory_space<hbm>>) dst(%arg9 : memref<128x128xf32, #tpu.memory_space<vmem>>)
      "tpu.region"() ({
        %run_scoped3A = tpu.sem_alloc : memref<!tpu.dma_semaphore, #tpu.memory_space<semaphore_mem>>
        %dma_start3A_70 = arith.constant 0 : i32
        %dma_start3A_71 = tpu.memref_slice %arg8[%mul3A_43, %dma_start3A_70] : memref<40x128xi32, #tpu.memory_space<vmem>> -> memref<1x128xi32, #tpu.memory_space<vmem>>
        %dma_start3A_72 = tpu.memref_squeeze %dma_start3A_71 : memref<1x128xi32, #tpu.memory_space<vmem>> -> memref<128xi32, #tpu.memory_space<vmem>>
        %dma_start3A_73 = arith.constant 0 : i32
        %dma_start3A_74 = arith.constant 0 : i32
        %dma_start3A_75 = tpu.memref_slice %arg11[%dma_start3A_73, %dma_start3A_74] : memref<10240x128xf32, #tpu.memory_space<vmem_shared>> -> memref<10240x128xf32, #tpu.memory_space<vmem_shared>>
        tpu.enqueue_indirect_dma source(%arg9 : memref<128x128xf32, #tpu.memory_space<vmem>>) target(%dma_start3A_75 : memref<10240x128xf32, #tpu.memory_space<vmem_shared>>) offsets(%dma_start3A_72 : memref<128xi32, #tpu.memory_space<vmem>>) semaphore(%run_scoped3A : memref<!tpu.dma_semaphore, #tpu.memory_space<semaphore_mem>>) {add = true}
        %dma_wait3A_76 = arith.constant 0 : i32
        %dma_wait3A_77 = tpu.memref_slice %arg8[%mul3A_43, %dma_wait3A_76] : memref<40x128xi32, #tpu.memory_space<vmem>> -> memref<1x128xi32, #tpu.memory_space<vmem>>
        %dma_wait3A_78 = tpu.memref_squeeze %dma_wait3A_77 : memref<1x128xi32, #tpu.memory_space<vmem>> -> memref<128xi32, #tpu.memory_space<vmem>>
        %dma_wait3A_79 = arith.constant 0 : i32
        %dma_wait3A_80 = arith.constant 0 : i32
        %dma_wait3A_81 = tpu.memref_slice %arg11[%dma_wait3A_79, %dma_wait3A_80] : memref<10240x128xf32, #tpu.memory_space<vmem_shared>> -> memref<10240x128xf32, #tpu.memory_space<vmem_shared>>
        tpu.wait_indirect_dma semaphore(%run_scoped3A : memref<!tpu.dma_semaphore, #tpu.memory_space<semaphore_mem>>) src(%arg9 : memref<128x128xf32, #tpu.memory_space<vmem>>) dst(%dma_wait3A_81 : memref<10240x128xf32, #tpu.memory_space<vmem_shared>>)
        tpu.yield
      }) : () -> ()
      %add3A_58 = arith.constant 1 : i32
      %add3A_59 = arith.addi %add3A_46, %add3A_58 : i32
      %lt3A = arith.constant 40 : i32
      %lt3A_60 = arith.cmpi slt, %add3A_59, %lt3A : i32
      %convert_element_type3A_61 = arith.extui %lt3A_60 : i1 to i32
      %cond3A_62 = arith.constant 0 : i32
      %cond3A_63 = arith.cmpi ne, %convert_element_type3A_61, %cond3A_62 : i32
      scf.if %cond3A_63 {
        %add3A_70 = arith.constant 1 : i32
        %add3A_71 = arith.addi %add3A_46, %add3A_70 : i32
        %dma_start3A_72 = arith.constant 0 : i32
        %dma_start3A_73 = tpu.memref_slice %arg7[%add3A_71, %dma_start3A_72] : memref<40x128xi32, #tpu.memory_space<vmem>> -> memref<1x128xi32, #tpu.memory_space<vmem>>
        %dma_start3A_74 = tpu.memref_squeeze %dma_start3A_73 : memref<1x128xi32, #tpu.memory_space<vmem>> -> memref<128xi32, #tpu.memory_space<vmem>>
        %dma_start3A_75 = arith.constant 0 : i32
        %dma_start3A_76 = arith.constant 0 : i32
        %dma_start3A_77 = tpu.memref_slice %arg2[%dma_start3A_75, %dma_start3A_76] : memref<20480x128xf32, #tpu.memory_space<hbm>> -> memref<20480x128xf32, #tpu.memory_space<hbm>>
        tpu.enqueue_indirect_dma source(%dma_start3A_77 : memref<20480x128xf32, #tpu.memory_space<hbm>>) target(%arg9 : memref<128x128xf32, #tpu.memory_space<vmem>>) offsets(%dma_start3A_74 : memref<128xi32, #tpu.memory_space<vmem>>) semaphore(%arg12 : memref<!tpu.dma_semaphore, #tpu.memory_space<semaphore_mem>>)
      } else {
      }
      %dma_wait3A_64 = arith.constant 0 : i32
      %dma_wait3A_65 = tpu.memref_slice %arg7[%add3A_46, %dma_wait3A_64] : memref<40x128xi32, #tpu.memory_space<vmem>> -> memref<1x128xi32, #tpu.memory_space<vmem>>
      %dma_wait3A_66 = tpu.memref_squeeze %dma_wait3A_65 : memref<1x128xi32, #tpu.memory_space<vmem>> -> memref<128xi32, #tpu.memory_space<vmem>>
      %dma_wait3A_67 = arith.constant 0 : i32
      %dma_wait3A_68 = arith.constant 0 : i32
      %dma_wait3A_69 = tpu.memref_slice %arg2[%dma_wait3A_67, %dma_wait3A_68] : memref<20480x128xf32, #tpu.memory_space<hbm>> -> memref<20480x128xf32, #tpu.memory_space<hbm>>
      tpu.wait_indirect_dma semaphore(%arg13 : memref<!tpu.dma_semaphore, #tpu.memory_space<semaphore_mem>>) src(%dma_wait3A_69 : memref<20480x128xf32, #tpu.memory_space<hbm>>) dst(%arg10 : memref<128x128xf32, #tpu.memory_space<vmem>>)
      "tpu.region"() ({
        %run_scoped3A = tpu.sem_alloc : memref<!tpu.dma_semaphore, #tpu.memory_space<semaphore_mem>>
        %dma_start3A_70 = arith.constant 0 : i32
        %dma_start3A_71 = tpu.memref_slice %arg8[%add3A_46, %dma_start3A_70] : memref<40x128xi32, #tpu.memory_space<vmem>> -> memref<1x128xi32, #tpu.memory_space<vmem>>
        %dma_start3A_72 = tpu.memref_squeeze %dma_start3A_71 : memref<1x128xi32, #tpu.memory_space<vmem>> -> memref<128xi32, #tpu.memory_space<vmem>>
        %dma_start3A_73 = arith.constant 0 : i32
        %dma_start3A_74 = arith.constant 0 : i32
        %dma_start3A_75 = tpu.memref_slice %arg11[%dma_start3A_73, %dma_start3A_74] : memref<10240x128xf32, #tpu.memory_space<vmem_shared>> -> memref<10240x128xf32, #tpu.memory_space<vmem_shared>>
        tpu.enqueue_indirect_dma source(%arg10 : memref<128x128xf32, #tpu.memory_space<vmem>>) target(%dma_start3A_75 : memref<10240x128xf32, #tpu.memory_space<vmem_shared>>) offsets(%dma_start3A_72 : memref<128xi32, #tpu.memory_space<vmem>>) semaphore(%run_scoped3A : memref<!tpu.dma_semaphore, #tpu.memory_space<semaphore_mem>>) {add = true}
        %dma_wait3A_76 = arith.constant 0 : i32
        %dma_wait3A_77 = tpu.memref_slice %arg8[%add3A_46, %dma_wait3A_76] : memref<40x128xi32, #tpu.memory_space<vmem>> -> memref<1x128xi32, #tpu.memory_space<vmem>>
        %dma_wait3A_78 = tpu.memref_squeeze %dma_wait3A_77 : memref<1x128xi32, #tpu.memory_space<vmem>> -> memref<128xi32, #tpu.memory_space<vmem>>
        %dma_wait3A_79 = arith.constant 0 : i32
        %dma_wait3A_80 = arith.constant 0 : i32
        %dma_wait3A_81 = tpu.memref_slice %arg11[%dma_wait3A_79, %dma_wait3A_80] : memref<10240x128xf32, #tpu.memory_space<vmem_shared>> -> memref<10240x128xf32, #tpu.memory_space<vmem_shared>>
        tpu.wait_indirect_dma semaphore(%run_scoped3A : memref<!tpu.dma_semaphore, #tpu.memory_space<semaphore_mem>>) src(%arg10 : memref<128x128xf32, #tpu.memory_space<vmem>>) dst(%dma_wait3A_81 : memref<10240x128xf32, #tpu.memory_space<vmem_shared>>)
        tpu.yield
      }) : () -> ()
    }
    %scan3A_17 = arith.constant 20 : i32
    "tpu.region"() ({
      %run_scoped3A = tpu.sem_alloc : memref<!tpu.dma_semaphore, #tpu.memory_space<semaphore_mem>>
      %dma_start3A_42 = arith.constant 40 : i32
      %dma_start3A_43 = arith.constant 0 : i32
      %dma_start3A_44 = tpu.memref_slice %arg3[%arg0, %arg1, %dma_start3A_42, %dma_start3A_43] : memref<2x16x80x128xi32, #tpu.memory_space<hbm>> -> memref<1x1x40x128xi32, #tpu.memory_space<hbm>>
      %dma_start3A_45 = tpu.memref_squeeze %dma_start3A_44 : memref<1x1x40x128xi32, #tpu.memory_space<hbm>> -> memref<40x128xi32, #tpu.memory_space<hbm>>
      %dma_start3A_46 = arith.constant 40 : i32
      %dma_start3A_47 = arith.constant 0 : i32
      %dma_start3A_48 = tpu.memref_slice %arg3[%arg0, %arg1, %dma_start3A_46, %dma_start3A_47] : memref<2x16x80x128xi32, #tpu.memory_space<hbm>> -> memref<1x1x40x128xi32, #tpu.memory_space<hbm>>
      %dma_start3A_49 = tpu.memref_squeeze %dma_start3A_48 : memref<1x1x40x128xi32, #tpu.memory_space<hbm>> -> memref<40x128xi32, #tpu.memory_space<hbm>>
      tpu.enqueue_dma source(%dma_start3A_49 : memref<40x128xi32, #tpu.memory_space<hbm>>) target(%arg7 : memref<40x128xi32, #tpu.memory_space<vmem>>) target_semaphore(%run_scoped3A : memref<!tpu.dma_semaphore, #tpu.memory_space<semaphore_mem>>)
      %dma_wait3A = arith.constant 40 : i32
      %dma_wait3A_50 = arith.constant 0 : i32
      %dma_wait3A_51 = tpu.memref_slice %arg3[%arg0, %arg1, %dma_wait3A, %dma_wait3A_50] : memref<2x16x80x128xi32, #tpu.memory_space<hbm>> -> memref<1x1x40x128xi32, #tpu.memory_space<hbm>>
      %dma_wait3A_52 = tpu.memref_squeeze %dma_wait3A_51 : memref<1x1x40x128xi32, #tpu.memory_space<hbm>> -> memref<40x128xi32, #tpu.memory_space<hbm>>
      %dma_wait3A_53 = arith.constant 40 : i32
      %dma_wait3A_54 = arith.constant 0 : i32
      %dma_wait3A_55 = tpu.memref_slice %arg3[%arg0, %arg1, %dma_wait3A_53, %dma_wait3A_54] : memref<2x16x80x128xi32, #tpu.memory_space<hbm>> -> memref<1x1x40x128xi32, #tpu.memory_space<hbm>>
      %dma_wait3A_56 = tpu.memref_squeeze %dma_wait3A_55 : memref<1x1x40x128xi32, #tpu.memory_space<hbm>> -> memref<40x128xi32, #tpu.memory_space<hbm>>
      tpu.wait_dma2 semaphore(%run_scoped3A : memref<!tpu.dma_semaphore, #tpu.memory_space<semaphore_mem>>) src(%dma_wait3A_56 : memref<40x128xi32, #tpu.memory_space<hbm>>) dst(%arg7 : memref<40x128xi32, #tpu.memory_space<vmem>>)
      tpu.yield
    }) : () -> ()
    "tpu.region"() ({
      %run_scoped3A = tpu.sem_alloc : memref<!tpu.dma_semaphore, #tpu.memory_space<semaphore_mem>>
      %dma_start3A_42 = arith.constant 40 : i32
      %dma_start3A_43 = arith.constant 0 : i32
      %dma_start3A_44 = tpu.memref_slice %arg4[%arg1, %dma_start3A_42, %dma_start3A_43] : memref<16x80x128xi32, #tpu.memory_space<hbm>> -> memref<1x40x128xi32, #tpu.memory_space<hbm>>
      %dma_start3A_45 = tpu.memref_squeeze %dma_start3A_44 : memref<1x40x128xi32, #tpu.memory_space<hbm>> -> memref<40x128xi32, #tpu.memory_space<hbm>>
      %dma_start3A_46 = arith.constant 40 : i32
      %dma_start3A_47 = arith.constant 0 : i32
      %dma_start3A_48 = tpu.memref_slice %arg4[%arg1, %dma_start3A_46, %dma_start3A_47] : memref<16x80x128xi32, #tpu.memory_space<hbm>> -> memref<1x40x128xi32, #tpu.memory_space<hbm>>
      %dma_start3A_49 = tpu.memref_squeeze %dma_start3A_48 : memref<1x40x128xi32, #tpu.memory_space<hbm>> -> memref<40x128xi32, #tpu.memory_space<hbm>>
      tpu.enqueue_dma source(%dma_start3A_49 : memref<40x128xi32, #tpu.memory_space<hbm>>) target(%arg8 : memref<40x128xi32, #tpu.memory_space<vmem>>) target_semaphore(%run_scoped3A : memref<!tpu.dma_semaphore, #tpu.memory_space<semaphore_mem>>)
      %dma_wait3A = arith.constant 40 : i32
      %dma_wait3A_50 = arith.constant 0 : i32
      %dma_wait3A_51 = tpu.memref_slice %arg4[%arg1, %dma_wait3A, %dma_wait3A_50] : memref<16x80x128xi32, #tpu.memory_space<hbm>> -> memref<1x40x128xi32, #tpu.memory_space<hbm>>
      %dma_wait3A_52 = tpu.memref_squeeze %dma_wait3A_51 : memref<1x40x128xi32, #tpu.memory_space<hbm>> -> memref<40x128xi32, #tpu.memory_space<hbm>>
      %dma_wait3A_53 = arith.constant 40 : i32
      %dma_wait3A_54 = arith.constant 0 : i32
      %dma_wait3A_55 = tpu.memref_slice %arg4[%arg1, %dma_wait3A_53, %dma_wait3A_54] : memref<16x80x128xi32, #tpu.memory_space<hbm>> -> memref<1x40x128xi32, #tpu.memory_space<hbm>>
      %dma_wait3A_56 = tpu.memref_squeeze %dma_wait3A_55 : memref<1x40x128xi32, #tpu.memory_space<hbm>> -> memref<40x128xi32, #tpu.memory_space<hbm>>
      tpu.wait_dma2 semaphore(%run_scoped3A : memref<!tpu.dma_semaphore, #tpu.memory_space<semaphore_mem>>) src(%dma_wait3A_56 : memref<40x128xi32, #tpu.memory_space<hbm>>) dst(%arg8 : memref<40x128xi32, #tpu.memory_space<vmem>>)
      tpu.yield
    }) : () -> ()
    %dma_start3A_18 = arith.constant 0 : i32
    %dma_start3A_19 = arith.constant 0 : i32
    %dma_start3A_20 = tpu.memref_slice %arg7[%dma_start3A_18, %dma_start3A_19] : memref<40x128xi32, #tpu.memory_space<vmem>> -> memref<1x128xi32, #tpu.memory_space<vmem>>
    %dma_start3A_21 = tpu.memref_squeeze %dma_start3A_20 : memref<1x128xi32, #tpu.memory_space<vmem>> -> memref<128xi32, #tpu.memory_space<vmem>>
    %dma_start3A_22 = arith.constant 0 : i32
    %dma_start3A_23 = arith.constant 0 : i32
    %dma_start3A_24 = tpu.memref_slice %arg2[%dma_start3A_22, %dma_start3A_23] : memref<20480x128xf32, #tpu.memory_space<hbm>> -> memref<20480x128xf32, #tpu.memory_space<hbm>>
    tpu.enqueue_indirect_dma source(%dma_start3A_24 : memref<20480x128xf32, #tpu.memory_space<hbm>>) target(%arg9 : memref<128x128xf32, #tpu.memory_space<vmem>>) offsets(%dma_start3A_21 : memref<128xi32, #tpu.memory_space<vmem>>) semaphore(%arg12 : memref<!tpu.dma_semaphore, #tpu.memory_space<semaphore_mem>>)
    %scan3A_25 = arith.constant 0 : i32
    %scan3A_26 = arith.constant 0 : i32
    %scan3A_27 = arith.constant 20 : i32
    %scan3A_28 = arith.addi %scan3A_26, %scan3A_27 : i32
    %scan3A_29 = arith.constant 1 : i32
    scf.for %scan3A_42 = %scan3A_26 to %scan3A_28 step %scan3A_29  : i32 {
      %mul3A = arith.constant 2 : i32
      %mul3A_43 = arith.muli %mul3A, %scan3A_42 : i32
      %mul3A_44 = arith.constant 2 : i32
      %mul3A_45 = arith.muli %mul3A_44, %scan3A_42 : i32
      %add3A = arith.constant 1 : i32
      %add3A_46 = arith.addi %mul3A_45, %add3A : i32
      %dma_start3A_47 = arith.constant 0 : i32
      %dma_start3A_48 = tpu.memref_slice %arg7[%add3A_46, %dma_start3A_47] : memref<40x128xi32, #tpu.memory_space<vmem>> -> memref<1x128xi32, #tpu.memory_space<vmem>>
      %dma_start3A_49 = tpu.memref_squeeze %dma_start3A_48 : memref<1x128xi32, #tpu.memory_space<vmem>> -> memref<128xi32, #tpu.memory_space<vmem>>
      %dma_start3A_50 = arith.constant 0 : i32
      %dma_start3A_51 = arith.constant 0 : i32
      %dma_start3A_52 = tpu.memref_slice %arg2[%dma_start3A_50, %dma_start3A_51] : memref<20480x128xf32, #tpu.memory_space<hbm>> -> memref<20480x128xf32, #tpu.memory_space<hbm>>
      tpu.enqueue_indirect_dma source(%dma_start3A_52 : memref<20480x128xf32, #tpu.memory_space<hbm>>) target(%arg10 : memref<128x128xf32, #tpu.memory_space<vmem>>) offsets(%dma_start3A_49 : memref<128xi32, #tpu.memory_space<vmem>>) semaphore(%arg13 : memref<!tpu.dma_semaphore, #tpu.memory_space<semaphore_mem>>)
      %dma_wait3A = arith.constant 0 : i32
      %dma_wait3A_53 = tpu.memref_slice %arg7[%mul3A_43, %dma_wait3A] : memref<40x128xi32, #tpu.memory_space<vmem>> -> memref<1x128xi32, #tpu.memory_space<vmem>>
      %dma_wait3A_54 = tpu.memref_squeeze %dma_wait3A_53 : memref<1x128xi32, #tpu.memory_space<vmem>> -> memref<128xi32, #tpu.memory_space<vmem>>
      %dma_wait3A_55 = arith.constant 0 : i32
      %dma_wait3A_56 = arith.constant 0 : i32
      %dma_wait3A_57 = tpu.memref_slice %arg2[%dma_wait3A_55, %dma_wait3A_56] : memref<20480x128xf32, #tpu.memory_space<hbm>> -> memref<20480x128xf32, #tpu.memory_space<hbm>>
      tpu.wait_indirect_dma semaphore(%arg12 : memref<!tpu.dma_semaphore, #tpu.memory_space<semaphore_mem>>) src(%dma_wait3A_57 : memref<20480x128xf32, #tpu.memory_space<hbm>>) dst(%arg9 : memref<128x128xf32, #tpu.memory_space<vmem>>)
      "tpu.region"() ({
        %run_scoped3A = tpu.sem_alloc : memref<!tpu.dma_semaphore, #tpu.memory_space<semaphore_mem>>
        %dma_start3A_70 = arith.constant 0 : i32
        %dma_start3A_71 = tpu.memref_slice %arg8[%mul3A_43, %dma_start3A_70] : memref<40x128xi32, #tpu.memory_space<vmem>> -> memref<1x128xi32, #tpu.memory_space<vmem>>
        %dma_start3A_72 = tpu.memref_squeeze %dma_start3A_71 : memref<1x128xi32, #tpu.memory_space<vmem>> -> memref<128xi32, #tpu.memory_space<vmem>>
        %dma_start3A_73 = arith.constant 0 : i32
        %dma_start3A_74 = arith.constant 0 : i32
        %dma_start3A_75 = tpu.memref_slice %arg11[%dma_start3A_73, %dma_start3A_74] : memref<10240x128xf32, #tpu.memory_space<vmem_shared>> -> memref<10240x128xf32, #tpu.memory_space<vmem_shared>>
        tpu.enqueue_indirect_dma source(%arg9 : memref<128x128xf32, #tpu.memory_space<vmem>>) target(%dma_start3A_75 : memref<10240x128xf32, #tpu.memory_space<vmem_shared>>) offsets(%dma_start3A_72 : memref<128xi32, #tpu.memory_space<vmem>>) semaphore(%run_scoped3A : memref<!tpu.dma_semaphore, #tpu.memory_space<semaphore_mem>>) {add = true}
        %dma_wait3A_76 = arith.constant 0 : i32
        %dma_wait3A_77 = tpu.memref_slice %arg8[%mul3A_43, %dma_wait3A_76] : memref<40x128xi32, #tpu.memory_space<vmem>> -> memref<1x128xi32, #tpu.memory_space<vmem>>
        %dma_wait3A_78 = tpu.memref_squeeze %dma_wait3A_77 : memref<1x128xi32, #tpu.memory_space<vmem>> -> memref<128xi32, #tpu.memory_space<vmem>>
        %dma_wait3A_79 = arith.constant 0 : i32
        %dma_wait3A_80 = arith.constant 0 : i32
        %dma_wait3A_81 = tpu.memref_slice %arg11[%dma_wait3A_79, %dma_wait3A_80] : memref<10240x128xf32, #tpu.memory_space<vmem_shared>> -> memref<10240x128xf32, #tpu.memory_space<vmem_shared>>
        tpu.wait_indirect_dma semaphore(%run_scoped3A : memref<!tpu.dma_semaphore, #tpu.memory_space<semaphore_mem>>) src(%arg9 : memref<128x128xf32, #tpu.memory_space<vmem>>) dst(%dma_wait3A_81 : memref<10240x128xf32, #tpu.memory_space<vmem_shared>>)
        tpu.yield
      }) : () -> ()
      %add3A_58 = arith.constant 1 : i32
      %add3A_59 = arith.addi %add3A_46, %add3A_58 : i32
      %lt3A = arith.constant 40 : i32
      %lt3A_60 = arith.cmpi slt, %add3A_59, %lt3A : i32
      %convert_element_type3A_61 = arith.extui %lt3A_60 : i1 to i32
      %cond3A_62 = arith.constant 0 : i32
      %cond3A_63 = arith.cmpi ne, %convert_element_type3A_61, %cond3A_62 : i32
      scf.if %cond3A_63 {
        %add3A_70 = arith.constant 1 : i32
        %add3A_71 = arith.addi %add3A_46, %add3A_70 : i32
        %dma_start3A_72 = arith.constant 0 : i32
        %dma_start3A_73 = tpu.memref_slice %arg7[%add3A_71, %dma_start3A_72] : memref<40x128xi32, #tpu.memory_space<vmem>> -> memref<1x128xi32, #tpu.memory_space<vmem>>
        %dma_start3A_74 = tpu.memref_squeeze %dma_start3A_73 : memref<1x128xi32, #tpu.memory_space<vmem>> -> memref<128xi32, #tpu.memory_space<vmem>>
        %dma_start3A_75 = arith.constant 0 : i32
        %dma_start3A_76 = arith.constant 0 : i32
        %dma_start3A_77 = tpu.memref_slice %arg2[%dma_start3A_75, %dma_start3A_76] : memref<20480x128xf32, #tpu.memory_space<hbm>> -> memref<20480x128xf32, #tpu.memory_space<hbm>>
        tpu.enqueue_indirect_dma source(%dma_start3A_77 : memref<20480x128xf32, #tpu.memory_space<hbm>>) target(%arg9 : memref<128x128xf32, #tpu.memory_space<vmem>>) offsets(%dma_start3A_74 : memref<128xi32, #tpu.memory_space<vmem>>) semaphore(%arg12 : memref<!tpu.dma_semaphore, #tpu.memory_space<semaphore_mem>>)
      } else {
      }
      %dma_wait3A_64 = arith.constant 0 : i32
      %dma_wait3A_65 = tpu.memref_slice %arg7[%add3A_46, %dma_wait3A_64] : memref<40x128xi32, #tpu.memory_space<vmem>> -> memref<1x128xi32, #tpu.memory_space<vmem>>
      %dma_wait3A_66 = tpu.memref_squeeze %dma_wait3A_65 : memref<1x128xi32, #tpu.memory_space<vmem>> -> memref<128xi32, #tpu.memory_space<vmem>>
      %dma_wait3A_67 = arith.constant 0 : i32
      %dma_wait3A_68 = arith.constant 0 : i32
      %dma_wait3A_69 = tpu.memref_slice %arg2[%dma_wait3A_67, %dma_wait3A_68] : memref<20480x128xf32, #tpu.memory_space<hbm>> -> memref<20480x128xf32, #tpu.memory_space<hbm>>
      tpu.wait_indirect_dma semaphore(%arg13 : memref<!tpu.dma_semaphore, #tpu.memory_space<semaphore_mem>>) src(%dma_wait3A_69 : memref<20480x128xf32, #tpu.memory_space<hbm>>) dst(%arg10 : memref<128x128xf32, #tpu.memory_space<vmem>>)
      "tpu.region"() ({
        %run_scoped3A = tpu.sem_alloc : memref<!tpu.dma_semaphore, #tpu.memory_space<semaphore_mem>>
        %dma_start3A_70 = arith.constant 0 : i32
        %dma_start3A_71 = tpu.memref_slice %arg8[%add3A_46, %dma_start3A_70] : memref<40x128xi32, #tpu.memory_space<vmem>> -> memref<1x128xi32, #tpu.memory_space<vmem>>
        %dma_start3A_72 = tpu.memref_squeeze %dma_start3A_71 : memref<1x128xi32, #tpu.memory_space<vmem>> -> memref<128xi32, #tpu.memory_space<vmem>>
        %dma_start3A_73 = arith.constant 0 : i32
        %dma_start3A_74 = arith.constant 0 : i32
        %dma_start3A_75 = tpu.memref_slice %arg11[%dma_start3A_73, %dma_start3A_74] : memref<10240x128xf32, #tpu.memory_space<vmem_shared>> -> memref<10240x128xf32, #tpu.memory_space<vmem_shared>>
        tpu.enqueue_indirect_dma source(%arg10 : memref<128x128xf32, #tpu.memory_space<vmem>>) target(%dma_start3A_75 : memref<10240x128xf32, #tpu.memory_space<vmem_shared>>) offsets(%dma_start3A_72 : memref<128xi32, #tpu.memory_space<vmem>>) semaphore(%run_scoped3A : memref<!tpu.dma_semaphore, #tpu.memory_space<semaphore_mem>>) {add = true}
        %dma_wait3A_76 = arith.constant 0 : i32
        %dma_wait3A_77 = tpu.memref_slice %arg8[%add3A_46, %dma_wait3A_76] : memref<40x128xi32, #tpu.memory_space<vmem>> -> memref<1x128xi32, #tpu.memory_space<vmem>>
        %dma_wait3A_78 = tpu.memref_squeeze %dma_wait3A_77 : memref<1x128xi32, #tpu.memory_space<vmem>> -> memref<128xi32, #tpu.memory_space<vmem>>
        %dma_wait3A_79 = arith.constant 0 : i32
        %dma_wait3A_80 = arith.constant 0 : i32
        %dma_wait3A_81 = tpu.memref_slice %arg11[%dma_wait3A_79, %dma_wait3A_80] : memref<10240x128xf32, #tpu.memory_space<vmem_shared>> -> memref<10240x128xf32, #tpu.memory_space<vmem_shared>>
        tpu.wait_indirect_dma semaphore(%run_scoped3A : memref<!tpu.dma_semaphore, #tpu.memory_space<semaphore_mem>>) src(%arg10 : memref<128x128xf32, #tpu.memory_space<vmem>>) dst(%dma_wait3A_81 : memref<10240x128xf32, #tpu.memory_space<vmem_shared>>)
        tpu.yield
      }) : () -> ()
    }
    %scan3A_30 = arith.constant 20 : i32
    %barrier3A_31 = arith.constant 0 : index
    tpu.barrier barrier_id(%barrier3A_31)
    %eq3A_32 = arith.constant 0 : i32
    %eq3A_33 = arith.cmpi eq, %arg1, %eq3A_32 : i32
    %convert_element_type3A_34 = arith.extui %eq3A_33 : i1 to i32
    %cond3A_35 = arith.constant 0 : i32
    %cond3A_36 = arith.cmpi ne, %convert_element_type3A_34, %cond3A_35 : i32
    scf.if %cond3A_36 {
      "tpu.region"() ({
        %run_scoped3A = tpu.sem_alloc : memref<!tpu.dma_semaphore, #tpu.memory_space<semaphore_mem>>
        %dma_start3A_42 = arith.constant 0 : i32
        %dma_start3A_43 = arith.constant 0 : i32
        %dma_start3A_44 = tpu.memref_slice %arg6[%arg0, %dma_start3A_42, %dma_start3A_43] : memref<2x10240x128xf32, #tpu.memory_space<hbm>> -> memref<1x5120x128xf32, #tpu.memory_space<hbm>>
        %dma_start3A_45 = tpu.memref_squeeze %dma_start3A_44 : memref<1x5120x128xf32, #tpu.memory_space<hbm>> -> memref<5120x128xf32, #tpu.memory_space<hbm>>
        %dma_start3A_46 = arith.constant 0 : i32
        %dma_start3A_47 = arith.constant 0 : i32
        %dma_start3A_48 = tpu.memref_slice %arg11[%dma_start3A_46, %dma_start3A_47] : memref<10240x128xf32, #tpu.memory_space<vmem_shared>> -> memref<5120x128xf32, #tpu.memory_space<vmem_shared>>
        tpu.enqueue_dma source(%dma_start3A_48 : memref<5120x128xf32, #tpu.memory_space<vmem_shared>>) target(%dma_start3A_45 : memref<5120x128xf32, #tpu.memory_space<hbm>>) target_semaphore(%run_scoped3A : memref<!tpu.dma_semaphore, #tpu.memory_space<semaphore_mem>>)
        %dma_wait3A = arith.constant 0 : i32
        %dma_wait3A_49 = arith.constant 0 : i32
        %dma_wait3A_50 = tpu.memref_slice %arg6[%arg0, %dma_wait3A, %dma_wait3A_49] : memref<2x10240x128xf32, #tpu.memory_space<hbm>> -> memref<1x5120x128xf32, #tpu.memory_space<hbm>>
        %dma_wait3A_51 = tpu.memref_squeeze %dma_wait3A_50 : memref<1x5120x128xf32, #tpu.memory_space<hbm>> -> memref<5120x128xf32, #tpu.memory_space<hbm>>
        %dma_wait3A_52 = arith.constant 0 : i32
        %dma_wait3A_53 = arith.constant 0 : i32
        %dma_wait3A_54 = tpu.memref_slice %arg11[%dma_wait3A_52, %dma_wait3A_53] : memref<10240x128xf32, #tpu.memory_space<vmem_shared>> -> memref<5120x128xf32, #tpu.memory_space<vmem_shared>>
        tpu.wait_dma2 semaphore(%run_scoped3A : memref<!tpu.dma_semaphore, #tpu.memory_space<semaphore_mem>>) src(%dma_wait3A_54 : memref<5120x128xf32, #tpu.memory_space<vmem_shared>>) dst(%dma_wait3A_51 : memref<5120x128xf32, #tpu.memory_space<hbm>>)
        tpu.yield
      }) : () -> ()
    } else {
    }
    %eq3A_37 = arith.constant 1 : i32
    %eq3A_38 = arith.cmpi eq, %arg1, %eq3A_37 : i32
    %convert_element_type3A_39 = arith.extui %eq3A_38 : i1 to i32
    %cond3A_40 = arith.constant 0 : i32
    %cond3A_41 = arith.cmpi ne, %convert_element_type3A_39, %cond3A_40 : i32
    scf.if %cond3A_41 {
      "tpu.region"() ({
        %run_scoped3A = tpu.sem_alloc : memref<!tpu.dma_semaphore, #tpu.memory_space<semaphore_mem>>
        %dma_start3A_42 = arith.constant 5120 : i32
        %dma_start3A_43 = arith.constant 0 : i32
        %dma_start3A_44 = tpu.memref_slice %arg6[%arg0, %dma_start3A_42, %dma_start3A_43] : memref<2x10240x128xf32, #tpu.memory_space<hbm>> -> memref<1x5120x128xf32, #tpu.memory_space<hbm>>
        %dma_start3A_45 = tpu.memref_squeeze %dma_start3A_44 : memref<1x5120x128xf32, #tpu.memory_space<hbm>> -> memref<5120x128xf32, #tpu.memory_space<hbm>>
        %dma_start3A_46 = arith.constant 5120 : i32
        %dma_start3A_47 = arith.constant 0 : i32
        %dma_start3A_48 = tpu.memref_slice %arg11[%dma_start3A_46, %dma_start3A_47] : memref<10240x128xf32, #tpu.memory_space<vmem_shared>> -> memref<5120x128xf32, #tpu.memory_space<vmem_shared>>
        tpu.enqueue_dma source(%dma_start3A_48 : memref<5120x128xf32, #tpu.memory_space<vmem_shared>>) target(%dma_start3A_45 : memref<5120x128xf32, #tpu.memory_space<hbm>>) target_semaphore(%run_scoped3A : memref<!tpu.dma_semaphore, #tpu.memory_space<semaphore_mem>>)
        %dma_wait3A = arith.constant 5120 : i32
        %dma_wait3A_49 = arith.constant 0 : i32
        %dma_wait3A_50 = tpu.memref_slice %arg6[%arg0, %dma_wait3A, %dma_wait3A_49] : memref<2x10240x128xf32, #tpu.memory_space<hbm>> -> memref<1x5120x128xf32, #tpu.memory_space<hbm>>
        %dma_wait3A_51 = tpu.memref_squeeze %dma_wait3A_50 : memref<1x5120x128xf32, #tpu.memory_space<hbm>> -> memref<5120x128xf32, #tpu.memory_space<hbm>>
        %dma_wait3A_52 = arith.constant 5120 : i32
        %dma_wait3A_53 = arith.constant 0 : i32
        %dma_wait3A_54 = tpu.memref_slice %arg11[%dma_wait3A_52, %dma_wait3A_53] : memref<10240x128xf32, #tpu.memory_space<vmem_shared>> -> memref<5120x128xf32, #tpu.memory_space<vmem_shared>>
        tpu.wait_dma2 semaphore(%run_scoped3A : memref<!tpu.dma_semaphore, #tpu.memory_space<semaphore_mem>>) src(%dma_wait3A_54 : memref<5120x128xf32, #tpu.memory_space<vmem_shared>>) dst(%dma_wait3A_51 : memref<5120x128xf32, #tpu.memory_space<hbm>>)
        tpu.yield
      }) : () -> ()
    } else {
    }
    return
  }
}

#map = affine_map<(d0, d1) -> (0, 0)>
#map1 = affine_map<(d0, d1) -> (0, 0, 0, 0)>
#map2 = affine_map<(d0, d1) -> (0, 0, 0)>
module attributes {stable_mosaic.version = 14 : i64} {
  func.func @_prop_kernel(%arg0: i32, %arg1: i32, %arg2: memref<20480x128xf32, #tpu.memory_space<hbm>>, %arg3: memref<2x16x80x128xi32, #tpu.memory_space<hbm>>, %arg4: memref<16x80x128xi32, #tpu.memory_space<hbm>>, %arg5: memref<10240x128xf32, #tpu.memory_space<hbm>>, %arg6: memref<2x10240x128xf32, #tpu.memory_space<hbm>>, %arg7: memref<40x128xi32, #tpu.memory_space<vmem>>, %arg8: memref<40x128xi32, #tpu.memory_space<vmem>>, %arg9: memref<128x128xf32, #tpu.memory_space<vmem>>, %arg10: memref<128x128xf32, #tpu.memory_space<vmem>>, %arg11: memref<10240x128xf32, #tpu.memory_space<vmem_shared>>, %arg12: memref<!tpu.dma_semaphore, #tpu.memory_space<semaphore_mem>>, %arg13: memref<!tpu.dma_semaphore, #tpu.memory_space<semaphore_mem>>) attributes {dimension_semantics = [#tpu.dimension_semantics<core_parallel>, #tpu.dimension_semantics<subcore_parallel>], iteration_bounds = array<i64: 2, 16>, scalar_prefetch = 0 : i64, scratch_operands = 7 : i64, tpu.core_type = #tpu.core_type<sc_vector_subcore>, window_params = [{transform_indices = #map}, {transform_indices = #map1}, {transform_indices = #map2}, {transform_indices = #map}, {transform_indices = #map2}]} {
    %eq3A = arith.constant 0 : i32
    %eq3A_0 = arith.cmpi eq, %arg1, %eq3A : i32
    %convert_element_type3A = arith.extui %eq3A_0 : i1 to i32
    %cond3A = arith.constant 0 : i32
    %cond3A_1 = arith.cmpi ne, %convert_element_type3A, %cond3A : i32
    scf.if %cond3A_1 {
      "tpu.region"() ({
        %run_scoped3A = tpu.sem_alloc : memref<!tpu.dma_semaphore, #tpu.memory_space<semaphore_mem>>
        %dma_start3A_42 = arith.constant 0 : i32
        %dma_start3A_43 = arith.constant 0 : i32
        %dma_start3A_44 = tpu.memref_slice %arg11[%dma_start3A_42, %dma_start3A_43] : memref<10240x128xf32, #tpu.memory_space<vmem_shared>> -> memref<5120x128xf32, #tpu.memory_space<vmem_shared>>
        %dma_start3A_45 = arith.constant 0 : i32
        %dma_start3A_46 = arith.constant 0 : i32
        %dma_start3A_47 = tpu.memref_slice %arg5[%dma_start3A_45, %dma_start3A_46] : memref<10240x128xf32, #tpu.memory_space<hbm>> -> memref<5120x128xf32, #tpu.memory_space<hbm>>
        tpu.enqueue_dma source(%dma_start3A_47 : memref<5120x128xf32, #tpu.memory_space<hbm>>) target(%dma_start3A_44 : memref<5120x128xf32, #tpu.memory_space<vmem_shared>>) target_semaphore(%run_scoped3A : memref<!tpu.dma_semaphore, #tpu.memory_space<semaphore_mem>>)
        %dma_wait3A = arith.constant 0 : i32
        %dma_wait3A_48 = arith.constant 0 : i32
        %dma_wait3A_49 = tpu.memref_slice %arg11[%dma_wait3A, %dma_wait3A_48] : memref<10240x128xf32, #tpu.memory_space<vmem_shared>> -> memref<5120x128xf32, #tpu.memory_space<vmem_shared>>
        %dma_wait3A_50 = arith.constant 0 : i32
        %dma_wait3A_51 = arith.constant 0 : i32
        %dma_wait3A_52 = tpu.memref_slice %arg5[%dma_wait3A_50, %dma_wait3A_51] : memref<10240x128xf32, #tpu.memory_space<hbm>> -> memref<5120x128xf32, #tpu.memory_space<hbm>>
        tpu.wait_dma2 semaphore(%run_scoped3A : memref<!tpu.dma_semaphore, #tpu.memory_space<semaphore_mem>>) src(%dma_wait3A_52 : memref<5120x128xf32, #tpu.memory_space<hbm>>) dst(%dma_wait3A_49 : memref<5120x128xf32, #tpu.memory_space<vmem_shared>>)
        tpu.yield
      }) : () -> ()
    } else {
    }
    %eq3A_2 = arith.constant 1 : i32
    %eq3A_3 = arith.cmpi eq, %arg1, %eq3A_2 : i32
    %convert_element_type3A_4 = arith.extui %eq3A_3 : i1 to i32
    %cond3A_5 = arith.constant 0 : i32
    %cond3A_6 = arith.cmpi ne, %convert_element_type3A_4, %cond3A_5 : i32
    scf.if %cond3A_6 {
      "tpu.region"() ({
        %run_scoped3A = tpu.sem_alloc : memref<!tpu.dma_semaphore, #tpu.memory_space<semaphore_mem>>
        %dma_start3A_42 = arith.constant 5120 : i32
        %dma_start3A_43 = arith.constant 0 : i32
        %dma_start3A_44 = tpu.memref_slice %arg11[%dma_start3A_42, %dma_start3A_43] : memref<10240x128xf32, #tpu.memory_space<vmem_shared>> -> memref<5120x128xf32, #tpu.memory_space<vmem_shared>>
        %dma_start3A_45 = arith.constant 5120 : i32
        %dma_start3A_46 = arith.constant 0 : i32
        %dma_start3A_47 = tpu.memref_slice %arg5[%dma_start3A_45, %dma_start3A_46] : memref<10240x128xf32, #tpu.memory_space<hbm>> -> memref<5120x128xf32, #tpu.memory_space<hbm>>
        tpu.enqueue_dma source(%dma_start3A_47 : memref<5120x128xf32, #tpu.memory_space<hbm>>) target(%dma_start3A_44 : memref<5120x128xf32, #tpu.memory_space<vmem_shared>>) target_semaphore(%run_scoped3A : memref<!tpu.dma_semaphore, #tpu.memory_space<semaphore_mem>>)
        %dma_wait3A = arith.constant 5120 : i32
        %dma_wait3A_48 = arith.constant 0 : i32
        %dma_wait3A_49 = tpu.memref_slice %arg11[%dma_wait3A, %dma_wait3A_48] : memref<10240x128xf32, #tpu.memory_space<vmem_shared>> -> memref<5120x128xf32, #tpu.memory_space<vmem_shared>>
        %dma_wait3A_50 = arith.constant 5120 : i32
        %dma_wait3A_51 = arith.constant 0 : i32
        %dma_wait3A_52 = tpu.memref_slice %arg5[%dma_wait3A_50, %dma_wait3A_51] : memref<10240x128xf32, #tpu.memory_space<hbm>> -> memref<5120x128xf32, #tpu.memory_space<hbm>>
        tpu.wait_dma2 semaphore(%run_scoped3A : memref<!tpu.dma_semaphore, #tpu.memory_space<semaphore_mem>>) src(%dma_wait3A_52 : memref<5120x128xf32, #tpu.memory_space<hbm>>) dst(%dma_wait3A_49 : memref<5120x128xf32, #tpu.memory_space<vmem_shared>>)
        tpu.yield
      }) : () -> ()
    } else {
    }
    %barrier3A = arith.constant 0 : index
    tpu.barrier barrier_id(%barrier3A)
    "tpu.region"() ({
      %run_scoped3A = tpu.sem_alloc : memref<!tpu.dma_semaphore, #tpu.memory_space<semaphore_mem>>
      %dma_start3A_42 = arith.constant 0 : i32
      %dma_start3A_43 = arith.constant 0 : i32
      %dma_start3A_44 = tpu.memref_slice %arg3[%arg0, %arg1, %dma_start3A_42, %dma_start3A_43] : memref<2x16x80x128xi32, #tpu.memory_space<hbm>> -> memref<1x1x40x128xi32, #tpu.memory_space<hbm>>
      %dma_start3A_45 = tpu.memref_squeeze %dma_start3A_44 : memref<1x1x40x128xi32, #tpu.memory_space<hbm>> -> memref<40x128xi32, #tpu.memory_space<hbm>>
      %dma_start3A_46 = arith.constant 0 : i32
      %dma_start3A_47 = arith.constant 0 : i32
      %dma_start3A_48 = tpu.memref_slice %arg3[%arg0, %arg1, %dma_start3A_46, %dma_start3A_47] : memref<2x16x80x128xi32, #tpu.memory_space<hbm>> -> memref<1x1x40x128xi32, #tpu.memory_space<hbm>>
      %dma_start3A_49 = tpu.memref_squeeze %dma_start3A_48 : memref<1x1x40x128xi32, #tpu.memory_space<hbm>> -> memref<40x128xi32, #tpu.memory_space<hbm>>
      tpu.enqueue_dma source(%dma_start3A_49 : memref<40x128xi32, #tpu.memory_space<hbm>>) target(%arg7 : memref<40x128xi32, #tpu.memory_space<vmem>>) target_semaphore(%run_scoped3A : memref<!tpu.dma_semaphore, #tpu.memory_space<semaphore_mem>>)
      %dma_wait3A = arith.constant 0 : i32
      %dma_wait3A_50 = arith.constant 0 : i32
      %dma_wait3A_51 = tpu.memref_slice %arg3[%arg0, %arg1, %dma_wait3A, %dma_wait3A_50] : memref<2x16x80x128xi32, #tpu.memory_space<hbm>> -> memref<1x1x40x128xi32, #tpu.memory_space<hbm>>
      %dma_wait3A_52 = tpu.memref_squeeze %dma_wait3A_51 : memref<1x1x40x128xi32, #tpu.memory_space<hbm>> -> memref<40x128xi32, #tpu.memory_space<hbm>>
      %dma_wait3A_53 = arith.constant 0 : i32
      %dma_wait3A_54 = arith.constant 0 : i32
      %dma_wait3A_55 = tpu.memref_slice %arg3[%arg0, %arg1, %dma_wait3A_53, %dma_wait3A_54] : memref<2x16x80x128xi32, #tpu.memory_space<hbm>> -> memref<1x1x40x128xi32, #tpu.memory_space<hbm>>
      %dma_wait3A_56 = tpu.memref_squeeze %dma_wait3A_55 : memref<1x1x40x128xi32, #tpu.memory_space<hbm>> -> memref<40x128xi32, #tpu.memory_space<hbm>>
      tpu.wait_dma2 semaphore(%run_scoped3A : memref<!tpu.dma_semaphore, #tpu.memory_space<semaphore_mem>>) src(%dma_wait3A_56 : memref<40x128xi32, #tpu.memory_space<hbm>>) dst(%arg7 : memref<40x128xi32, #tpu.memory_space<vmem>>)
      tpu.yield
    }) : () -> ()
    "tpu.region"() ({
      %run_scoped3A = tpu.sem_alloc : memref<!tpu.dma_semaphore, #tpu.memory_space<semaphore_mem>>
      %dma_start3A_42 = arith.constant 0 : i32
      %dma_start3A_43 = arith.constant 0 : i32
      %dma_start3A_44 = tpu.memref_slice %arg4[%arg1, %dma_start3A_42, %dma_start3A_43] : memref<16x80x128xi32, #tpu.memory_space<hbm>> -> memref<1x40x128xi32, #tpu.memory_space<hbm>>
      %dma_start3A_45 = tpu.memref_squeeze %dma_start3A_44 : memref<1x40x128xi32, #tpu.memory_space<hbm>> -> memref<40x128xi32, #tpu.memory_space<hbm>>
      %dma_start3A_46 = arith.constant 0 : i32
      %dma_start3A_47 = arith.constant 0 : i32
      %dma_start3A_48 = tpu.memref_slice %arg4[%arg1, %dma_start3A_46, %dma_start3A_47] : memref<16x80x128xi32, #tpu.memory_space<hbm>> -> memref<1x40x128xi32, #tpu.memory_space<hbm>>
      %dma_start3A_49 = tpu.memref_squeeze %dma_start3A_48 : memref<1x40x128xi32, #tpu.memory_space<hbm>> -> memref<40x128xi32, #tpu.memory_space<hbm>>
      tpu.enqueue_dma source(%dma_start3A_49 : memref<40x128xi32, #tpu.memory_space<hbm>>) target(%arg8 : memref<40x128xi32, #tpu.memory_space<vmem>>) target_semaphore(%run_scoped3A : memref<!tpu.dma_semaphore, #tpu.memory_space<semaphore_mem>>)
      %dma_wait3A = arith.constant 0 : i32
      %dma_wait3A_50 = arith.constant 0 : i32
      %dma_wait3A_51 = tpu.memref_slice %arg4[%arg1, %dma_wait3A, %dma_wait3A_50] : memref<16x80x128xi32, #tpu.memory_space<hbm>> -> memref<1x40x128xi32, #tpu.memory_space<hbm>>
      %dma_wait3A_52 = tpu.memref_squeeze %dma_wait3A_51 : memref<1x40x128xi32, #tpu.memory_space<hbm>> -> memref<40x128xi32, #tpu.memory_space<hbm>>
      %dma_wait3A_53 = arith.constant 0 : i32
      %dma_wait3A_54 = arith.constant 0 : i32
      %dma_wait3A_55 = tpu.memref_slice %arg4[%arg1, %dma_wait3A_53, %dma_wait3A_54] : memref<16x80x128xi32, #tpu.memory_space<hbm>> -> memref<1x40x128xi32, #tpu.memory_space<hbm>>
      %dma_wait3A_56 = tpu.memref_squeeze %dma_wait3A_55 : memref<1x40x128xi32, #tpu.memory_space<hbm>> -> memref<40x128xi32, #tpu.memory_space<hbm>>
      tpu.wait_dma2 semaphore(%run_scoped3A : memref<!tpu.dma_semaphore, #tpu.memory_space<semaphore_mem>>) src(%dma_wait3A_56 : memref<40x128xi32, #tpu.memory_space<hbm>>) dst(%arg8 : memref<40x128xi32, #tpu.memory_space<vmem>>)
      tpu.yield
    }) : () -> ()
    %dma_start3A = arith.constant 0 : i32
    %dma_start3A_7 = arith.constant 0 : i32
    %dma_start3A_8 = tpu.memref_slice %arg7[%dma_start3A, %dma_start3A_7] : memref<40x128xi32, #tpu.memory_space<vmem>> -> memref<1x128xi32, #tpu.memory_space<vmem>>
    %dma_start3A_9 = tpu.memref_squeeze %dma_start3A_8 : memref<1x128xi32, #tpu.memory_space<vmem>> -> memref<128xi32, #tpu.memory_space<vmem>>
    %dma_start3A_10 = arith.constant 0 : i32
    %dma_start3A_11 = arith.constant 0 : i32
    %dma_start3A_12 = tpu.memref_slice %arg2[%dma_start3A_10, %dma_start3A_11] : memref<20480x128xf32, #tpu.memory_space<hbm>> -> memref<20480x128xf32, #tpu.memory_space<hbm>>
    tpu.enqueue_indirect_dma source(%dma_start3A_12 : memref<20480x128xf32, #tpu.memory_space<hbm>>) target(%arg9 : memref<128x128xf32, #tpu.memory_space<vmem>>) offsets(%dma_start3A_9 : memref<128xi32, #tpu.memory_space<vmem>>) semaphore(%arg12 : memref<!tpu.dma_semaphore, #tpu.memory_space<semaphore_mem>>)
    %scan3A = arith.constant 0 : i32
    %scan3A_13 = arith.constant 0 : i32
    %scan3A_14 = arith.constant 20 : i32
    %scan3A_15 = arith.addi %scan3A_13, %scan3A_14 : i32
    %scan3A_16 = arith.constant 1 : i32
    scf.for %scan3A_42 = %scan3A_13 to %scan3A_15 step %scan3A_16  : i32 {
      %mul3A = arith.constant 2 : i32
      %mul3A_43 = arith.muli %mul3A, %scan3A_42 : i32
      %mul3A_44 = arith.constant 2 : i32
      %mul3A_45 = arith.muli %mul3A_44, %scan3A_42 : i32
      %add3A = arith.constant 1 : i32
      %add3A_46 = arith.addi %mul3A_45, %add3A : i32
      %dma_start3A_47 = arith.constant 0 : i32
      %dma_start3A_48 = tpu.memref_slice %arg7[%add3A_46, %dma_start3A_47] : memref<40x128xi32, #tpu.memory_space<vmem>> -> memref<1x128xi32, #tpu.memory_space<vmem>>
      %dma_start3A_49 = tpu.memref_squeeze %dma_start3A_48 : memref<1x128xi32, #tpu.memory_space<vmem>> -> memref<128xi32, #tpu.memory_space<vmem>>
      %dma_start3A_50 = arith.constant 0 : i32
      %dma_start3A_51 = arith.constant 0 : i32
      %dma_start3A_52 = tpu.memref_slice %arg2[%dma_start3A_50, %dma_start3A_51] : memref<20480x128xf32, #tpu.memory_space<hbm>> -> memref<20480x128xf32, #tpu.memory_space<hbm>>
      tpu.enqueue_indirect_dma source(%dma_start3A_52 : memref<20480x128xf32, #tpu.memory_space<hbm>>) target(%arg10 : memref<128x128xf32, #tpu.memory_space<vmem>>) offsets(%dma_start3A_49 : memref<128xi32, #tpu.memory_space<vmem>>) semaphore(%arg13 : memref<!tpu.dma_semaphore, #tpu.memory_space<semaphore_mem>>)
      %dma_wait3A = arith.constant 0 : i32
      %dma_wait3A_53 = tpu.memref_slice %arg7[%mul3A_43, %dma_wait3A] : memref<40x128xi32, #tpu.memory_space<vmem>> -> memref<1x128xi32, #tpu.memory_space<vmem>>
      %dma_wait3A_54 = tpu.memref_squeeze %dma_wait3A_53 : memref<1x128xi32, #tpu.memory_space<vmem>> -> memref<128xi32, #tpu.memory_space<vmem>>
      %dma_wait3A_55 = arith.constant 0 : i32
      %dma_wait3A_56 = arith.constant 0 : i32
      %dma_wait3A_57 = tpu.memref_slice %arg2[%dma_wait3A_55, %dma_wait3A_56] : memref<20480x128xf32, #tpu.memory_space<hbm>> -> memref<20480x128xf32, #tpu.memory_space<hbm>>
      tpu.wait_indirect_dma semaphore(%arg12 : memref<!tpu.dma_semaphore, #tpu.memory_space<semaphore_mem>>) src(%dma_wait3A_57 : memref<20480x128xf32, #tpu.memory_space<hbm>>) dst(%arg9 : memref<128x128xf32, #tpu.memory_space<vmem>>)
      "tpu.region"() ({
        %run_scoped3A = tpu.sem_alloc : memref<!tpu.dma_semaphore, #tpu.memory_space<semaphore_mem>>
        %dma_start3A_70 = arith.constant 0 : i32
        %dma_start3A_71 = tpu.memref_slice %arg8[%mul3A_43, %dma_start3A_70] : memref<40x128xi32, #tpu.memory_space<vmem>> -> memref<1x128xi32, #tpu.memory_space<vmem>>
        %dma_start3A_72 = tpu.memref_squeeze %dma_start3A_71 : memref<1x128xi32, #tpu.memory_space<vmem>> -> memref<128xi32, #tpu.memory_space<vmem>>
        %dma_start3A_73 = arith.constant 0 : i32
        %dma_start3A_74 = arith.constant 0 : i32
        %dma_start3A_75 = tpu.memref_slice %arg11[%dma_start3A_73, %dma_start3A_74] : memref<10240x128xf32, #tpu.memory_space<vmem_shared>> -> memref<10240x128xf32, #tpu.memory_space<vmem_shared>>
        tpu.enqueue_indirect_dma source(%arg9 : memref<128x128xf32, #tpu.memory_space<vmem>>) target(%dma_start3A_75 : memref<10240x128xf32, #tpu.memory_space<vmem_shared>>) offsets(%dma_start3A_72 : memref<128xi32, #tpu.memory_space<vmem>>) semaphore(%run_scoped3A : memref<!tpu.dma_semaphore, #tpu.memory_space<semaphore_mem>>) {add = true}
        %dma_wait3A_76 = arith.constant 0 : i32
        %dma_wait3A_77 = tpu.memref_slice %arg8[%mul3A_43, %dma_wait3A_76] : memref<40x128xi32, #tpu.memory_space<vmem>> -> memref<1x128xi32, #tpu.memory_space<vmem>>
        %dma_wait3A_78 = tpu.memref_squeeze %dma_wait3A_77 : memref<1x128xi32, #tpu.memory_space<vmem>> -> memref<128xi32, #tpu.memory_space<vmem>>
        %dma_wait3A_79 = arith.constant 0 : i32
        %dma_wait3A_80 = arith.constant 0 : i32
        %dma_wait3A_81 = tpu.memref_slice %arg11[%dma_wait3A_79, %dma_wait3A_80] : memref<10240x128xf32, #tpu.memory_space<vmem_shared>> -> memref<10240x128xf32, #tpu.memory_space<vmem_shared>>
        tpu.wait_indirect_dma semaphore(%run_scoped3A : memref<!tpu.dma_semaphore, #tpu.memory_space<semaphore_mem>>) src(%arg9 : memref<128x128xf32, #tpu.memory_space<vmem>>) dst(%dma_wait3A_81 : memref<10240x128xf32, #tpu.memory_space<vmem_shared>>)
        tpu.yield
      }) : () -> ()
      %add3A_58 = arith.constant 1 : i32
      %add3A_59 = arith.addi %add3A_46, %add3A_58 : i32
      %lt3A = arith.constant 40 : i32
      %lt3A_60 = arith.cmpi slt, %add3A_59, %lt3A : i32
      %convert_element_type3A_61 = arith.extui %lt3A_60 : i1 to i32
      %cond3A_62 = arith.constant 0 : i32
      %cond3A_63 = arith.cmpi ne, %convert_element_type3A_61, %cond3A_62 : i32
      scf.if %cond3A_63 {
        %add3A_70 = arith.constant 1 : i32
        %add3A_71 = arith.addi %add3A_46, %add3A_70 : i32
        %dma_start3A_72 = arith.constant 0 : i32
        %dma_start3A_73 = tpu.memref_slice %arg7[%add3A_71, %dma_start3A_72] : memref<40x128xi32, #tpu.memory_space<vmem>> -> memref<1x128xi32, #tpu.memory_space<vmem>>
        %dma_start3A_74 = tpu.memref_squeeze %dma_start3A_73 : memref<1x128xi32, #tpu.memory_space<vmem>> -> memref<128xi32, #tpu.memory_space<vmem>>
        %dma_start3A_75 = arith.constant 0 : i32
        %dma_start3A_76 = arith.constant 0 : i32
        %dma_start3A_77 = tpu.memref_slice %arg2[%dma_start3A_75, %dma_start3A_76] : memref<20480x128xf32, #tpu.memory_space<hbm>> -> memref<20480x128xf32, #tpu.memory_space<hbm>>
        tpu.enqueue_indirect_dma source(%dma_start3A_77 : memref<20480x128xf32, #tpu.memory_space<hbm>>) target(%arg9 : memref<128x128xf32, #tpu.memory_space<vmem>>) offsets(%dma_start3A_74 : memref<128xi32, #tpu.memory_space<vmem>>) semaphore(%arg12 : memref<!tpu.dma_semaphore, #tpu.memory_space<semaphore_mem>>)
      } else {
      }
      %dma_wait3A_64 = arith.constant 0 : i32
      %dma_wait3A_65 = tpu.memref_slice %arg7[%add3A_46, %dma_wait3A_64] : memref<40x128xi32, #tpu.memory_space<vmem>> -> memref<1x128xi32, #tpu.memory_space<vmem>>
      %dma_wait3A_66 = tpu.memref_squeeze %dma_wait3A_65 : memref<1x128xi32, #tpu.memory_space<vmem>> -> memref<128xi32, #tpu.memory_space<vmem>>
      %dma_wait3A_67 = arith.constant 0 : i32
      %dma_wait3A_68 = arith.constant 0 : i32
      %dma_wait3A_69 = tpu.memref_slice %arg2[%dma_wait3A_67, %dma_wait3A_68] : memref<20480x128xf32, #tpu.memory_space<hbm>> -> memref<20480x128xf32, #tpu.memory_space<hbm>>
      tpu.wait_indirect_dma semaphore(%arg13 : memref<!tpu.dma_semaphore, #tpu.memory_space<semaphore_mem>>) src(%dma_wait3A_69 : memref<20480x128xf32, #tpu.memory_space<hbm>>) dst(%arg10 : memref<128x128xf32, #tpu.memory_space<vmem>>)
      "tpu.region"() ({
        %run_scoped3A = tpu.sem_alloc : memref<!tpu.dma_semaphore, #tpu.memory_space<semaphore_mem>>
        %dma_start3A_70 = arith.constant 0 : i32
        %dma_start3A_71 = tpu.memref_slice %arg8[%add3A_46, %dma_start3A_70] : memref<40x128xi32, #tpu.memory_space<vmem>> -> memref<1x128xi32, #tpu.memory_space<vmem>>
        %dma_start3A_72 = tpu.memref_squeeze %dma_start3A_71 : memref<1x128xi32, #tpu.memory_space<vmem>> -> memref<128xi32, #tpu.memory_space<vmem>>
        %dma_start3A_73 = arith.constant 0 : i32
        %dma_start3A_74 = arith.constant 0 : i32
        %dma_start3A_75 = tpu.memref_slice %arg11[%dma_start3A_73, %dma_start3A_74] : memref<10240x128xf32, #tpu.memory_space<vmem_shared>> -> memref<10240x128xf32, #tpu.memory_space<vmem_shared>>
        tpu.enqueue_indirect_dma source(%arg10 : memref<128x128xf32, #tpu.memory_space<vmem>>) target(%dma_start3A_75 : memref<10240x128xf32, #tpu.memory_space<vmem_shared>>) offsets(%dma_start3A_72 : memref<128xi32, #tpu.memory_space<vmem>>) semaphore(%run_scoped3A : memref<!tpu.dma_semaphore, #tpu.memory_space<semaphore_mem>>) {add = true}
        %dma_wait3A_76 = arith.constant 0 : i32
        %dma_wait3A_77 = tpu.memref_slice %arg8[%add3A_46, %dma_wait3A_76] : memref<40x128xi32, #tpu.memory_space<vmem>> -> memref<1x128xi32, #tpu.memory_space<vmem>>
        %dma_wait3A_78 = tpu.memref_squeeze %dma_wait3A_77 : memref<1x128xi32, #tpu.memory_space<vmem>> -> memref<128xi32, #tpu.memory_space<vmem>>
        %dma_wait3A_79 = arith.constant 0 : i32
        %dma_wait3A_80 = arith.constant 0 : i32
        %dma_wait3A_81 = tpu.memref_slice %arg11[%dma_wait3A_79, %dma_wait3A_80] : memref<10240x128xf32, #tpu.memory_space<vmem_shared>> -> memref<10240x128xf32, #tpu.memory_space<vmem_shared>>
        tpu.wait_indirect_dma semaphore(%run_scoped3A : memref<!tpu.dma_semaphore, #tpu.memory_space<semaphore_mem>>) src(%arg10 : memref<128x128xf32, #tpu.memory_space<vmem>>) dst(%dma_wait3A_81 : memref<10240x128xf32, #tpu.memory_space<vmem_shared>>)
        tpu.yield
      }) : () -> ()
    }
    %scan3A_17 = arith.constant 20 : i32
    "tpu.region"() ({
      %run_scoped3A = tpu.sem_alloc : memref<!tpu.dma_semaphore, #tpu.memory_space<semaphore_mem>>
      %dma_start3A_42 = arith.constant 40 : i32
      %dma_start3A_43 = arith.constant 0 : i32
      %dma_start3A_44 = tpu.memref_slice %arg3[%arg0, %arg1, %dma_start3A_42, %dma_start3A_43] : memref<2x16x80x128xi32, #tpu.memory_space<hbm>> -> memref<1x1x40x128xi32, #tpu.memory_space<hbm>>
      %dma_start3A_45 = tpu.memref_squeeze %dma_start3A_44 : memref<1x1x40x128xi32, #tpu.memory_space<hbm>> -> memref<40x128xi32, #tpu.memory_space<hbm>>
      %dma_start3A_46 = arith.constant 40 : i32
      %dma_start3A_47 = arith.constant 0 : i32
      %dma_start3A_48 = tpu.memref_slice %arg3[%arg0, %arg1, %dma_start3A_46, %dma_start3A_47] : memref<2x16x80x128xi32, #tpu.memory_space<hbm>> -> memref<1x1x40x128xi32, #tpu.memory_space<hbm>>
      %dma_start3A_49 = tpu.memref_squeeze %dma_start3A_48 : memref<1x1x40x128xi32, #tpu.memory_space<hbm>> -> memref<40x128xi32, #tpu.memory_space<hbm>>
      tpu.enqueue_dma source(%dma_start3A_49 : memref<40x128xi32, #tpu.memory_space<hbm>>) target(%arg7 : memref<40x128xi32, #tpu.memory_space<vmem>>) target_semaphore(%run_scoped3A : memref<!tpu.dma_semaphore, #tpu.memory_space<semaphore_mem>>)
      %dma_wait3A = arith.constant 40 : i32
      %dma_wait3A_50 = arith.constant 0 : i32
      %dma_wait3A_51 = tpu.memref_slice %arg3[%arg0, %arg1, %dma_wait3A, %dma_wait3A_50] : memref<2x16x80x128xi32, #tpu.memory_space<hbm>> -> memref<1x1x40x128xi32, #tpu.memory_space<hbm>>
      %dma_wait3A_52 = tpu.memref_squeeze %dma_wait3A_51 : memref<1x1x40x128xi32, #tpu.memory_space<hbm>> -> memref<40x128xi32, #tpu.memory_space<hbm>>
      %dma_wait3A_53 = arith.constant 40 : i32
      %dma_wait3A_54 = arith.constant 0 : i32
      %dma_wait3A_55 = tpu.memref_slice %arg3[%arg0, %arg1, %dma_wait3A_53, %dma_wait3A_54] : memref<2x16x80x128xi32, #tpu.memory_space<hbm>> -> memref<1x1x40x128xi32, #tpu.memory_space<hbm>>
      %dma_wait3A_56 = tpu.memref_squeeze %dma_wait3A_55 : memref<1x1x40x128xi32, #tpu.memory_space<hbm>> -> memref<40x128xi32, #tpu.memory_space<hbm>>
      tpu.wait_dma2 semaphore(%run_scoped3A : memref<!tpu.dma_semaphore, #tpu.memory_space<semaphore_mem>>) src(%dma_wait3A_56 : memref<40x128xi32, #tpu.memory_space<hbm>>) dst(%arg7 : memref<40x128xi32, #tpu.memory_space<vmem>>)
      tpu.yield
    }) : () -> ()
    "tpu.region"() ({
      %run_scoped3A = tpu.sem_alloc : memref<!tpu.dma_semaphore, #tpu.memory_space<semaphore_mem>>
      %dma_start3A_42 = arith.constant 40 : i32
      %dma_start3A_43 = arith.constant 0 : i32
      %dma_start3A_44 = tpu.memref_slice %arg4[%arg1, %dma_start3A_42, %dma_start3A_43] : memref<16x80x128xi32, #tpu.memory_space<hbm>> -> memref<1x40x128xi32, #tpu.memory_space<hbm>>
      %dma_start3A_45 = tpu.memref_squeeze %dma_start3A_44 : memref<1x40x128xi32, #tpu.memory_space<hbm>> -> memref<40x128xi32, #tpu.memory_space<hbm>>
      %dma_start3A_46 = arith.constant 40 : i32
      %dma_start3A_47 = arith.constant 0 : i32
      %dma_start3A_48 = tpu.memref_slice %arg4[%arg1, %dma_start3A_46, %dma_start3A_47] : memref<16x80x128xi32, #tpu.memory_space<hbm>> -> memref<1x40x128xi32, #tpu.memory_space<hbm>>
      %dma_start3A_49 = tpu.memref_squeeze %dma_start3A_48 : memref<1x40x128xi32, #tpu.memory_space<hbm>> -> memref<40x128xi32, #tpu.memory_space<hbm>>
      tpu.enqueue_dma source(%dma_start3A_49 : memref<40x128xi32, #tpu.memory_space<hbm>>) target(%arg8 : memref<40x128xi32, #tpu.memory_space<vmem>>) target_semaphore(%run_scoped3A : memref<!tpu.dma_semaphore, #tpu.memory_space<semaphore_mem>>)
      %dma_wait3A = arith.constant 40 : i32
      %dma_wait3A_50 = arith.constant 0 : i32
      %dma_wait3A_51 = tpu.memref_slice %arg4[%arg1, %dma_wait3A, %dma_wait3A_50] : memref<16x80x128xi32, #tpu.memory_space<hbm>> -> memref<1x40x128xi32, #tpu.memory_space<hbm>>
      %dma_wait3A_52 = tpu.memref_squeeze %dma_wait3A_51 : memref<1x40x128xi32, #tpu.memory_space<hbm>> -> memref<40x128xi32, #tpu.memory_space<hbm>>
      %dma_wait3A_53 = arith.constant 40 : i32
      %dma_wait3A_54 = arith.constant 0 : i32
      %dma_wait3A_55 = tpu.memref_slice %arg4[%arg1, %dma_wait3A_53, %dma_wait3A_54] : memref<16x80x128xi32, #tpu.memory_space<hbm>> -> memref<1x40x128xi32, #tpu.memory_space<hbm>>
      %dma_wait3A_56 = tpu.memref_squeeze %dma_wait3A_55 : memref<1x40x128xi32, #tpu.memory_space<hbm>> -> memref<40x128xi32, #tpu.memory_space<hbm>>
      tpu.wait_dma2 semaphore(%run_scoped3A : memref<!tpu.dma_semaphore, #tpu.memory_space<semaphore_mem>>) src(%dma_wait3A_56 : memref<40x128xi32, #tpu.memory_space<hbm>>) dst(%arg8 : memref<40x128xi32, #tpu.memory_space<vmem>>)
      tpu.yield
    }) : () -> ()
    %dma_start3A_18 = arith.constant 0 : i32
    %dma_start3A_19 = arith.constant 0 : i32
    %dma_start3A_20 = tpu.memref_slice %arg7[%dma_start3A_18, %dma_start3A_19] : memref<40x128xi32, #tpu.memory_space<vmem>> -> memref<1x128xi32, #tpu.memory_space<vmem>>
    %dma_start3A_21 = tpu.memref_squeeze %dma_start3A_20 : memref<1x128xi32, #tpu.memory_space<vmem>> -> memref<128xi32, #tpu.memory_space<vmem>>
    %dma_start3A_22 = arith.constant 0 : i32
    %dma_start3A_23 = arith.constant 0 : i32
    %dma_start3A_24 = tpu.memref_slice %arg2[%dma_start3A_22, %dma_start3A_23] : memref<20480x128xf32, #tpu.memory_space<hbm>> -> memref<20480x128xf32, #tpu.memory_space<hbm>>
    tpu.enqueue_indirect_dma source(%dma_start3A_24 : memref<20480x128xf32, #tpu.memory_space<hbm>>) target(%arg9 : memref<128x128xf32, #tpu.memory_space<vmem>>) offsets(%dma_start3A_21 : memref<128xi32, #tpu.memory_space<vmem>>) semaphore(%arg12 : memref<!tpu.dma_semaphore, #tpu.memory_space<semaphore_mem>>)
    %scan3A_25 = arith.constant 0 : i32
    %scan3A_26 = arith.constant 0 : i32
    %scan3A_27 = arith.constant 20 : i32
    %scan3A_28 = arith.addi %scan3A_26, %scan3A_27 : i32
    %scan3A_29 = arith.constant 1 : i32
    scf.for %scan3A_42 = %scan3A_26 to %scan3A_28 step %scan3A_29  : i32 {
      %mul3A = arith.constant 2 : i32
      %mul3A_43 = arith.muli %mul3A, %scan3A_42 : i32
      %mul3A_44 = arith.constant 2 : i32
      %mul3A_45 = arith.muli %mul3A_44, %scan3A_42 : i32
      %add3A = arith.constant 1 : i32
      %add3A_46 = arith.addi %mul3A_45, %add3A : i32
      %dma_start3A_47 = arith.constant 0 : i32
      %dma_start3A_48 = tpu.memref_slice %arg7[%add3A_46, %dma_start3A_47] : memref<40x128xi32, #tpu.memory_space<vmem>> -> memref<1x128xi32, #tpu.memory_space<vmem>>
      %dma_start3A_49 = tpu.memref_squeeze %dma_start3A_48 : memref<1x128xi32, #tpu.memory_space<vmem>> -> memref<128xi32, #tpu.memory_space<vmem>>
      %dma_start3A_50 = arith.constant 0 : i32
      %dma_start3A_51 = arith.constant 0 : i32
      %dma_start3A_52 = tpu.memref_slice %arg2[%dma_start3A_50, %dma_start3A_51] : memref<20480x128xf32, #tpu.memory_space<hbm>> -> memref<20480x128xf32, #tpu.memory_space<hbm>>
      tpu.enqueue_indirect_dma source(%dma_start3A_52 : memref<20480x128xf32, #tpu.memory_space<hbm>>) target(%arg10 : memref<128x128xf32, #tpu.memory_space<vmem>>) offsets(%dma_start3A_49 : memref<128xi32, #tpu.memory_space<vmem>>) semaphore(%arg13 : memref<!tpu.dma_semaphore, #tpu.memory_space<semaphore_mem>>)
      %dma_wait3A = arith.constant 0 : i32
      %dma_wait3A_53 = tpu.memref_slice %arg7[%mul3A_43, %dma_wait3A] : memref<40x128xi32, #tpu.memory_space<vmem>> -> memref<1x128xi32, #tpu.memory_space<vmem>>
      %dma_wait3A_54 = tpu.memref_squeeze %dma_wait3A_53 : memref<1x128xi32, #tpu.memory_space<vmem>> -> memref<128xi32, #tpu.memory_space<vmem>>
      %dma_wait3A_55 = arith.constant 0 : i32
      %dma_wait3A_56 = arith.constant 0 : i32
      %dma_wait3A_57 = tpu.memref_slice %arg2[%dma_wait3A_55, %dma_wait3A_56] : memref<20480x128xf32, #tpu.memory_space<hbm>> -> memref<20480x128xf32, #tpu.memory_space<hbm>>
      tpu.wait_indirect_dma semaphore(%arg12 : memref<!tpu.dma_semaphore, #tpu.memory_space<semaphore_mem>>) src(%dma_wait3A_57 : memref<20480x128xf32, #tpu.memory_space<hbm>>) dst(%arg9 : memref<128x128xf32, #tpu.memory_space<vmem>>)
      "tpu.region"() ({
        %run_scoped3A = tpu.sem_alloc : memref<!tpu.dma_semaphore, #tpu.memory_space<semaphore_mem>>
        %dma_start3A_70 = arith.constant 0 : i32
        %dma_start3A_71 = tpu.memref_slice %arg8[%mul3A_43, %dma_start3A_70] : memref<40x128xi32, #tpu.memory_space<vmem>> -> memref<1x128xi32, #tpu.memory_space<vmem>>
        %dma_start3A_72 = tpu.memref_squeeze %dma_start3A_71 : memref<1x128xi32, #tpu.memory_space<vmem>> -> memref<128xi32, #tpu.memory_space<vmem>>
        %dma_start3A_73 = arith.constant 0 : i32
        %dma_start3A_74 = arith.constant 0 : i32
        %dma_start3A_75 = tpu.memref_slice %arg11[%dma_start3A_73, %dma_start3A_74] : memref<10240x128xf32, #tpu.memory_space<vmem_shared>> -> memref<10240x128xf32, #tpu.memory_space<vmem_shared>>
        tpu.enqueue_indirect_dma source(%arg9 : memref<128x128xf32, #tpu.memory_space<vmem>>) target(%dma_start3A_75 : memref<10240x128xf32, #tpu.memory_space<vmem_shared>>) offsets(%dma_start3A_72 : memref<128xi32, #tpu.memory_space<vmem>>) semaphore(%run_scoped3A : memref<!tpu.dma_semaphore, #tpu.memory_space<semaphore_mem>>) {add = true}
        %dma_wait3A_76 = arith.constant 0 : i32
        %dma_wait3A_77 = tpu.memref_slice %arg8[%mul3A_43, %dma_wait3A_76] : memref<40x128xi32, #tpu.memory_space<vmem>> -> memref<1x128xi32, #tpu.memory_space<vmem>>
        %dma_wait3A_78 = tpu.memref_squeeze %dma_wait3A_77 : memref<1x128xi32, #tpu.memory_space<vmem>> -> memref<128xi32, #tpu.memory_space<vmem>>
        %dma_wait3A_79 = arith.constant 0 : i32
        %dma_wait3A_80 = arith.constant 0 : i32
        %dma_wait3A_81 = tpu.memref_slice %arg11[%dma_wait3A_79, %dma_wait3A_80] : memref<10240x128xf32, #tpu.memory_space<vmem_shared>> -> memref<10240x128xf32, #tpu.memory_space<vmem_shared>>
        tpu.wait_indirect_dma semaphore(%run_scoped3A : memref<!tpu.dma_semaphore, #tpu.memory_space<semaphore_mem>>) src(%arg9 : memref<128x128xf32, #tpu.memory_space<vmem>>) dst(%dma_wait3A_81 : memref<10240x128xf32, #tpu.memory_space<vmem_shared>>)
        tpu.yield
      }) : () -> ()
      %add3A_58 = arith.constant 1 : i32
      %add3A_59 = arith.addi %add3A_46, %add3A_58 : i32
      %lt3A = arith.constant 40 : i32
      %lt3A_60 = arith.cmpi slt, %add3A_59, %lt3A : i32
      %convert_element_type3A_61 = arith.extui %lt3A_60 : i1 to i32
      %cond3A_62 = arith.constant 0 : i32
      %cond3A_63 = arith.cmpi ne, %convert_element_type3A_61, %cond3A_62 : i32
      scf.if %cond3A_63 {
        %add3A_70 = arith.constant 1 : i32
        %add3A_71 = arith.addi %add3A_46, %add3A_70 : i32
        %dma_start3A_72 = arith.constant 0 : i32
        %dma_start3A_73 = tpu.memref_slice %arg7[%add3A_71, %dma_start3A_72] : memref<40x128xi32, #tpu.memory_space<vmem>> -> memref<1x128xi32, #tpu.memory_space<vmem>>
        %dma_start3A_74 = tpu.memref_squeeze %dma_start3A_73 : memref<1x128xi32, #tpu.memory_space<vmem>> -> memref<128xi32, #tpu.memory_space<vmem>>
        %dma_start3A_75 = arith.constant 0 : i32
        %dma_start3A_76 = arith.constant 0 : i32
        %dma_start3A_77 = tpu.memref_slice %arg2[%dma_start3A_75, %dma_start3A_76] : memref<20480x128xf32, #tpu.memory_space<hbm>> -> memref<20480x128xf32, #tpu.memory_space<hbm>>
        tpu.enqueue_indirect_dma source(%dma_start3A_77 : memref<20480x128xf32, #tpu.memory_space<hbm>>) target(%arg9 : memref<128x128xf32, #tpu.memory_space<vmem>>) offsets(%dma_start3A_74 : memref<128xi32, #tpu.memory_space<vmem>>) semaphore(%arg12 : memref<!tpu.dma_semaphore, #tpu.memory_space<semaphore_mem>>)
      } else {
      }
      %dma_wait3A_64 = arith.constant 0 : i32
      %dma_wait3A_65 = tpu.memref_slice %arg7[%add3A_46, %dma_wait3A_64] : memref<40x128xi32, #tpu.memory_space<vmem>> -> memref<1x128xi32, #tpu.memory_space<vmem>>
      %dma_wait3A_66 = tpu.memref_squeeze %dma_wait3A_65 : memref<1x128xi32, #tpu.memory_space<vmem>> -> memref<128xi32, #tpu.memory_space<vmem>>
      %dma_wait3A_67 = arith.constant 0 : i32
      %dma_wait3A_68 = arith.constant 0 : i32
      %dma_wait3A_69 = tpu.memref_slice %arg2[%dma_wait3A_67, %dma_wait3A_68] : memref<20480x128xf32, #tpu.memory_space<hbm>> -> memref<20480x128xf32, #tpu.memory_space<hbm>>
      tpu.wait_indirect_dma semaphore(%arg13 : memref<!tpu.dma_semaphore, #tpu.memory_space<semaphore_mem>>) src(%dma_wait3A_69 : memref<20480x128xf32, #tpu.memory_space<hbm>>) dst(%arg10 : memref<128x128xf32, #tpu.memory_space<vmem>>)
      "tpu.region"() ({
        %run_scoped3A = tpu.sem_alloc : memref<!tpu.dma_semaphore, #tpu.memory_space<semaphore_mem>>
        %dma_start3A_70 = arith.constant 0 : i32
        %dma_start3A_71 = tpu.memref_slice %arg8[%add3A_46, %dma_start3A_70] : memref<40x128xi32, #tpu.memory_space<vmem>> -> memref<1x128xi32, #tpu.memory_space<vmem>>
        %dma_start3A_72 = tpu.memref_squeeze %dma_start3A_71 : memref<1x128xi32, #tpu.memory_space<vmem>> -> memref<128xi32, #tpu.memory_space<vmem>>
        %dma_start3A_73 = arith.constant 0 : i32
        %dma_start3A_74 = arith.constant 0 : i32
        %dma_start3A_75 = tpu.memref_slice %arg11[%dma_start3A_73, %dma_start3A_74] : memref<10240x128xf32, #tpu.memory_space<vmem_shared>> -> memref<10240x128xf32, #tpu.memory_space<vmem_shared>>
        tpu.enqueue_indirect_dma source(%arg10 : memref<128x128xf32, #tpu.memory_space<vmem>>) target(%dma_start3A_75 : memref<10240x128xf32, #tpu.memory_space<vmem_shared>>) offsets(%dma_start3A_72 : memref<128xi32, #tpu.memory_space<vmem>>) semaphore(%run_scoped3A : memref<!tpu.dma_semaphore, #tpu.memory_space<semaphore_mem>>) {add = true}
        %dma_wait3A_76 = arith.constant 0 : i32
        %dma_wait3A_77 = tpu.memref_slice %arg8[%add3A_46, %dma_wait3A_76] : memref<40x128xi32, #tpu.memory_space<vmem>> -> memref<1x128xi32, #tpu.memory_space<vmem>>
        %dma_wait3A_78 = tpu.memref_squeeze %dma_wait3A_77 : memref<1x128xi32, #tpu.memory_space<vmem>> -> memref<128xi32, #tpu.memory_space<vmem>>
        %dma_wait3A_79 = arith.constant 0 : i32
        %dma_wait3A_80 = arith.constant 0 : i32
        %dma_wait3A_81 = tpu.memref_slice %arg11[%dma_wait3A_79, %dma_wait3A_80] : memref<10240x128xf32, #tpu.memory_space<vmem_shared>> -> memref<10240x128xf32, #tpu.memory_space<vmem_shared>>
        tpu.wait_indirect_dma semaphore(%run_scoped3A : memref<!tpu.dma_semaphore, #tpu.memory_space<semaphore_mem>>) src(%arg10 : memref<128x128xf32, #tpu.memory_space<vmem>>) dst(%dma_wait3A_81 : memref<10240x128xf32, #tpu.memory_space<vmem_shared>>)
        tpu.yield
      }) : () -> ()
    }
    %scan3A_30 = arith.constant 20 : i32
    %barrier3A_31 = arith.constant 0 : index
    tpu.barrier barrier_id(%barrier3A_31)
    %eq3A_32 = arith.constant 0 : i32
    %eq3A_33 = arith.cmpi eq, %arg1, %eq3A_32 : i32
    %convert_element_type3A_34 = arith.extui %eq3A_33 : i1 to i32
    %cond3A_35 = arith.constant 0 : i32
    %cond3A_36 = arith.cmpi ne, %convert_element_type3A_34, %cond3A_35 : i32
    scf.if %cond3A_36 {
      "tpu.region"() ({
        %run_scoped3A = tpu.sem_alloc : memref<!tpu.dma_semaphore, #tpu.memory_space<semaphore_mem>>
        %dma_start3A_42 = arith.constant 0 : i32
        %dma_start3A_43 = arith.constant 0 : i32
        %dma_start3A_44 = tpu.memref_slice %arg6[%arg0, %dma_start3A_42, %dma_start3A_43] : memref<2x10240x128xf32, #tpu.memory_space<hbm>> -> memref<1x5120x128xf32, #tpu.memory_space<hbm>>
        %dma_start3A_45 = tpu.memref_squeeze %dma_start3A_44 : memref<1x5120x128xf32, #tpu.memory_space<hbm>> -> memref<5120x128xf32, #tpu.memory_space<hbm>>
        %dma_start3A_46 = arith.constant 0 : i32
        %dma_start3A_47 = arith.constant 0 : i32
        %dma_start3A_48 = tpu.memref_slice %arg11[%dma_start3A_46, %dma_start3A_47] : memref<10240x128xf32, #tpu.memory_space<vmem_shared>> -> memref<5120x128xf32, #tpu.memory_space<vmem_shared>>
        tpu.enqueue_dma source(%dma_start3A_48 : memref<5120x128xf32, #tpu.memory_space<vmem_shared>>) target(%dma_start3A_45 : memref<5120x128xf32, #tpu.memory_space<hbm>>) target_semaphore(%run_scoped3A : memref<!tpu.dma_semaphore, #tpu.memory_space<semaphore_mem>>)
        %dma_wait3A = arith.constant 0 : i32
        %dma_wait3A_49 = arith.constant 0 : i32
        %dma_wait3A_50 = tpu.memref_slice %arg6[%arg0, %dma_wait3A, %dma_wait3A_49] : memref<2x10240x128xf32, #tpu.memory_space<hbm>> -> memref<1x5120x128xf32, #tpu.memory_space<hbm>>
        %dma_wait3A_51 = tpu.memref_squeeze %dma_wait3A_50 : memref<1x5120x128xf32, #tpu.memory_space<hbm>> -> memref<5120x128xf32, #tpu.memory_space<hbm>>
        %dma_wait3A_52 = arith.constant 0 : i32
        %dma_wait3A_53 = arith.constant 0 : i32
        %dma_wait3A_54 = tpu.memref_slice %arg11[%dma_wait3A_52, %dma_wait3A_53] : memref<10240x128xf32, #tpu.memory_space<vmem_shared>> -> memref<5120x128xf32, #tpu.memory_space<vmem_shared>>
        tpu.wait_dma2 semaphore(%run_scoped3A : memref<!tpu.dma_semaphore, #tpu.memory_space<semaphore_mem>>) src(%dma_wait3A_54 : memref<5120x128xf32, #tpu.memory_space<vmem_shared>>) dst(%dma_wait3A_51 : memref<5120x128xf32, #tpu.memory_space<hbm>>)
        tpu.yield
      }) : () -> ()
    } else {
    }
    %eq3A_37 = arith.constant 1 : i32
    %eq3A_38 = arith.cmpi eq, %arg1, %eq3A_37 : i32
    %convert_element_type3A_39 = arith.extui %eq3A_38 : i1 to i32
    %cond3A_40 = arith.constant 0 : i32
    %cond3A_41 = arith.cmpi ne, %convert_element_type3A_39, %cond3A_40 : i32
    scf.if %cond3A_41 {
      "tpu.region"() ({
        %run_scoped3A = tpu.sem_alloc : memref<!tpu.dma_semaphore, #tpu.memory_space<semaphore_mem>>
        %dma_start3A_42 = arith.constant 5120 : i32
        %dma_start3A_43 = arith.constant 0 : i32
        %dma_start3A_44 = tpu.memref_slice %arg6[%arg0, %dma_start3A_42, %dma_start3A_43] : memref<2x10240x128xf32, #tpu.memory_space<hbm>> -> memref<1x5120x128xf32, #tpu.memory_space<hbm>>
        %dma_start3A_45 = tpu.memref_squeeze %dma_start3A_44 : memref<1x5120x128xf32, #tpu.memory_space<hbm>> -> memref<5120x128xf32, #tpu.memory_space<hbm>>
        %dma_start3A_46 = arith.constant 5120 : i32
        %dma_start3A_47 = arith.constant 0 : i32
        %dma_start3A_48 = tpu.memref_slice %arg11[%dma_start3A_46, %dma_start3A_47] : memref<10240x128xf32, #tpu.memory_space<vmem_shared>> -> memref<5120x128xf32, #tpu.memory_space<vmem_shared>>
        tpu.enqueue_dma source(%dma_start3A_48 : memref<5120x128xf32, #tpu.memory_space<vmem_shared>>) target(%dma_start3A_45 : memref<5120x128xf32, #tpu.memory_space<hbm>>) target_semaphore(%run_scoped3A : memref<!tpu.dma_semaphore, #tpu.memory_space<semaphore_mem>>)
        %dma_wait3A = arith.constant 5120 : i32
        %dma_wait3A_49 = arith.constant 0 : i32
        %dma_wait3A_50 = tpu.memref_slice %arg6[%arg0, %dma_wait3A, %dma_wait3A_49] : memref<2x10240x128xf32, #tpu.memory_space<hbm>> -> memref<1x5120x128xf32, #tpu.memory_space<hbm>>
        %dma_wait3A_51 = tpu.memref_squeeze %dma_wait3A_50 : memref<1x5120x128xf32, #tpu.memory_space<hbm>> -> memref<5120x128xf32, #tpu.memory_space<hbm>>
        %dma_wait3A_52 = arith.constant 5120 : i32
        %dma_wait3A_53 = arith.constant 0 : i32
        %dma_wait3A_54 = tpu.memref_slice %arg11[%dma_wait3A_52, %dma_wait3A_53] : memref<10240x128xf32, #tpu.memory_space<vmem_shared>> -> memref<5120x128xf32, #tpu.memory_space<vmem_shared>>
        tpu.wait_dma2 semaphore(%run_scoped3A : memref<!tpu.dma_semaphore, #tpu.memory_space<semaphore_mem>>) src(%dma_wait3A_54 : memref<5120x128xf32, #tpu.memory_space<vmem_shared>>) dst(%dma_wait3A_51 : memref<5120x128xf32, #tpu.memory_space<hbm>>)
        tpu.yield
      }) : () -> ()
    } else {
    }
    return
  }
}

#map = affine_map<(d0, d1) -> (0, 0)>
#map1 = affine_map<(d0, d1) -> (0, 0, 0, 0)>
#map2 = affine_map<(d0, d1) -> (0, 0, 0)>
module attributes {stable_mosaic.version = 14 : i64} {
  func.func @_prop_kernel(%arg0: i32, %arg1: i32, %arg2: memref<20480x128xf32, #tpu.memory_space<hbm>>, %arg3: memref<2x16x80x128xi32, #tpu.memory_space<hbm>>, %arg4: memref<16x80x128xi32, #tpu.memory_space<hbm>>, %arg5: memref<10240x128xf32, #tpu.memory_space<hbm>>, %arg6: memref<2x10240x128xf32, #tpu.memory_space<hbm>>, %arg7: memref<40x128xi32, #tpu.memory_space<vmem>>, %arg8: memref<40x128xi32, #tpu.memory_space<vmem>>, %arg9: memref<128x128xf32, #tpu.memory_space<vmem>>, %arg10: memref<128x128xf32, #tpu.memory_space<vmem>>, %arg11: memref<10240x128xf32, #tpu.memory_space<vmem_shared>>, %arg12: memref<!tpu.dma_semaphore, #tpu.memory_space<semaphore_mem>>, %arg13: memref<!tpu.dma_semaphore, #tpu.memory_space<semaphore_mem>>) attributes {dimension_semantics = [#tpu.dimension_semantics<core_parallel>, #tpu.dimension_semantics<subcore_parallel>], iteration_bounds = array<i64: 2, 16>, scalar_prefetch = 0 : i64, scratch_operands = 7 : i64, tpu.core_type = #tpu.core_type<sc_vector_subcore>, window_params = [{transform_indices = #map}, {transform_indices = #map1}, {transform_indices = #map2}, {transform_indices = #map}, {transform_indices = #map2}]} {
    %eq3A = arith.constant 0 : i32
    %eq3A_0 = arith.cmpi eq, %arg1, %eq3A : i32
    %convert_element_type3A = arith.extui %eq3A_0 : i1 to i32
    %cond3A = arith.constant 0 : i32
    %cond3A_1 = arith.cmpi ne, %convert_element_type3A, %cond3A : i32
    scf.if %cond3A_1 {
      "tpu.region"() ({
        %run_scoped3A = tpu.sem_alloc : memref<!tpu.dma_semaphore, #tpu.memory_space<semaphore_mem>>
        %dma_start3A_42 = arith.constant 0 : i32
        %dma_start3A_43 = arith.constant 0 : i32
        %dma_start3A_44 = tpu.memref_slice %arg11[%dma_start3A_42, %dma_start3A_43] : memref<10240x128xf32, #tpu.memory_space<vmem_shared>> -> memref<5120x128xf32, #tpu.memory_space<vmem_shared>>
        %dma_start3A_45 = arith.constant 0 : i32
        %dma_start3A_46 = arith.constant 0 : i32
        %dma_start3A_47 = tpu.memref_slice %arg5[%dma_start3A_45, %dma_start3A_46] : memref<10240x128xf32, #tpu.memory_space<hbm>> -> memref<5120x128xf32, #tpu.memory_space<hbm>>
        tpu.enqueue_dma source(%dma_start3A_47 : memref<5120x128xf32, #tpu.memory_space<hbm>>) target(%dma_start3A_44 : memref<5120x128xf32, #tpu.memory_space<vmem_shared>>) target_semaphore(%run_scoped3A : memref<!tpu.dma_semaphore, #tpu.memory_space<semaphore_mem>>)
        %dma_wait3A = arith.constant 0 : i32
        %dma_wait3A_48 = arith.constant 0 : i32
        %dma_wait3A_49 = tpu.memref_slice %arg11[%dma_wait3A, %dma_wait3A_48] : memref<10240x128xf32, #tpu.memory_space<vmem_shared>> -> memref<5120x128xf32, #tpu.memory_space<vmem_shared>>
        %dma_wait3A_50 = arith.constant 0 : i32
        %dma_wait3A_51 = arith.constant 0 : i32
        %dma_wait3A_52 = tpu.memref_slice %arg5[%dma_wait3A_50, %dma_wait3A_51] : memref<10240x128xf32, #tpu.memory_space<hbm>> -> memref<5120x128xf32, #tpu.memory_space<hbm>>
        tpu.wait_dma2 semaphore(%run_scoped3A : memref<!tpu.dma_semaphore, #tpu.memory_space<semaphore_mem>>) src(%dma_wait3A_52 : memref<5120x128xf32, #tpu.memory_space<hbm>>) dst(%dma_wait3A_49 : memref<5120x128xf32, #tpu.memory_space<vmem_shared>>)
        tpu.yield
      }) : () -> ()
    } else {
    }
    %eq3A_2 = arith.constant 1 : i32
    %eq3A_3 = arith.cmpi eq, %arg1, %eq3A_2 : i32
    %convert_element_type3A_4 = arith.extui %eq3A_3 : i1 to i32
    %cond3A_5 = arith.constant 0 : i32
    %cond3A_6 = arith.cmpi ne, %convert_element_type3A_4, %cond3A_5 : i32
    scf.if %cond3A_6 {
      "tpu.region"() ({
        %run_scoped3A = tpu.sem_alloc : memref<!tpu.dma_semaphore, #tpu.memory_space<semaphore_mem>>
        %dma_start3A_42 = arith.constant 5120 : i32
        %dma_start3A_43 = arith.constant 0 : i32
        %dma_start3A_44 = tpu.memref_slice %arg11[%dma_start3A_42, %dma_start3A_43] : memref<10240x128xf32, #tpu.memory_space<vmem_shared>> -> memref<5120x128xf32, #tpu.memory_space<vmem_shared>>
        %dma_start3A_45 = arith.constant 5120 : i32
        %dma_start3A_46 = arith.constant 0 : i32
        %dma_start3A_47 = tpu.memref_slice %arg5[%dma_start3A_45, %dma_start3A_46] : memref<10240x128xf32, #tpu.memory_space<hbm>> -> memref<5120x128xf32, #tpu.memory_space<hbm>>
        tpu.enqueue_dma source(%dma_start3A_47 : memref<5120x128xf32, #tpu.memory_space<hbm>>) target(%dma_start3A_44 : memref<5120x128xf32, #tpu.memory_space<vmem_shared>>) target_semaphore(%run_scoped3A : memref<!tpu.dma_semaphore, #tpu.memory_space<semaphore_mem>>)
        %dma_wait3A = arith.constant 5120 : i32
        %dma_wait3A_48 = arith.constant 0 : i32
        %dma_wait3A_49 = tpu.memref_slice %arg11[%dma_wait3A, %dma_wait3A_48] : memref<10240x128xf32, #tpu.memory_space<vmem_shared>> -> memref<5120x128xf32, #tpu.memory_space<vmem_shared>>
        %dma_wait3A_50 = arith.constant 5120 : i32
        %dma_wait3A_51 = arith.constant 0 : i32
        %dma_wait3A_52 = tpu.memref_slice %arg5[%dma_wait3A_50, %dma_wait3A_51] : memref<10240x128xf32, #tpu.memory_space<hbm>> -> memref<5120x128xf32, #tpu.memory_space<hbm>>
        tpu.wait_dma2 semaphore(%run_scoped3A : memref<!tpu.dma_semaphore, #tpu.memory_space<semaphore_mem>>) src(%dma_wait3A_52 : memref<5120x128xf32, #tpu.memory_space<hbm>>) dst(%dma_wait3A_49 : memref<5120x128xf32, #tpu.memory_space<vmem_shared>>)
        tpu.yield
      }) : () -> ()
    } else {
    }
    %barrier3A = arith.constant 0 : index
    tpu.barrier barrier_id(%barrier3A)
    "tpu.region"() ({
      %run_scoped3A = tpu.sem_alloc : memref<!tpu.dma_semaphore, #tpu.memory_space<semaphore_mem>>
      %dma_start3A_42 = arith.constant 0 : i32
      %dma_start3A_43 = arith.constant 0 : i32
      %dma_start3A_44 = tpu.memref_slice %arg3[%arg0, %arg1, %dma_start3A_42, %dma_start3A_43] : memref<2x16x80x128xi32, #tpu.memory_space<hbm>> -> memref<1x1x40x128xi32, #tpu.memory_space<hbm>>
      %dma_start3A_45 = tpu.memref_squeeze %dma_start3A_44 : memref<1x1x40x128xi32, #tpu.memory_space<hbm>> -> memref<40x128xi32, #tpu.memory_space<hbm>>
      %dma_start3A_46 = arith.constant 0 : i32
      %dma_start3A_47 = arith.constant 0 : i32
      %dma_start3A_48 = tpu.memref_slice %arg3[%arg0, %arg1, %dma_start3A_46, %dma_start3A_47] : memref<2x16x80x128xi32, #tpu.memory_space<hbm>> -> memref<1x1x40x128xi32, #tpu.memory_space<hbm>>
      %dma_start3A_49 = tpu.memref_squeeze %dma_start3A_48 : memref<1x1x40x128xi32, #tpu.memory_space<hbm>> -> memref<40x128xi32, #tpu.memory_space<hbm>>
      tpu.enqueue_dma source(%dma_start3A_49 : memref<40x128xi32, #tpu.memory_space<hbm>>) target(%arg7 : memref<40x128xi32, #tpu.memory_space<vmem>>) target_semaphore(%run_scoped3A : memref<!tpu.dma_semaphore, #tpu.memory_space<semaphore_mem>>)
      %dma_wait3A = arith.constant 0 : i32
      %dma_wait3A_50 = arith.constant 0 : i32
      %dma_wait3A_51 = tpu.memref_slice %arg3[%arg0, %arg1, %dma_wait3A, %dma_wait3A_50] : memref<2x16x80x128xi32, #tpu.memory_space<hbm>> -> memref<1x1x40x128xi32, #tpu.memory_space<hbm>>
      %dma_wait3A_52 = tpu.memref_squeeze %dma_wait3A_51 : memref<1x1x40x128xi32, #tpu.memory_space<hbm>> -> memref<40x128xi32, #tpu.memory_space<hbm>>
      %dma_wait3A_53 = arith.constant 0 : i32
      %dma_wait3A_54 = arith.constant 0 : i32
      %dma_wait3A_55 = tpu.memref_slice %arg3[%arg0, %arg1, %dma_wait3A_53, %dma_wait3A_54] : memref<2x16x80x128xi32, #tpu.memory_space<hbm>> -> memref<1x1x40x128xi32, #tpu.memory_space<hbm>>
      %dma_wait3A_56 = tpu.memref_squeeze %dma_wait3A_55 : memref<1x1x40x128xi32, #tpu.memory_space<hbm>> -> memref<40x128xi32, #tpu.memory_space<hbm>>
      tpu.wait_dma2 semaphore(%run_scoped3A : memref<!tpu.dma_semaphore, #tpu.memory_space<semaphore_mem>>) src(%dma_wait3A_56 : memref<40x128xi32, #tpu.memory_space<hbm>>) dst(%arg7 : memref<40x128xi32, #tpu.memory_space<vmem>>)
      tpu.yield
    }) : () -> ()
    "tpu.region"() ({
      %run_scoped3A = tpu.sem_alloc : memref<!tpu.dma_semaphore, #tpu.memory_space<semaphore_mem>>
      %dma_start3A_42 = arith.constant 0 : i32
      %dma_start3A_43 = arith.constant 0 : i32
      %dma_start3A_44 = tpu.memref_slice %arg4[%arg1, %dma_start3A_42, %dma_start3A_43] : memref<16x80x128xi32, #tpu.memory_space<hbm>> -> memref<1x40x128xi32, #tpu.memory_space<hbm>>
      %dma_start3A_45 = tpu.memref_squeeze %dma_start3A_44 : memref<1x40x128xi32, #tpu.memory_space<hbm>> -> memref<40x128xi32, #tpu.memory_space<hbm>>
      %dma_start3A_46 = arith.constant 0 : i32
      %dma_start3A_47 = arith.constant 0 : i32
      %dma_start3A_48 = tpu.memref_slice %arg4[%arg1, %dma_start3A_46, %dma_start3A_47] : memref<16x80x128xi32, #tpu.memory_space<hbm>> -> memref<1x40x128xi32, #tpu.memory_space<hbm>>
      %dma_start3A_49 = tpu.memref_squeeze %dma_start3A_48 : memref<1x40x128xi32, #tpu.memory_space<hbm>> -> memref<40x128xi32, #tpu.memory_space<hbm>>
      tpu.enqueue_dma source(%dma_start3A_49 : memref<40x128xi32, #tpu.memory_space<hbm>>) target(%arg8 : memref<40x128xi32, #tpu.memory_space<vmem>>) target_semaphore(%run_scoped3A : memref<!tpu.dma_semaphore, #tpu.memory_space<semaphore_mem>>)
      %dma_wait3A = arith.constant 0 : i32
      %dma_wait3A_50 = arith.constant 0 : i32
      %dma_wait3A_51 = tpu.memref_slice %arg4[%arg1, %dma_wait3A, %dma_wait3A_50] : memref<16x80x128xi32, #tpu.memory_space<hbm>> -> memref<1x40x128xi32, #tpu.memory_space<hbm>>
      %dma_wait3A_52 = tpu.memref_squeeze %dma_wait3A_51 : memref<1x40x128xi32, #tpu.memory_space<hbm>> -> memref<40x128xi32, #tpu.memory_space<hbm>>
      %dma_wait3A_53 = arith.constant 0 : i32
      %dma_wait3A_54 = arith.constant 0 : i32
      %dma_wait3A_55 = tpu.memref_slice %arg4[%arg1, %dma_wait3A_53, %dma_wait3A_54] : memref<16x80x128xi32, #tpu.memory_space<hbm>> -> memref<1x40x128xi32, #tpu.memory_space<hbm>>
      %dma_wait3A_56 = tpu.memref_squeeze %dma_wait3A_55 : memref<1x40x128xi32, #tpu.memory_space<hbm>> -> memref<40x128xi32, #tpu.memory_space<hbm>>
      tpu.wait_dma2 semaphore(%run_scoped3A : memref<!tpu.dma_semaphore, #tpu.memory_space<semaphore_mem>>) src(%dma_wait3A_56 : memref<40x128xi32, #tpu.memory_space<hbm>>) dst(%arg8 : memref<40x128xi32, #tpu.memory_space<vmem>>)
      tpu.yield
    }) : () -> ()
    %dma_start3A = arith.constant 0 : i32
    %dma_start3A_7 = arith.constant 0 : i32
    %dma_start3A_8 = tpu.memref_slice %arg7[%dma_start3A, %dma_start3A_7] : memref<40x128xi32, #tpu.memory_space<vmem>> -> memref<1x128xi32, #tpu.memory_space<vmem>>
    %dma_start3A_9 = tpu.memref_squeeze %dma_start3A_8 : memref<1x128xi32, #tpu.memory_space<vmem>> -> memref<128xi32, #tpu.memory_space<vmem>>
    %dma_start3A_10 = arith.constant 0 : i32
    %dma_start3A_11 = arith.constant 0 : i32
    %dma_start3A_12 = tpu.memref_slice %arg2[%dma_start3A_10, %dma_start3A_11] : memref<20480x128xf32, #tpu.memory_space<hbm>> -> memref<20480x128xf32, #tpu.memory_space<hbm>>
    tpu.enqueue_indirect_dma source(%dma_start3A_12 : memref<20480x128xf32, #tpu.memory_space<hbm>>) target(%arg9 : memref<128x128xf32, #tpu.memory_space<vmem>>) offsets(%dma_start3A_9 : memref<128xi32, #tpu.memory_space<vmem>>) semaphore(%arg12 : memref<!tpu.dma_semaphore, #tpu.memory_space<semaphore_mem>>)
    %scan3A = arith.constant 0 : i32
    %scan3A_13 = arith.constant 0 : i32
    %scan3A_14 = arith.constant 20 : i32
    %scan3A_15 = arith.addi %scan3A_13, %scan3A_14 : i32
    %scan3A_16 = arith.constant 1 : i32
    scf.for %scan3A_42 = %scan3A_13 to %scan3A_15 step %scan3A_16  : i32 {
      %mul3A = arith.constant 2 : i32
      %mul3A_43 = arith.muli %mul3A, %scan3A_42 : i32
      %mul3A_44 = arith.constant 2 : i32
      %mul3A_45 = arith.muli %mul3A_44, %scan3A_42 : i32
      %add3A = arith.constant 1 : i32
      %add3A_46 = arith.addi %mul3A_45, %add3A : i32
      %dma_start3A_47 = arith.constant 0 : i32
      %dma_start3A_48 = tpu.memref_slice %arg7[%add3A_46, %dma_start3A_47] : memref<40x128xi32, #tpu.memory_space<vmem>> -> memref<1x128xi32, #tpu.memory_space<vmem>>
      %dma_start3A_49 = tpu.memref_squeeze %dma_start3A_48 : memref<1x128xi32, #tpu.memory_space<vmem>> -> memref<128xi32, #tpu.memory_space<vmem>>
      %dma_start3A_50 = arith.constant 0 : i32
      %dma_start3A_51 = arith.constant 0 : i32
      %dma_start3A_52 = tpu.memref_slice %arg2[%dma_start3A_50, %dma_start3A_51] : memref<20480x128xf32, #tpu.memory_space<hbm>> -> memref<20480x128xf32, #tpu.memory_space<hbm>>
      tpu.enqueue_indirect_dma source(%dma_start3A_52 : memref<20480x128xf32, #tpu.memory_space<hbm>>) target(%arg10 : memref<128x128xf32, #tpu.memory_space<vmem>>) offsets(%dma_start3A_49 : memref<128xi32, #tpu.memory_space<vmem>>) semaphore(%arg13 : memref<!tpu.dma_semaphore, #tpu.memory_space<semaphore_mem>>)
      %dma_wait3A = arith.constant 0 : i32
      %dma_wait3A_53 = tpu.memref_slice %arg7[%mul3A_43, %dma_wait3A] : memref<40x128xi32, #tpu.memory_space<vmem>> -> memref<1x128xi32, #tpu.memory_space<vmem>>
      %dma_wait3A_54 = tpu.memref_squeeze %dma_wait3A_53 : memref<1x128xi32, #tpu.memory_space<vmem>> -> memref<128xi32, #tpu.memory_space<vmem>>
      %dma_wait3A_55 = arith.constant 0 : i32
      %dma_wait3A_56 = arith.constant 0 : i32
      %dma_wait3A_57 = tpu.memref_slice %arg2[%dma_wait3A_55, %dma_wait3A_56] : memref<20480x128xf32, #tpu.memory_space<hbm>> -> memref<20480x128xf32, #tpu.memory_space<hbm>>
      tpu.wait_indirect_dma semaphore(%arg12 : memref<!tpu.dma_semaphore, #tpu.memory_space<semaphore_mem>>) src(%dma_wait3A_57 : memref<20480x128xf32, #tpu.memory_space<hbm>>) dst(%arg9 : memref<128x128xf32, #tpu.memory_space<vmem>>)
      "tpu.region"() ({
        %run_scoped3A = tpu.sem_alloc : memref<!tpu.dma_semaphore, #tpu.memory_space<semaphore_mem>>
        %dma_start3A_70 = arith.constant 0 : i32
        %dma_start3A_71 = tpu.memref_slice %arg8[%mul3A_43, %dma_start3A_70] : memref<40x128xi32, #tpu.memory_space<vmem>> -> memref<1x128xi32, #tpu.memory_space<vmem>>
        %dma_start3A_72 = tpu.memref_squeeze %dma_start3A_71 : memref<1x128xi32, #tpu.memory_space<vmem>> -> memref<128xi32, #tpu.memory_space<vmem>>
        %dma_start3A_73 = arith.constant 0 : i32
        %dma_start3A_74 = arith.constant 0 : i32
        %dma_start3A_75 = tpu.memref_slice %arg11[%dma_start3A_73, %dma_start3A_74] : memref<10240x128xf32, #tpu.memory_space<vmem_shared>> -> memref<10240x128xf32, #tpu.memory_space<vmem_shared>>
        tpu.enqueue_indirect_dma source(%arg9 : memref<128x128xf32, #tpu.memory_space<vmem>>) target(%dma_start3A_75 : memref<10240x128xf32, #tpu.memory_space<vmem_shared>>) offsets(%dma_start3A_72 : memref<128xi32, #tpu.memory_space<vmem>>) semaphore(%run_scoped3A : memref<!tpu.dma_semaphore, #tpu.memory_space<semaphore_mem>>) {add = true}
        %dma_wait3A_76 = arith.constant 0 : i32
        %dma_wait3A_77 = tpu.memref_slice %arg8[%mul3A_43, %dma_wait3A_76] : memref<40x128xi32, #tpu.memory_space<vmem>> -> memref<1x128xi32, #tpu.memory_space<vmem>>
        %dma_wait3A_78 = tpu.memref_squeeze %dma_wait3A_77 : memref<1x128xi32, #tpu.memory_space<vmem>> -> memref<128xi32, #tpu.memory_space<vmem>>
        %dma_wait3A_79 = arith.constant 0 : i32
        %dma_wait3A_80 = arith.constant 0 : i32
        %dma_wait3A_81 = tpu.memref_slice %arg11[%dma_wait3A_79, %dma_wait3A_80] : memref<10240x128xf32, #tpu.memory_space<vmem_shared>> -> memref<10240x128xf32, #tpu.memory_space<vmem_shared>>
        tpu.wait_indirect_dma semaphore(%run_scoped3A : memref<!tpu.dma_semaphore, #tpu.memory_space<semaphore_mem>>) src(%arg9 : memref<128x128xf32, #tpu.memory_space<vmem>>) dst(%dma_wait3A_81 : memref<10240x128xf32, #tpu.memory_space<vmem_shared>>)
        tpu.yield
      }) : () -> ()
      %add3A_58 = arith.constant 1 : i32
      %add3A_59 = arith.addi %add3A_46, %add3A_58 : i32
      %lt3A = arith.constant 40 : i32
      %lt3A_60 = arith.cmpi slt, %add3A_59, %lt3A : i32
      %convert_element_type3A_61 = arith.extui %lt3A_60 : i1 to i32
      %cond3A_62 = arith.constant 0 : i32
      %cond3A_63 = arith.cmpi ne, %convert_element_type3A_61, %cond3A_62 : i32
      scf.if %cond3A_63 {
        %add3A_70 = arith.constant 1 : i32
        %add3A_71 = arith.addi %add3A_46, %add3A_70 : i32
        %dma_start3A_72 = arith.constant 0 : i32
        %dma_start3A_73 = tpu.memref_slice %arg7[%add3A_71, %dma_start3A_72] : memref<40x128xi32, #tpu.memory_space<vmem>> -> memref<1x128xi32, #tpu.memory_space<vmem>>
        %dma_start3A_74 = tpu.memref_squeeze %dma_start3A_73 : memref<1x128xi32, #tpu.memory_space<vmem>> -> memref<128xi32, #tpu.memory_space<vmem>>
        %dma_start3A_75 = arith.constant 0 : i32
        %dma_start3A_76 = arith.constant 0 : i32
        %dma_start3A_77 = tpu.memref_slice %arg2[%dma_start3A_75, %dma_start3A_76] : memref<20480x128xf32, #tpu.memory_space<hbm>> -> memref<20480x128xf32, #tpu.memory_space<hbm>>
        tpu.enqueue_indirect_dma source(%dma_start3A_77 : memref<20480x128xf32, #tpu.memory_space<hbm>>) target(%arg9 : memref<128x128xf32, #tpu.memory_space<vmem>>) offsets(%dma_start3A_74 : memref<128xi32, #tpu.memory_space<vmem>>) semaphore(%arg12 : memref<!tpu.dma_semaphore, #tpu.memory_space<semaphore_mem>>)
      } else {
      }
      %dma_wait3A_64 = arith.constant 0 : i32
      %dma_wait3A_65 = tpu.memref_slice %arg7[%add3A_46, %dma_wait3A_64] : memref<40x128xi32, #tpu.memory_space<vmem>> -> memref<1x128xi32, #tpu.memory_space<vmem>>
      %dma_wait3A_66 = tpu.memref_squeeze %dma_wait3A_65 : memref<1x128xi32, #tpu.memory_space<vmem>> -> memref<128xi32, #tpu.memory_space<vmem>>
      %dma_wait3A_67 = arith.constant 0 : i32
      %dma_wait3A_68 = arith.constant 0 : i32
      %dma_wait3A_69 = tpu.memref_slice %arg2[%dma_wait3A_67, %dma_wait3A_68] : memref<20480x128xf32, #tpu.memory_space<hbm>> -> memref<20480x128xf32, #tpu.memory_space<hbm>>
      tpu.wait_indirect_dma semaphore(%arg13 : memref<!tpu.dma_semaphore, #tpu.memory_space<semaphore_mem>>) src(%dma_wait3A_69 : memref<20480x128xf32, #tpu.memory_space<hbm>>) dst(%arg10 : memref<128x128xf32, #tpu.memory_space<vmem>>)
      "tpu.region"() ({
        %run_scoped3A = tpu.sem_alloc : memref<!tpu.dma_semaphore, #tpu.memory_space<semaphore_mem>>
        %dma_start3A_70 = arith.constant 0 : i32
        %dma_start3A_71 = tpu.memref_slice %arg8[%add3A_46, %dma_start3A_70] : memref<40x128xi32, #tpu.memory_space<vmem>> -> memref<1x128xi32, #tpu.memory_space<vmem>>
        %dma_start3A_72 = tpu.memref_squeeze %dma_start3A_71 : memref<1x128xi32, #tpu.memory_space<vmem>> -> memref<128xi32, #tpu.memory_space<vmem>>
        %dma_start3A_73 = arith.constant 0 : i32
        %dma_start3A_74 = arith.constant 0 : i32
        %dma_start3A_75 = tpu.memref_slice %arg11[%dma_start3A_73, %dma_start3A_74] : memref<10240x128xf32, #tpu.memory_space<vmem_shared>> -> memref<10240x128xf32, #tpu.memory_space<vmem_shared>>
        tpu.enqueue_indirect_dma source(%arg10 : memref<128x128xf32, #tpu.memory_space<vmem>>) target(%dma_start3A_75 : memref<10240x128xf32, #tpu.memory_space<vmem_shared>>) offsets(%dma_start3A_72 : memref<128xi32, #tpu.memory_space<vmem>>) semaphore(%run_scoped3A : memref<!tpu.dma_semaphore, #tpu.memory_space<semaphore_mem>>) {add = true}
        %dma_wait3A_76 = arith.constant 0 : i32
        %dma_wait3A_77 = tpu.memref_slice %arg8[%add3A_46, %dma_wait3A_76] : memref<40x128xi32, #tpu.memory_space<vmem>> -> memref<1x128xi32, #tpu.memory_space<vmem>>
        %dma_wait3A_78 = tpu.memref_squeeze %dma_wait3A_77 : memref<1x128xi32, #tpu.memory_space<vmem>> -> memref<128xi32, #tpu.memory_space<vmem>>
        %dma_wait3A_79 = arith.constant 0 : i32
        %dma_wait3A_80 = arith.constant 0 : i32
        %dma_wait3A_81 = tpu.memref_slice %arg11[%dma_wait3A_79, %dma_wait3A_80] : memref<10240x128xf32, #tpu.memory_space<vmem_shared>> -> memref<10240x128xf32, #tpu.memory_space<vmem_shared>>
        tpu.wait_indirect_dma semaphore(%run_scoped3A : memref<!tpu.dma_semaphore, #tpu.memory_space<semaphore_mem>>) src(%arg10 : memref<128x128xf32, #tpu.memory_space<vmem>>) dst(%dma_wait3A_81 : memref<10240x128xf32, #tpu.memory_space<vmem_shared>>)
        tpu.yield
      }) : () -> ()
    }
    %scan3A_17 = arith.constant 20 : i32
    "tpu.region"() ({
      %run_scoped3A = tpu.sem_alloc : memref<!tpu.dma_semaphore, #tpu.memory_space<semaphore_mem>>
      %dma_start3A_42 = arith.constant 40 : i32
      %dma_start3A_43 = arith.constant 0 : i32
      %dma_start3A_44 = tpu.memref_slice %arg3[%arg0, %arg1, %dma_start3A_42, %dma_start3A_43] : memref<2x16x80x128xi32, #tpu.memory_space<hbm>> -> memref<1x1x40x128xi32, #tpu.memory_space<hbm>>
      %dma_start3A_45 = tpu.memref_squeeze %dma_start3A_44 : memref<1x1x40x128xi32, #tpu.memory_space<hbm>> -> memref<40x128xi32, #tpu.memory_space<hbm>>
      %dma_start3A_46 = arith.constant 40 : i32
      %dma_start3A_47 = arith.constant 0 : i32
      %dma_start3A_48 = tpu.memref_slice %arg3[%arg0, %arg1, %dma_start3A_46, %dma_start3A_47] : memref<2x16x80x128xi32, #tpu.memory_space<hbm>> -> memref<1x1x40x128xi32, #tpu.memory_space<hbm>>
      %dma_start3A_49 = tpu.memref_squeeze %dma_start3A_48 : memref<1x1x40x128xi32, #tpu.memory_space<hbm>> -> memref<40x128xi32, #tpu.memory_space<hbm>>
      tpu.enqueue_dma source(%dma_start3A_49 : memref<40x128xi32, #tpu.memory_space<hbm>>) target(%arg7 : memref<40x128xi32, #tpu.memory_space<vmem>>) target_semaphore(%run_scoped3A : memref<!tpu.dma_semaphore, #tpu.memory_space<semaphore_mem>>)
      %dma_wait3A = arith.constant 40 : i32
      %dma_wait3A_50 = arith.constant 0 : i32
      %dma_wait3A_51 = tpu.memref_slice %arg3[%arg0, %arg1, %dma_wait3A, %dma_wait3A_50] : memref<2x16x80x128xi32, #tpu.memory_space<hbm>> -> memref<1x1x40x128xi32, #tpu.memory_space<hbm>>
      %dma_wait3A_52 = tpu.memref_squeeze %dma_wait3A_51 : memref<1x1x40x128xi32, #tpu.memory_space<hbm>> -> memref<40x128xi32, #tpu.memory_space<hbm>>
      %dma_wait3A_53 = arith.constant 40 : i32
      %dma_wait3A_54 = arith.constant 0 : i32
      %dma_wait3A_55 = tpu.memref_slice %arg3[%arg0, %arg1, %dma_wait3A_53, %dma_wait3A_54] : memref<2x16x80x128xi32, #tpu.memory_space<hbm>> -> memref<1x1x40x128xi32, #tpu.memory_space<hbm>>
      %dma_wait3A_56 = tpu.memref_squeeze %dma_wait3A_55 : memref<1x1x40x128xi32, #tpu.memory_space<hbm>> -> memref<40x128xi32, #tpu.memory_space<hbm>>
      tpu.wait_dma2 semaphore(%run_scoped3A : memref<!tpu.dma_semaphore, #tpu.memory_space<semaphore_mem>>) src(%dma_wait3A_56 : memref<40x128xi32, #tpu.memory_space<hbm>>) dst(%arg7 : memref<40x128xi32, #tpu.memory_space<vmem>>)
      tpu.yield
    }) : () -> ()
    "tpu.region"() ({
      %run_scoped3A = tpu.sem_alloc : memref<!tpu.dma_semaphore, #tpu.memory_space<semaphore_mem>>
      %dma_start3A_42 = arith.constant 40 : i32
      %dma_start3A_43 = arith.constant 0 : i32
      %dma_start3A_44 = tpu.memref_slice %arg4[%arg1, %dma_start3A_42, %dma_start3A_43] : memref<16x80x128xi32, #tpu.memory_space<hbm>> -> memref<1x40x128xi32, #tpu.memory_space<hbm>>
      %dma_start3A_45 = tpu.memref_squeeze %dma_start3A_44 : memref<1x40x128xi32, #tpu.memory_space<hbm>> -> memref<40x128xi32, #tpu.memory_space<hbm>>
      %dma_start3A_46 = arith.constant 40 : i32
      %dma_start3A_47 = arith.constant 0 : i32
      %dma_start3A_48 = tpu.memref_slice %arg4[%arg1, %dma_start3A_46, %dma_start3A_47] : memref<16x80x128xi32, #tpu.memory_space<hbm>> -> memref<1x40x128xi32, #tpu.memory_space<hbm>>
      %dma_start3A_49 = tpu.memref_squeeze %dma_start3A_48 : memref<1x40x128xi32, #tpu.memory_space<hbm>> -> memref<40x128xi32, #tpu.memory_space<hbm>>
      tpu.enqueue_dma source(%dma_start3A_49 : memref<40x128xi32, #tpu.memory_space<hbm>>) target(%arg8 : memref<40x128xi32, #tpu.memory_space<vmem>>) target_semaphore(%run_scoped3A : memref<!tpu.dma_semaphore, #tpu.memory_space<semaphore_mem>>)
      %dma_wait3A = arith.constant 40 : i32
      %dma_wait3A_50 = arith.constant 0 : i32
      %dma_wait3A_51 = tpu.memref_slice %arg4[%arg1, %dma_wait3A, %dma_wait3A_50] : memref<16x80x128xi32, #tpu.memory_space<hbm>> -> memref<1x40x128xi32, #tpu.memory_space<hbm>>
      %dma_wait3A_52 = tpu.memref_squeeze %dma_wait3A_51 : memref<1x40x128xi32, #tpu.memory_space<hbm>> -> memref<40x128xi32, #tpu.memory_space<hbm>>
      %dma_wait3A_53 = arith.constant 40 : i32
      %dma_wait3A_54 = arith.constant 0 : i32
      %dma_wait3A_55 = tpu.memref_slice %arg4[%arg1, %dma_wait3A_53, %dma_wait3A_54] : memref<16x80x128xi32, #tpu.memory_space<hbm>> -> memref<1x40x128xi32, #tpu.memory_space<hbm>>
      %dma_wait3A_56 = tpu.memref_squeeze %dma_wait3A_55 : memref<1x40x128xi32, #tpu.memory_space<hbm>> -> memref<40x128xi32, #tpu.memory_space<hbm>>
      tpu.wait_dma2 semaphore(%run_scoped3A : memref<!tpu.dma_semaphore, #tpu.memory_space<semaphore_mem>>) src(%dma_wait3A_56 : memref<40x128xi32, #tpu.memory_space<hbm>>) dst(%arg8 : memref<40x128xi32, #tpu.memory_space<vmem>>)
      tpu.yield
    }) : () -> ()
    %dma_start3A_18 = arith.constant 0 : i32
    %dma_start3A_19 = arith.constant 0 : i32
    %dma_start3A_20 = tpu.memref_slice %arg7[%dma_start3A_18, %dma_start3A_19] : memref<40x128xi32, #tpu.memory_space<vmem>> -> memref<1x128xi32, #tpu.memory_space<vmem>>
    %dma_start3A_21 = tpu.memref_squeeze %dma_start3A_20 : memref<1x128xi32, #tpu.memory_space<vmem>> -> memref<128xi32, #tpu.memory_space<vmem>>
    %dma_start3A_22 = arith.constant 0 : i32
    %dma_start3A_23 = arith.constant 0 : i32
    %dma_start3A_24 = tpu.memref_slice %arg2[%dma_start3A_22, %dma_start3A_23] : memref<20480x128xf32, #tpu.memory_space<hbm>> -> memref<20480x128xf32, #tpu.memory_space<hbm>>
    tpu.enqueue_indirect_dma source(%dma_start3A_24 : memref<20480x128xf32, #tpu.memory_space<hbm>>) target(%arg9 : memref<128x128xf32, #tpu.memory_space<vmem>>) offsets(%dma_start3A_21 : memref<128xi32, #tpu.memory_space<vmem>>) semaphore(%arg12 : memref<!tpu.dma_semaphore, #tpu.memory_space<semaphore_mem>>)
    %scan3A_25 = arith.constant 0 : i32
    %scan3A_26 = arith.constant 0 : i32
    %scan3A_27 = arith.constant 20 : i32
    %scan3A_28 = arith.addi %scan3A_26, %scan3A_27 : i32
    %scan3A_29 = arith.constant 1 : i32
    scf.for %scan3A_42 = %scan3A_26 to %scan3A_28 step %scan3A_29  : i32 {
      %mul3A = arith.constant 2 : i32
      %mul3A_43 = arith.muli %mul3A, %scan3A_42 : i32
      %mul3A_44 = arith.constant 2 : i32
      %mul3A_45 = arith.muli %mul3A_44, %scan3A_42 : i32
      %add3A = arith.constant 1 : i32
      %add3A_46 = arith.addi %mul3A_45, %add3A : i32
      %dma_start3A_47 = arith.constant 0 : i32
      %dma_start3A_48 = tpu.memref_slice %arg7[%add3A_46, %dma_start3A_47] : memref<40x128xi32, #tpu.memory_space<vmem>> -> memref<1x128xi32, #tpu.memory_space<vmem>>
      %dma_start3A_49 = tpu.memref_squeeze %dma_start3A_48 : memref<1x128xi32, #tpu.memory_space<vmem>> -> memref<128xi32, #tpu.memory_space<vmem>>
      %dma_start3A_50 = arith.constant 0 : i32
      %dma_start3A_51 = arith.constant 0 : i32
      %dma_start3A_52 = tpu.memref_slice %arg2[%dma_start3A_50, %dma_start3A_51] : memref<20480x128xf32, #tpu.memory_space<hbm>> -> memref<20480x128xf32, #tpu.memory_space<hbm>>
      tpu.enqueue_indirect_dma source(%dma_start3A_52 : memref<20480x128xf32, #tpu.memory_space<hbm>>) target(%arg10 : memref<128x128xf32, #tpu.memory_space<vmem>>) offsets(%dma_start3A_49 : memref<128xi32, #tpu.memory_space<vmem>>) semaphore(%arg13 : memref<!tpu.dma_semaphore, #tpu.memory_space<semaphore_mem>>)
      %dma_wait3A = arith.constant 0 : i32
      %dma_wait3A_53 = tpu.memref_slice %arg7[%mul3A_43, %dma_wait3A] : memref<40x128xi32, #tpu.memory_space<vmem>> -> memref<1x128xi32, #tpu.memory_space<vmem>>
      %dma_wait3A_54 = tpu.memref_squeeze %dma_wait3A_53 : memref<1x128xi32, #tpu.memory_space<vmem>> -> memref<128xi32, #tpu.memory_space<vmem>>
      %dma_wait3A_55 = arith.constant 0 : i32
      %dma_wait3A_56 = arith.constant 0 : i32
      %dma_wait3A_57 = tpu.memref_slice %arg2[%dma_wait3A_55, %dma_wait3A_56] : memref<20480x128xf32, #tpu.memory_space<hbm>> -> memref<20480x128xf32, #tpu.memory_space<hbm>>
      tpu.wait_indirect_dma semaphore(%arg12 : memref<!tpu.dma_semaphore, #tpu.memory_space<semaphore_mem>>) src(%dma_wait3A_57 : memref<20480x128xf32, #tpu.memory_space<hbm>>) dst(%arg9 : memref<128x128xf32, #tpu.memory_space<vmem>>)
      "tpu.region"() ({
        %run_scoped3A = tpu.sem_alloc : memref<!tpu.dma_semaphore, #tpu.memory_space<semaphore_mem>>
        %dma_start3A_70 = arith.constant 0 : i32
        %dma_start3A_71 = tpu.memref_slice %arg8[%mul3A_43, %dma_start3A_70] : memref<40x128xi32, #tpu.memory_space<vmem>> -> memref<1x128xi32, #tpu.memory_space<vmem>>
        %dma_start3A_72 = tpu.memref_squeeze %dma_start3A_71 : memref<1x128xi32, #tpu.memory_space<vmem>> -> memref<128xi32, #tpu.memory_space<vmem>>
        %dma_start3A_73 = arith.constant 0 : i32
        %dma_start3A_74 = arith.constant 0 : i32
        %dma_start3A_75 = tpu.memref_slice %arg11[%dma_start3A_73, %dma_start3A_74] : memref<10240x128xf32, #tpu.memory_space<vmem_shared>> -> memref<10240x128xf32, #tpu.memory_space<vmem_shared>>
        tpu.enqueue_indirect_dma source(%arg9 : memref<128x128xf32, #tpu.memory_space<vmem>>) target(%dma_start3A_75 : memref<10240x128xf32, #tpu.memory_space<vmem_shared>>) offsets(%dma_start3A_72 : memref<128xi32, #tpu.memory_space<vmem>>) semaphore(%run_scoped3A : memref<!tpu.dma_semaphore, #tpu.memory_space<semaphore_mem>>) {add = true}
        %dma_wait3A_76 = arith.constant 0 : i32
        %dma_wait3A_77 = tpu.memref_slice %arg8[%mul3A_43, %dma_wait3A_76] : memref<40x128xi32, #tpu.memory_space<vmem>> -> memref<1x128xi32, #tpu.memory_space<vmem>>
        %dma_wait3A_78 = tpu.memref_squeeze %dma_wait3A_77 : memref<1x128xi32, #tpu.memory_space<vmem>> -> memref<128xi32, #tpu.memory_space<vmem>>
        %dma_wait3A_79 = arith.constant 0 : i32
        %dma_wait3A_80 = arith.constant 0 : i32
        %dma_wait3A_81 = tpu.memref_slice %arg11[%dma_wait3A_79, %dma_wait3A_80] : memref<10240x128xf32, #tpu.memory_space<vmem_shared>> -> memref<10240x128xf32, #tpu.memory_space<vmem_shared>>
        tpu.wait_indirect_dma semaphore(%run_scoped3A : memref<!tpu.dma_semaphore, #tpu.memory_space<semaphore_mem>>) src(%arg9 : memref<128x128xf32, #tpu.memory_space<vmem>>) dst(%dma_wait3A_81 : memref<10240x128xf32, #tpu.memory_space<vmem_shared>>)
        tpu.yield
      }) : () -> ()
      %add3A_58 = arith.constant 1 : i32
      %add3A_59 = arith.addi %add3A_46, %add3A_58 : i32
      %lt3A = arith.constant 40 : i32
      %lt3A_60 = arith.cmpi slt, %add3A_59, %lt3A : i32
      %convert_element_type3A_61 = arith.extui %lt3A_60 : i1 to i32
      %cond3A_62 = arith.constant 0 : i32
      %cond3A_63 = arith.cmpi ne, %convert_element_type3A_61, %cond3A_62 : i32
      scf.if %cond3A_63 {
        %add3A_70 = arith.constant 1 : i32
        %add3A_71 = arith.addi %add3A_46, %add3A_70 : i32
        %dma_start3A_72 = arith.constant 0 : i32
        %dma_start3A_73 = tpu.memref_slice %arg7[%add3A_71, %dma_start3A_72] : memref<40x128xi32, #tpu.memory_space<vmem>> -> memref<1x128xi32, #tpu.memory_space<vmem>>
        %dma_start3A_74 = tpu.memref_squeeze %dma_start3A_73 : memref<1x128xi32, #tpu.memory_space<vmem>> -> memref<128xi32, #tpu.memory_space<vmem>>
        %dma_start3A_75 = arith.constant 0 : i32
        %dma_start3A_76 = arith.constant 0 : i32
        %dma_start3A_77 = tpu.memref_slice %arg2[%dma_start3A_75, %dma_start3A_76] : memref<20480x128xf32, #tpu.memory_space<hbm>> -> memref<20480x128xf32, #tpu.memory_space<hbm>>
        tpu.enqueue_indirect_dma source(%dma_start3A_77 : memref<20480x128xf32, #tpu.memory_space<hbm>>) target(%arg9 : memref<128x128xf32, #tpu.memory_space<vmem>>) offsets(%dma_start3A_74 : memref<128xi32, #tpu.memory_space<vmem>>) semaphore(%arg12 : memref<!tpu.dma_semaphore, #tpu.memory_space<semaphore_mem>>)
      } else {
      }
      %dma_wait3A_64 = arith.constant 0 : i32
      %dma_wait3A_65 = tpu.memref_slice %arg7[%add3A_46, %dma_wait3A_64] : memref<40x128xi32, #tpu.memory_space<vmem>> -> memref<1x128xi32, #tpu.memory_space<vmem>>
      %dma_wait3A_66 = tpu.memref_squeeze %dma_wait3A_65 : memref<1x128xi32, #tpu.memory_space<vmem>> -> memref<128xi32, #tpu.memory_space<vmem>>
      %dma_wait3A_67 = arith.constant 0 : i32
      %dma_wait3A_68 = arith.constant 0 : i32
      %dma_wait3A_69 = tpu.memref_slice %arg2[%dma_wait3A_67, %dma_wait3A_68] : memref<20480x128xf32, #tpu.memory_space<hbm>> -> memref<20480x128xf32, #tpu.memory_space<hbm>>
      tpu.wait_indirect_dma semaphore(%arg13 : memref<!tpu.dma_semaphore, #tpu.memory_space<semaphore_mem>>) src(%dma_wait3A_69 : memref<20480x128xf32, #tpu.memory_space<hbm>>) dst(%arg10 : memref<128x128xf32, #tpu.memory_space<vmem>>)
      "tpu.region"() ({
        %run_scoped3A = tpu.sem_alloc : memref<!tpu.dma_semaphore, #tpu.memory_space<semaphore_mem>>
        %dma_start3A_70 = arith.constant 0 : i32
        %dma_start3A_71 = tpu.memref_slice %arg8[%add3A_46, %dma_start3A_70] : memref<40x128xi32, #tpu.memory_space<vmem>> -> memref<1x128xi32, #tpu.memory_space<vmem>>
        %dma_start3A_72 = tpu.memref_squeeze %dma_start3A_71 : memref<1x128xi32, #tpu.memory_space<vmem>> -> memref<128xi32, #tpu.memory_space<vmem>>
        %dma_start3A_73 = arith.constant 0 : i32
        %dma_start3A_74 = arith.constant 0 : i32
        %dma_start3A_75 = tpu.memref_slice %arg11[%dma_start3A_73, %dma_start3A_74] : memref<10240x128xf32, #tpu.memory_space<vmem_shared>> -> memref<10240x128xf32, #tpu.memory_space<vmem_shared>>
        tpu.enqueue_indirect_dma source(%arg10 : memref<128x128xf32, #tpu.memory_space<vmem>>) target(%dma_start3A_75 : memref<10240x128xf32, #tpu.memory_space<vmem_shared>>) offsets(%dma_start3A_72 : memref<128xi32, #tpu.memory_space<vmem>>) semaphore(%run_scoped3A : memref<!tpu.dma_semaphore, #tpu.memory_space<semaphore_mem>>) {add = true}
        %dma_wait3A_76 = arith.constant 0 : i32
        %dma_wait3A_77 = tpu.memref_slice %arg8[%add3A_46, %dma_wait3A_76] : memref<40x128xi32, #tpu.memory_space<vmem>> -> memref<1x128xi32, #tpu.memory_space<vmem>>
        %dma_wait3A_78 = tpu.memref_squeeze %dma_wait3A_77 : memref<1x128xi32, #tpu.memory_space<vmem>> -> memref<128xi32, #tpu.memory_space<vmem>>
        %dma_wait3A_79 = arith.constant 0 : i32
        %dma_wait3A_80 = arith.constant 0 : i32
        %dma_wait3A_81 = tpu.memref_slice %arg11[%dma_wait3A_79, %dma_wait3A_80] : memref<10240x128xf32, #tpu.memory_space<vmem_shared>> -> memref<10240x128xf32, #tpu.memory_space<vmem_shared>>
        tpu.wait_indirect_dma semaphore(%run_scoped3A : memref<!tpu.dma_semaphore, #tpu.memory_space<semaphore_mem>>) src(%arg10 : memref<128x128xf32, #tpu.memory_space<vmem>>) dst(%dma_wait3A_81 : memref<10240x128xf32, #tpu.memory_space<vmem_shared>>)
        tpu.yield
      }) : () -> ()
    }
    %scan3A_30 = arith.constant 20 : i32
    %barrier3A_31 = arith.constant 0 : index
    tpu.barrier barrier_id(%barrier3A_31)
    %eq3A_32 = arith.constant 0 : i32
    %eq3A_33 = arith.cmpi eq, %arg1, %eq3A_32 : i32
    %convert_element_type3A_34 = arith.extui %eq3A_33 : i1 to i32
    %cond3A_35 = arith.constant 0 : i32
    %cond3A_36 = arith.cmpi ne, %convert_element_type3A_34, %cond3A_35 : i32
    scf.if %cond3A_36 {
      "tpu.region"() ({
        %run_scoped3A = tpu.sem_alloc : memref<!tpu.dma_semaphore, #tpu.memory_space<semaphore_mem>>
        %dma_start3A_42 = arith.constant 0 : i32
        %dma_start3A_43 = arith.constant 0 : i32
        %dma_start3A_44 = tpu.memref_slice %arg6[%arg0, %dma_start3A_42, %dma_start3A_43] : memref<2x10240x128xf32, #tpu.memory_space<hbm>> -> memref<1x5120x128xf32, #tpu.memory_space<hbm>>
        %dma_start3A_45 = tpu.memref_squeeze %dma_start3A_44 : memref<1x5120x128xf32, #tpu.memory_space<hbm>> -> memref<5120x128xf32, #tpu.memory_space<hbm>>
        %dma_start3A_46 = arith.constant 0 : i32
        %dma_start3A_47 = arith.constant 0 : i32
        %dma_start3A_48 = tpu.memref_slice %arg11[%dma_start3A_46, %dma_start3A_47] : memref<10240x128xf32, #tpu.memory_space<vmem_shared>> -> memref<5120x128xf32, #tpu.memory_space<vmem_shared>>
        tpu.enqueue_dma source(%dma_start3A_48 : memref<5120x128xf32, #tpu.memory_space<vmem_shared>>) target(%dma_start3A_45 : memref<5120x128xf32, #tpu.memory_space<hbm>>) target_semaphore(%run_scoped3A : memref<!tpu.dma_semaphore, #tpu.memory_space<semaphore_mem>>)
        %dma_wait3A = arith.constant 0 : i32
        %dma_wait3A_49 = arith.constant 0 : i32
        %dma_wait3A_50 = tpu.memref_slice %arg6[%arg0, %dma_wait3A, %dma_wait3A_49] : memref<2x10240x128xf32, #tpu.memory_space<hbm>> -> memref<1x5120x128xf32, #tpu.memory_space<hbm>>
        %dma_wait3A_51 = tpu.memref_squeeze %dma_wait3A_50 : memref<1x5120x128xf32, #tpu.memory_space<hbm>> -> memref<5120x128xf32, #tpu.memory_space<hbm>>
        %dma_wait3A_52 = arith.constant 0 : i32
        %dma_wait3A_53 = arith.constant 0 : i32
        %dma_wait3A_54 = tpu.memref_slice %arg11[%dma_wait3A_52, %dma_wait3A_53] : memref<10240x128xf32, #tpu.memory_space<vmem_shared>> -> memref<5120x128xf32, #tpu.memory_space<vmem_shared>>
        tpu.wait_dma2 semaphore(%run_scoped3A : memref<!tpu.dma_semaphore, #tpu.memory_space<semaphore_mem>>) src(%dma_wait3A_54 : memref<5120x128xf32, #tpu.memory_space<vmem_shared>>) dst(%dma_wait3A_51 : memref<5120x128xf32, #tpu.memory_space<hbm>>)
        tpu.yield
      }) : () -> ()
    } else {
    }
    %eq3A_37 = arith.constant 1 : i32
    %eq3A_38 = arith.cmpi eq, %arg1, %eq3A_37 : i32
    %convert_element_type3A_39 = arith.extui %eq3A_38 : i1 to i32
    %cond3A_40 = arith.constant 0 : i32
    %cond3A_41 = arith.cmpi ne, %convert_element_type3A_39, %cond3A_40 : i32
    scf.if %cond3A_41 {
      "tpu.region"() ({
        %run_scoped3A = tpu.sem_alloc : memref<!tpu.dma_semaphore, #tpu.memory_space<semaphore_mem>>
        %dma_start3A_42 = arith.constant 5120 : i32
        %dma_start3A_43 = arith.constant 0 : i32
        %dma_start3A_44 = tpu.memref_slice %arg6[%arg0, %dma_start3A_42, %dma_start3A_43] : memref<2x10240x128xf32, #tpu.memory_space<hbm>> -> memref<1x5120x128xf32, #tpu.memory_space<hbm>>
        %dma_start3A_45 = tpu.memref_squeeze %dma_start3A_44 : memref<1x5120x128xf32, #tpu.memory_space<hbm>> -> memref<5120x128xf32, #tpu.memory_space<hbm>>
        %dma_start3A_46 = arith.constant 5120 : i32
        %dma_start3A_47 = arith.constant 0 : i32
        %dma_start3A_48 = tpu.memref_slice %arg11[%dma_start3A_46, %dma_start3A_47] : memref<10240x128xf32, #tpu.memory_space<vmem_shared>> -> memref<5120x128xf32, #tpu.memory_space<vmem_shared>>
        tpu.enqueue_dma source(%dma_start3A_48 : memref<5120x128xf32, #tpu.memory_space<vmem_shared>>) target(%dma_start3A_45 : memref<5120x128xf32, #tpu.memory_space<hbm>>) target_semaphore(%run_scoped3A : memref<!tpu.dma_semaphore, #tpu.memory_space<semaphore_mem>>)
        %dma_wait3A = arith.constant 5120 : i32
        %dma_wait3A_49 = arith.constant 0 : i32
        %dma_wait3A_50 = tpu.memref_slice %arg6[%arg0, %dma_wait3A, %dma_wait3A_49] : memref<2x10240x128xf32, #tpu.memory_space<hbm>> -> memref<1x5120x128xf32, #tpu.memory_space<hbm>>
        %dma_wait3A_51 = tpu.memref_squeeze %dma_wait3A_50 : memref<1x5120x128xf32, #tpu.memory_space<hbm>> -> memref<5120x128xf32, #tpu.memory_space<hbm>>
        %dma_wait3A_52 = arith.constant 5120 : i32
        %dma_wait3A_53 = arith.constant 0 : i32
        %dma_wait3A_54 = tpu.memref_slice %arg11[%dma_wait3A_52, %dma_wait3A_53] : memref<10240x128xf32, #tpu.memory_space<vmem_shared>> -> memref<5120x128xf32, #tpu.memory_space<vmem_shared>>
        tpu.wait_dma2 semaphore(%run_scoped3A : memref<!tpu.dma_semaphore, #tpu.memory_space<semaphore_mem>>) src(%dma_wait3A_54 : memref<5120x128xf32, #tpu.memory_space<vmem_shared>>) dst(%dma_wait3A_51 : memref<5120x128xf32, #tpu.memory_space<hbm>>)
        tpu.yield
      }) : () -> ()
    } else {
    }
    return
  }
}

module attributes {stable_mosaic.version = 14 : i64} {
  func.func @_mm_first_body(%arg0: i32, %arg1: memref<1024x256xf32, #tpu.memory_space<vmem>>, %arg2: memref<256x256xf32, #tpu.memory_space<vmem>>, %arg3: memref<2x1024x128xf32, #tpu.memory_space<vmem>>, %arg4: memref<2x1024x128xf32, #tpu.memory_space<vmem>>) attributes {dimension_semantics = [#tpu.dimension_semantics<arbitrary>], iteration_bounds = array<i64: 10>, scalar_prefetch = 0 : i64, scratch_operands = 0 : i64, tpu.core_type = #tpu.core_type<tc>, window_params = [{transform_indices = @transform_0, window_bounds = array<i64: 1024, 256>}, {pipeline_mode = #tpu.pipeline_mode<synchronous>, transform_indices = @transform_1, window_bounds = array<i64: 256, 256>}, {transform_indices = @transform_2, window_bounds = array<i64: 2, 1024, 128>}, {transform_indices = @transform_3, window_bounds = array<i64: 2, 1024, 128>}]} {
    %get3A = arith.constant 0 : index
    %get3A_0 = arith.constant 0 : index
    %get3A_1 = arith.constant 0 : index
    %get3A_2 = vector.load %arg3[%get3A, %get3A_0, %get3A_1] : memref<2x1024x128xf32, #tpu.memory_space<vmem>>, vector<1x1024x1xf32>
    %get3A_3 = vector.shape_cast %get3A_2 : vector<1x1024x1xf32> to vector<1024x1xf32>
    %get3A_4 = arith.constant 1 : index
    %get3A_5 = arith.constant 0 : index
    %get3A_6 = arith.constant 0 : index
    %get3A_7 = vector.load %arg3[%get3A_4, %get3A_5, %get3A_6] : memref<2x1024x128xf32, #tpu.memory_space<vmem>>, vector<1x1024x1xf32>
    %get3A_8 = vector.shape_cast %get3A_7 : vector<1x1024x1xf32> to vector<1024x1xf32>
    %add3A = arith.addf %get3A_3, %get3A_8 : vector<1024x1xf32>
    %add3A_9 = arith.constant 1.000000e+00 : f32
    %add3A_10 = vector.broadcast %add3A_9 : f32 to vector<1024x1xf32>
    %add3A_11 = arith.addf %add3A, %add3A_10 : vector<1024x1xf32>
    %rsqrt3A = math.rsqrt %add3A_11 : vector<1024x1xf32>
    %get3A_12 = arith.constant 0 : index
    %get3A_13 = arith.constant 0 : index
    %get3A_14 = vector.load %arg1[%get3A_12, %get3A_13] : memref<1024x256xf32, #tpu.memory_space<vmem>>, vector<1024x256xf32>
    %get3A_15 = arith.constant 0 : index
    %get3A_16 = arith.constant 0 : index
    %get3A_17 = vector.load %arg2[%get3A_15, %get3A_16] : memref<256x256xf32, #tpu.memory_space<vmem>>, vector<256x256xf32>
    %dot_general3A = arith.constant dense<0.000000e+00> : vector<1024x256xf32>
    %dot_general3A_18 = tpu.matmul %get3A_14, %get3A_17, %dot_general3A {dimension_numbers = #tpu.dot_dimension_numbers<[1], [0], [0], [1], [0, 0, 1, 1], [], []>, precision = #tpu.contract_precision<fp32>, transpose_lhs_hint = false} : vector<1024x256xf32>, vector<256x256xf32>, vector<1024x256xf32> -> vector<1024x256xf32>
    %mul3A = vector.broadcast %rsqrt3A : vector<1024x1xf32> to vector<1024x256xf32>
    %mul3A_19 = arith.mulf %dot_general3A_18, %mul3A : vector<1024x256xf32>
    %slice3A = vector.extract_strided_slice %mul3A_19 {offsets = [0, 0], sizes = [1024, 128], strides = [1, 1]} : vector<1024x256xf32> to vector<1024x128xf32>
    %swap3A = arith.constant 0 : index
    %swap3A_20 = arith.constant 0 : index
    %swap3A_21 = arith.constant 0 : index
    %swap3A_22 = vector.load %arg4[%swap3A, %swap3A_20, %swap3A_21] : memref<2x1024x128xf32, #tpu.memory_space<vmem>>, vector<1x1024x128xf32>
    %swap3A_23 = vector.shape_cast %swap3A_22 : vector<1x1024x128xf32> to vector<1024x128xf32>
    %swap3A_24 = vector.shape_cast %slice3A : vector<1024x128xf32> to vector<1x1024x128xf32>
    tpu.vector_store %arg4[%swap3A, %swap3A_20, %swap3A_21], %swap3A_24 {strides = array<i32>} : memref<2x1024x128xf32, #tpu.memory_space<vmem>>, vector<1x1024x128xf32>,
    %slice3A_25 = vector.extract_strided_slice %mul3A_19 {offsets = [0, 128], sizes = [1024, 128], strides = [1, 1]} : vector<1024x256xf32> to vector<1024x128xf32>
    %swap3A_26 = arith.constant 1 : index
    %swap3A_27 = arith.constant 0 : index
    %swap3A_28 = arith.constant 0 : index
    %swap3A_29 = vector.load %arg4[%swap3A_26, %swap3A_27, %swap3A_28] : memref<2x1024x128xf32, #tpu.memory_space<vmem>>, vector<1x1024x128xf32>
    %swap3A_30 = vector.shape_cast %swap3A_29 : vector<1x1024x128xf32> to vector<1024x128xf32>
    %swap3A_31 = vector.shape_cast %slice3A_25 : vector<1024x128xf32> to vector<1x1024x128xf32>
    tpu.vector_store %arg4[%swap3A_26, %swap3A_27, %swap3A_28], %swap3A_31 {strides = array<i32>} : memref<2x1024x128xf32, #tpu.memory_space<vmem>>, vector<1x1024x128xf32>,
    return
  }
  func.func @transform_0(%arg0: i32) -> (i32, i32) {
    %c0_i32 = arith.constant 0 : i32
    %c0_i32_0 = arith.constant 0 : i32
    return %arg0, %c0_i32 : i32, i32
  }
  func.func @transform_1(%arg0: i32) -> (i32, i32) {
    %c0_i32 = arith.constant 0 : i32
    %c0_i32_0 = arith.constant 0 : i32
    %c0_i32_1 = arith.constant 0 : i32
    return %c0_i32, %c0_i32_0 : i32, i32
  }
  func.func @transform_2(%arg0: i32) -> (i32, i32, i32) {
    %c0_i32 = arith.constant 0 : i32
    %c0_i32_0 = arith.constant 0 : i32
    %c0_i32_1 = arith.constant 0 : i32
    return %c0_i32, %arg0, %c0_i32_0 : i32, i32, i32
  }
  func.func @transform_3(%arg0: i32) -> (i32, i32, i32) {
    %c0_i32 = arith.constant 0 : i32
    %c0_i32_0 = arith.constant 0 : i32
    %c0_i32_1 = arith.constant 0 : i32
    return %c0_i32, %arg0, %c0_i32_0 : i32, i32, i32
  }
}

module attributes {stable_mosaic.version = 14 : i64} {
  func.func @_mm_mid_body(%arg0: i32, %arg1: memref<2x1024x128xf32, #tpu.memory_space<vmem>>, %arg2: memref<2x1024x128xf32, #tpu.memory_space<vmem>>, %arg3: memref<256x256xf32, #tpu.memory_space<vmem>>, %arg4: memref<1x256xf32, #tpu.memory_space<vmem>>, %arg5: memref<2x1024x128xf32, #tpu.memory_space<vmem>>, %arg6: memref<2x1024x128xf32, #tpu.memory_space<vmem>>) attributes {dimension_semantics = [#tpu.dimension_semantics<arbitrary>], iteration_bounds = array<i64: 10>, scalar_prefetch = 0 : i64, scratch_operands = 0 : i64, tpu.core_type = #tpu.core_type<tc>, window_params = [{transform_indices = @transform_0, window_bounds = array<i64: 2, 1024, 128>}, {transform_indices = @transform_1, window_bounds = array<i64: 2, 1024, 128>}, {pipeline_mode = #tpu.pipeline_mode<synchronous>, transform_indices = @transform_2, window_bounds = array<i64: 256, 256>}, {pipeline_mode = #tpu.pipeline_mode<synchronous>, transform_indices = @transform_3, window_bounds = array<i64: 1, 256>}, {transform_indices = @transform_4, window_bounds = array<i64: 2, 1024, 128>}, {transform_indices = @transform_5, window_bounds = array<i64: 2, 1024, 128>}]} {
    %get3A = arith.constant 0 : index
    %get3A_0 = arith.constant 0 : index
    %get3A_1 = arith.constant 0 : index
    %get3A_2 = vector.load %arg5[%get3A, %get3A_0, %get3A_1] : memref<2x1024x128xf32, #tpu.memory_space<vmem>>, vector<1x1024x1xf32>
    %get3A_3 = vector.shape_cast %get3A_2 : vector<1x1024x1xf32> to vector<1024x1xf32>
    %get3A_4 = arith.constant 1 : index
    %get3A_5 = arith.constant 0 : index
    %get3A_6 = arith.constant 0 : index
    %get3A_7 = vector.load %arg5[%get3A_4, %get3A_5, %get3A_6] : memref<2x1024x128xf32, #tpu.memory_space<vmem>>, vector<1x1024x1xf32>
    %get3A_8 = vector.shape_cast %get3A_7 : vector<1x1024x1xf32> to vector<1024x1xf32>
    %add3A = arith.addf %get3A_3, %get3A_8 : vector<1024x1xf32>
    %add3A_9 = arith.constant 1.000000e+00 : f32
    %add3A_10 = vector.broadcast %add3A_9 : f32 to vector<1024x1xf32>
    %add3A_11 = arith.addf %add3A, %add3A_10 : vector<1024x1xf32>
    %rsqrt3A = math.rsqrt %add3A_11 : vector<1024x1xf32>
    %get3A_12 = arith.constant 0 : index
    %get3A_13 = arith.constant 0 : index
    %get3A_14 = arith.constant 0 : index
    %get3A_15 = vector.load %arg1[%get3A_12, %get3A_13, %get3A_14] : memref<2x1024x128xf32, #tpu.memory_space<vmem>>, vector<1x1024x128xf32>
    %get3A_16 = vector.shape_cast %get3A_15 : vector<1x1024x128xf32> to vector<1024x128xf32>
    %get3A_17 = arith.constant 1 : index
    %get3A_18 = arith.constant 0 : index
    %get3A_19 = arith.constant 0 : index
    %get3A_20 = vector.load %arg1[%get3A_17, %get3A_18, %get3A_19] : memref<2x1024x128xf32, #tpu.memory_space<vmem>>, vector<1x1024x128xf32>
    %get3A_21 = vector.shape_cast %get3A_20 : vector<1x1024x128xf32> to vector<1024x128xf32>
    %concatenate3A = tpu.concatenate %get3A_16, %get3A_21 in 1 : vector<1024x128xf32>, vector<1024x128xf32> -> vector<1024x256xf32>
    %get3A_22 = arith.constant 0 : index
    %get3A_23 = arith.constant 0 : index
    %get3A_24 = arith.constant 0 : index
    %get3A_25 = vector.load %arg2[%get3A_22, %get3A_23, %get3A_24] : memref<2x1024x128xf32, #tpu.memory_space<vmem>>, vector<1x1024x128xf32>
    %get3A_26 = vector.shape_cast %get3A_25 : vector<1x1024x128xf32> to vector<1024x128xf32>
    %get3A_27 = arith.constant 1 : index
    %get3A_28 = arith.constant 0 : index
    %get3A_29 = arith.constant 0 : index
    %get3A_30 = vector.load %arg2[%get3A_27, %get3A_28, %get3A_29] : memref<2x1024x128xf32, #tpu.memory_space<vmem>>, vector<1x1024x128xf32>
    %get3A_31 = vector.shape_cast %get3A_30 : vector<1x1024x128xf32> to vector<1024x128xf32>
    %concatenate3A_32 = tpu.concatenate %get3A_26, %get3A_31 in 1 : vector<1024x128xf32>, vector<1024x128xf32> -> vector<1024x256xf32>
    %add3A_33 = arith.addf %concatenate3A, %concatenate3A_32 : vector<1024x256xf32>
    %mul3A = vector.broadcast %rsqrt3A : vector<1024x1xf32> to vector<1024x256xf32>
    %mul3A_34 = arith.mulf %add3A_33, %mul3A : vector<1024x256xf32>
    %get3A_35 = arith.constant 0 : index
    %get3A_36 = arith.constant 0 : index
    %get3A_37 = vector.load %arg4[%get3A_35, %get3A_36] : memref<1x256xf32, #tpu.memory_space<vmem>>, vector<1x256xf32>
    %add3A_38 = vector.broadcast %get3A_37 : vector<1x256xf32> to vector<1024x256xf32>
    %add3A_39 = arith.addf %mul3A_34, %add3A_38 : vector<1024x256xf32>
    %ge3A = arith.constant 0.000000e+00 : f32
    %ge3A_40 = vector.broadcast %ge3A : f32 to vector<1024x256xf32>
    %ge3A_41 = arith.cmpf oge, %add3A_39, %ge3A_40 : vector<1024x256xf32>
    %mul3A_42 = arith.constant 0.00999999977 : f32
    %mul3A_43 = vector.broadcast %mul3A_42 : f32 to vector<1024x256xf32>
    %mul3A_44 = arith.mulf %mul3A_43, %add3A_39 : vector<1024x256xf32>
    %select_n3A = arith.select %ge3A_41, %add3A_39, %mul3A_44 : vector<1024x256xi1>, vector<1024x256xf32>
    %get3A_45 = arith.constant 0 : index
    %get3A_46 = arith.constant 0 : index
    %get3A_47 = vector.load %arg3[%get3A_45, %get3A_46] : memref<256x256xf32, #tpu.memory_space<vmem>>, vector<256x256xf32>
    %dot_general3A = arith.constant dense<0.000000e+00> : vector<1024x256xf32>
    %dot_general3A_48 = tpu.matmul %select_n3A, %get3A_47, %dot_general3A {dimension_numbers = #tpu.dot_dimension_numbers<[1], [0], [0], [1], [0, 0, 1, 1], [], []>, precision = #tpu.contract_precision<fp32>, transpose_lhs_hint = false} : vector<1024x256xf32>, vector<256x256xf32>, vector<1024x256xf32> -> vector<1024x256xf32>
    %mul3A_49 = vector.broadcast %rsqrt3A : vector<1024x1xf32> to vector<1024x256xf32>
    %mul3A_50 = arith.mulf %dot_general3A_48, %mul3A_49 : vector<1024x256xf32>
    %slice3A = vector.extract_strided_slice %mul3A_50 {offsets = [0, 0], sizes = [1024, 128], strides = [1, 1]} : vector<1024x256xf32> to vector<1024x128xf32>
    %swap3A = arith.constant 0 : index
    %swap3A_51 = arith.constant 0 : index
    %swap3A_52 = arith.constant 0 : index
    %swap3A_53 = vector.load %arg6[%swap3A, %swap3A_51, %swap3A_52] : memref<2x1024x128xf32, #tpu.memory_space<vmem>>, vector<1x1024x128xf32>
    %swap3A_54 = vector.shape_cast %swap3A_53 : vector<1x1024x128xf32> to vector<1024x128xf32>
    %swap3A_55 = vector.shape_cast %slice3A : vector<1024x128xf32> to vector<1x1024x128xf32>
    tpu.vector_store %arg6[%swap3A, %swap3A_51, %swap3A_52], %swap3A_55 {strides = array<i32>} : memref<2x1024x128xf32, #tpu.memory_space<vmem>>, vector<1x1024x128xf32>,
    %slice3A_56 = vector.extract_strided_slice %mul3A_50 {offsets = [0, 128], sizes = [1024, 128], strides = [1, 1]} : vector<1024x256xf32> to vector<1024x128xf32>
    %swap3A_57 = arith.constant 1 : index
    %swap3A_58 = arith.constant 0 : index
    %swap3A_59 = arith.constant 0 : index
    %swap3A_60 = vector.load %arg6[%swap3A_57, %swap3A_58, %swap3A_59] : memref<2x1024x128xf32, #tpu.memory_space<vmem>>, vector<1x1024x128xf32>
    %swap3A_61 = vector.shape_cast %swap3A_60 : vector<1x1024x128xf32> to vector<1024x128xf32>
    %swap3A_62 = vector.shape_cast %slice3A_56 : vector<1024x128xf32> to vector<1x1024x128xf32>
    tpu.vector_store %arg6[%swap3A_57, %swap3A_58, %swap3A_59], %swap3A_62 {strides = array<i32>} : memref<2x1024x128xf32, #tpu.memory_space<vmem>>, vector<1x1024x128xf32>,
    return
  }
  func.func @transform_0(%arg0: i32) -> (i32, i32, i32) {
    %c0_i32 = arith.constant 0 : i32
    %c0_i32_0 = arith.constant 0 : i32
    %c0_i32_1 = arith.constant 0 : i32
    return %c0_i32, %arg0, %c0_i32_0 : i32, i32, i32
  }
  func.func @transform_1(%arg0: i32) -> (i32, i32, i32) {
    %c0_i32 = arith.constant 0 : i32
    %c0_i32_0 = arith.constant 0 : i32
    %c0_i32_1 = arith.constant 0 : i32
    return %c0_i32, %arg0, %c0_i32_0 : i32, i32, i32
  }
  func.func @transform_2(%arg0: i32) -> (i32, i32) {
    %c0_i32 = arith.constant 0 : i32
    %c0_i32_0 = arith.constant 0 : i32
    %c0_i32_1 = arith.constant 0 : i32
    return %c0_i32, %c0_i32_0 : i32, i32
  }
  func.func @transform_3(%arg0: i32) -> (i32, i32) {
    %c0_i32 = arith.constant 0 : i32
    %c0_i32_0 = arith.constant 0 : i32
    %c0_i32_1 = arith.constant 0 : i32
    return %c0_i32, %c0_i32_0 : i32, i32
  }
  func.func @transform_4(%arg0: i32) -> (i32, i32, i32) {
    %c0_i32 = arith.constant 0 : i32
    %c0_i32_0 = arith.constant 0 : i32
    %c0_i32_1 = arith.constant 0 : i32
    return %c0_i32, %arg0, %c0_i32_0 : i32, i32, i32
  }
  func.func @transform_5(%arg0: i32) -> (i32, i32, i32) {
    %c0_i32 = arith.constant 0 : i32
    %c0_i32_0 = arith.constant 0 : i32
    %c0_i32_1 = arith.constant 0 : i32
    return %c0_i32, %arg0, %c0_i32_0 : i32, i32, i32
  }
}

module attributes {stable_mosaic.version = 14 : i64} {
  func.func @_pool_body(%arg0: i32, %arg1: memref<2x512x128xf32, #tpu.memory_space<vmem>>, %arg2: memref<2x512x128xf32, #tpu.memory_space<vmem>>, %arg3: memref<1x256xf32, #tpu.memory_space<vmem>>, %arg4: memref<2x512x128xf32, #tpu.memory_space<vmem>>, %arg5: memref<1x1x512xi32, #tpu.memory_space<vmem>>, %arg6: memref<256x2xf32, #tpu.memory_space<vmem>>, %arg7: memref<1x2xf32, #tpu.memory_space<vmem>>, %arg8: memref<64x2xf32, #tpu.memory_space<vmem>>, %arg9: memref<64x256xf32, #tpu.memory_space<vmem>>, %arg10: memref<1x64xf32, #tpu.memory_space<vmem>>) attributes {dimension_semantics = [#tpu.dimension_semantics<arbitrary>], iteration_bounds = array<i64: 20>, scalar_prefetch = 0 : i64, scratch_operands = 2 : i64, tpu.core_type = #tpu.core_type<tc>, window_params = [{transform_indices = @transform_0, window_bounds = array<i64: 2, 512, 128>}, {transform_indices = @transform_1, window_bounds = array<i64: 2, 512, 128>}, {pipeline_mode = #tpu.pipeline_mode<synchronous>, transform_indices = @transform_2, window_bounds = array<i64: 1, 256>}, {transform_indices = @transform_3, window_bounds = array<i64: 2, 512, 128>}, {transform_indices = @transform_4, window_bounds = array<i64: 1, 1, 512>}, {pipeline_mode = #tpu.pipeline_mode<synchronous>, transform_indices = @transform_5, window_bounds = array<i64: 256, 2>}, {pipeline_mode = #tpu.pipeline_mode<synchronous>, transform_indices = @transform_6, window_bounds = array<i64: 1, 2>}, {pipeline_mode = #tpu.pipeline_mode<synchronous>, transform_indices = @transform_7, window_bounds = array<i64: 64, 2>}]} {
    %eq3A = arith.constant 0 : i32
    %eq3A_0 = arith.cmpi eq, %arg0, %eq3A : i32
    %convert_element_type3A = arith.extui %eq3A_0 : i1 to i32
    %cond3A = arith.constant 0 : i32
    %cond3A_1 = arith.cmpi ne, %convert_element_type3A, %cond3A : i32
    scf.if %cond3A_1 {
      %broadcast_in_dim3A_72 = arith.constant 0.000000e+00 : f32
      %broadcast_in_dim3A_73 = vector.broadcast %broadcast_in_dim3A_72 : f32 to vector<64x256xf32>
      %swap3A_74 = arith.constant 0 : index
      %swap3A_75 = arith.constant 0 : index
      %swap3A_76 = vector.load %arg9[%swap3A_74, %swap3A_75] : memref<64x256xf32, #tpu.memory_space<vmem>>, vector<64x256xf32>
      tpu.vector_store %arg9[%swap3A_74, %swap3A_75], %broadcast_in_dim3A_73 {strides = array<i32>} : memref<64x256xf32, #tpu.memory_space<vmem>>, vector<64x256xf32>,
      %broadcast_in_dim3A_77 = arith.constant 0.000000e+00 : f32
      %broadcast_in_dim3A_78 = vector.broadcast %broadcast_in_dim3A_77 : f32 to vector<1x64xf32>
      %swap3A_79 = arith.constant 0 : index
      %swap3A_80 = arith.constant 0 : index
      %swap3A_81 = vector.load %arg10[%swap3A_79, %swap3A_80] : memref<1x64xf32, #tpu.memory_space<vmem>>, vector<1x64xf32>
      tpu.vector_store %arg10[%swap3A_79, %swap3A_80], %broadcast_in_dim3A_78 {strides = array<i32>} : memref<1x64xf32, #tpu.memory_space<vmem>>, vector<1x64xf32>,
    } else {
    }
    %get3A = arith.constant 0 : index
    %get3A_2 = arith.constant 0 : index
    %get3A_3 = arith.constant 0 : index
    %get3A_4 = vector.load %arg4[%get3A, %get3A_2, %get3A_3] : memref<2x512x128xf32, #tpu.memory_space<vmem>>, vector<1x512x1xf32>
    %get3A_5 = vector.shape_cast %get3A_4 : vector<1x512x1xf32> to vector<512x1xf32>
    %get3A_6 = arith.constant 1 : index
    %get3A_7 = arith.constant 0 : index
    %get3A_8 = arith.constant 0 : index
    %get3A_9 = vector.load %arg4[%get3A_6, %get3A_7, %get3A_8] : memref<2x512x128xf32, #tpu.memory_space<vmem>>, vector<1x512x1xf32>
    %get3A_10 = vector.shape_cast %get3A_9 : vector<1x512x1xf32> to vector<512x1xf32>
    %add3A = arith.addf %get3A_5, %get3A_10 : vector<512x1xf32>
    %add3A_11 = arith.constant 1.000000e+00 : f32
    %add3A_12 = vector.broadcast %add3A_11 : f32 to vector<512x1xf32>
    %add3A_13 = arith.addf %add3A, %add3A_12 : vector<512x1xf32>
    %rsqrt3A = math.rsqrt %add3A_13 : vector<512x1xf32>
    %get3A_14 = arith.constant 0 : index
    %get3A_15 = arith.constant 0 : index
    %get3A_16 = arith.constant 0 : index
    %get3A_17 = vector.load %arg1[%get3A_14, %get3A_15, %get3A_16] : memref<2x512x128xf32, #tpu.memory_space<vmem>>, vector<1x512x128xf32>
    %get3A_18 = vector.shape_cast %get3A_17 : vector<1x512x128xf32> to vector<512x128xf32>
    %get3A_19 = arith.constant 1 : index
    %get3A_20 = arith.constant 0 : index
    %get3A_21 = arith.constant 0 : index
    %get3A_22 = vector.load %arg1[%get3A_19, %get3A_20, %get3A_21] : memref<2x512x128xf32, #tpu.memory_space<vmem>>, vector<1x512x128xf32>
    %get3A_23 = vector.shape_cast %get3A_22 : vector<1x512x128xf32> to vector<512x128xf32>
    %concatenate3A = tpu.concatenate %get3A_18, %get3A_23 in 1 : vector<512x128xf32>, vector<512x128xf32> -> vector<512x256xf32>
    %get3A_24 = arith.constant 0 : index
    %get3A_25 = arith.constant 0 : index
    %get3A_26 = arith.constant 0 : index
    %get3A_27 = vector.load %arg2[%get3A_24, %get3A_25, %get3A_26] : memref<2x512x128xf32, #tpu.memory_space<vmem>>, vector<1x512x128xf32>
    %get3A_28 = vector.shape_cast %get3A_27 : vector<1x512x128xf32> to vector<512x128xf32>
    %get3A_29 = arith.constant 1 : index
    %get3A_30 = arith.constant 0 : index
    %get3A_31 = arith.constant 0 : index
    %get3A_32 = vector.load %arg2[%get3A_29, %get3A_30, %get3A_31] : memref<2x512x128xf32, #tpu.memory_space<vmem>>, vector<1x512x128xf32>
    %get3A_33 = vector.shape_cast %get3A_32 : vector<1x512x128xf32> to vector<512x128xf32>
    %concatenate3A_34 = tpu.concatenate %get3A_28, %get3A_33 in 1 : vector<512x128xf32>, vector<512x128xf32> -> vector<512x256xf32>
    %add3A_35 = arith.addf %concatenate3A, %concatenate3A_34 : vector<512x256xf32>
    %mul3A = vector.broadcast %rsqrt3A : vector<512x1xf32> to vector<512x256xf32>
    %mul3A_36 = arith.mulf %add3A_35, %mul3A : vector<512x256xf32>
    %get3A_37 = arith.constant 0 : index
    %get3A_38 = arith.constant 0 : index
    %get3A_39 = vector.load %arg3[%get3A_37, %get3A_38] : memref<1x256xf32, #tpu.memory_space<vmem>>, vector<1x256xf32>
    %add3A_40 = vector.broadcast %get3A_39 : vector<1x256xf32> to vector<512x256xf32>
    %add3A_41 = arith.addf %mul3A_36, %add3A_40 : vector<512x256xf32>
    %get3A_42 = arith.constant 0 : index
    %get3A_43 = arith.constant 0 : index
    %get3A_44 = arith.constant 0 : index
    %get3A_45 = vector.load %arg5[%get3A_42, %get3A_43, %get3A_44] : memref<1x1x512xi32, #tpu.memory_space<vmem>>, vector<1x1x512xi32>
    %get3A_46 = vector.shape_cast %get3A_45 : vector<1x1x512xi32> to vector<512xi32>
    %broadcast_in_dim3A = vector.shape_cast %get3A_46 : vector<512xi32> to vector<512x1xi32>
    %iota3A = tpu.iota {dimensions = array<i32: 1>} : vector<512x64xi32>
    %eq3A_47 = vector.broadcast %broadcast_in_dim3A : vector<512x1xi32> to vector<512x64xi32>
    %eq3A_48 = arith.cmpi eq, %eq3A_47, %iota3A : vector<512x64xi32>
    %convert_element_type3A_49 = arith.extui %eq3A_48 : vector<512x64xi1> to vector<512x64xi32>
    %convert_element_type3A_50 = arith.sitofp %convert_element_type3A_49 : vector<512x64xi32> to vector<512x64xf32>
    %get3A_51 = arith.constant 0 : index
    %get3A_52 = arith.constant 0 : index
    %get3A_53 = vector.load %arg9[%get3A_51, %get3A_52] : memref<64x256xf32, #tpu.memory_space<vmem>>, vector<64x256xf32>
    %dot_general3A = arith.constant dense<0.000000e+00> : vector<64x256xf32>
    %dot_general3A_54 = tpu.matmul %convert_element_type3A_50, %add3A_41, %dot_general3A {dimension_numbers = #tpu.dot_dimension_numbers<[0], [0], [1], [1], [0, 1, 1, 1], [], []>, precision = #tpu.contract_precision<fp32>, transpose_lhs_hint = false} : vector<512x64xf32>, vector<512x256xf32>, vector<64x256xf32> -> vector<64x256xf32>
    %add3A_55 = arith.addf %get3A_53, %dot_general3A_54 : vector<64x256xf32>
    %swap3A = arith.constant 0 : index
    %swap3A_56 = arith.constant 0 : index
    %swap3A_57 = vector.load %arg9[%swap3A, %swap3A_56] : memref<64x256xf32, #tpu.memory_space<vmem>>, vector<64x256xf32>
    tpu.vector_store %arg9[%swap3A, %swap3A_56], %add3A_55 {strides = array<i32>} : memref<64x256xf32, #tpu.memory_space<vmem>>, vector<64x256xf32>,
    %get3A_58 = arith.constant 0 : index
    %get3A_59 = arith.constant 0 : index
    %get3A_60 = vector.load %arg10[%get3A_58, %get3A_59] : memref<1x64xf32, #tpu.memory_space<vmem>>, vector<1x64xf32>
    %reduce_sum3A = arith.constant dense<0.000000e+00> : vector<64xf32>
    %reduce_sum3A_61 = vector.multi_reduction <add>, %convert_element_type3A_50, %reduce_sum3A [0] : vector<512x64xf32> to vector<64xf32>
    %broadcast_in_dim3A_62 = vector.shape_cast %reduce_sum3A_61 : vector<64xf32> to vector<1x64xf32>
    %add3A_63 = arith.addf %get3A_60, %broadcast_in_dim3A_62 : vector<1x64xf32>
    %swap3A_64 = arith.constant 0 : index
    %swap3A_65 = arith.constant 0 : index
    %swap3A_66 = vector.load %arg10[%swap3A_64, %swap3A_65] : memref<1x64xf32, #tpu.memory_space<vmem>>, vector<1x64xf32>
    tpu.vector_store %arg10[%swap3A_64, %swap3A_65], %add3A_63 {strides = array<i32>} : memref<1x64xf32, #tpu.memory_space<vmem>>, vector<1x64xf32>,
    %eq3A_67 = arith.constant 19 : i32
    %eq3A_68 = arith.cmpi eq, %arg0, %eq3A_67 : i32
    %convert_element_type3A_69 = arith.extui %eq3A_68 : i1 to i32
    %cond3A_70 = arith.constant 0 : i32
    %cond3A_71 = arith.cmpi ne, %convert_element_type3A_69, %cond3A_70 : i32
    scf.if %cond3A_71 {
      %get3A_72 = arith.constant 0 : index
      %get3A_73 = arith.constant 0 : index
      %get3A_74 = vector.load %arg9[%get3A_72, %get3A_73] : memref<64x256xf32, #tpu.memory_space<vmem>>, vector<64x256xf32>
      %get3A_75 = arith.constant 0 : index
      %get3A_76 = arith.constant 0 : index
      %get3A_77 = vector.load %arg10[%get3A_75, %get3A_76] : memref<1x64xf32, #tpu.memory_space<vmem>>, vector<1x64xf32>
      %get3A_78 = vector.shape_cast %get3A_77 : vector<1x64xf32> to vector<64xf32>
      %max3A = arith.constant 1.000000e+00 : f32
      %max3A_79 = vector.broadcast %max3A : f32 to vector<64xf32>
      %max3A_80 = arith.maximumf %get3A_78, %max3A_79 : vector<64xf32>
      %broadcast_in_dim3A_81 = vector.shape_cast %max3A_80 : vector<64xf32> to vector<64x1xf32>
      %div3A = vector.broadcast %broadcast_in_dim3A_81 : vector<64x1xf32> to vector<64x256xf32>
      %div3A_82 = arith.divf %get3A_74, %div3A : vector<64x256xf32>
      %get3A_83 = arith.constant 0 : index
      %get3A_84 = arith.constant 0 : index
      %get3A_85 = vector.load %arg6[%get3A_83, %get3A_84] : memref<256x2xf32, #tpu.memory_space<vmem>>, vector<256x2xf32>
      %dot_general3A_86 = arith.constant dense<0.000000e+00> : vector<64x2xf32>
      %dot_general3A_87 = tpu.matmul %div3A_82, %get3A_85, %dot_general3A_86 {dimension_numbers = #tpu.dot_dimension_numbers<[1], [0], [0], [1], [0, 0, 1, 1], [], []>, precision = #tpu.contract_precision<fp32>, transpose_lhs_hint = false} : vector<64x256xf32>, vector<256x2xf32>, vector<64x2xf32> -> vector<64x2xf32>
      %get3A_88 = arith.constant 0 : index
      %get3A_89 = arith.constant 0 : index
      %get3A_90 = vector.load %arg7[%get3A_88, %get3A_89] : memref<1x2xf32, #tpu.memory_space<vmem>>, vector<1x2xf32>
      %add3A_91 = vector.broadcast %get3A_90 : vector<1x2xf32> to vector<64x2xf32>
      %add3A_92 = arith.addf %dot_general3A_87, %add3A_91 : vector<64x2xf32>
      %reduce_max3A = arith.constant dense<0xFF800000> : vector<64xf32>
      %reduce_max3A_93 = vector.multi_reduction <maximumf>, %add3A_92, %reduce_max3A [1] : vector<64x2xf32> to vector<64xf32>
      %broadcast_in_dim3A_94 = vector.shape_cast %reduce_max3A_93 : vector<64xf32> to vector<64x1xf32>
      %sub3A = vector.broadcast %broadcast_in_dim3A_94 : vector<64x1xf32> to vector<64x2xf32>
      %sub3A_95 = arith.subf %add3A_92, %sub3A : vector<64x2xf32>
      %exp3A = math.exp %sub3A_95 : vector<64x2xf32>
      %reduce_sum3A_96 = arith.constant dense<0.000000e+00> : vector<64xf32>
      %reduce_sum3A_97 = vector.multi_reduction <add>, %exp3A, %reduce_sum3A_96 [1] : vector<64x2xf32> to vector<64xf32>
      %broadcast_in_dim3A_98 = vector.shape_cast %reduce_sum3A_97 : vector<64xf32> to vector<64x1xf32>
      %div3A_99 = vector.broadcast %broadcast_in_dim3A_98 : vector<64x1xf32> to vector<64x2xf32>
      %div3A_100 = arith.divf %exp3A, %div3A_99 : vector<64x2xf32>
      %swap3A_101 = arith.constant 0 : index
      %swap3A_102 = arith.constant 0 : index
      %swap3A_103 = vector.load %arg8[%swap3A_101, %swap3A_102] : memref<64x2xf32, #tpu.memory_space<vmem>>, vector<64x2xf32>
      tpu.vector_store %arg8[%swap3A_101, %swap3A_102], %div3A_100 {strides = array<i32>} : memref<64x2xf32, #tpu.memory_space<vmem>>, vector<64x2xf32>,
    } else {
    }
    return
  }
  func.func @transform_0(%arg0: i32) -> (i32, i32, i32) {
    %c0_i32 = arith.constant 0 : i32
    %c0_i32_0 = arith.constant 0 : i32
    %c0_i32_1 = arith.constant 0 : i32
    return %c0_i32, %arg0, %c0_i32_0 : i32, i32, i32
  }
  func.func @transform_1(%arg0: i32) -> (i32, i32, i32) {
    %c0_i32 = arith.constant 0 : i32
    %c0_i32_0 = arith.constant 0 : i32
    %c0_i32_1 = arith.constant 0 : i32
    return %c0_i32, %arg0, %c0_i32_0 : i32, i32, i32
  }
  func.func @transform_2(%arg0: i32) -> (i32, i32) {
    %c0_i32 = arith.constant 0 : i32
    %c0_i32_0 = arith.constant 0 : i32
    %c0_i32_1 = arith.constant 0 : i32
    return %c0_i32, %c0_i32_0 : i32, i32
  }
  func.func @transform_3(%arg0: i32) -> (i32, i32, i32) {
    %c0_i32 = arith.constant 0 : i32
    %c0_i32_0 = arith.constant 0 : i32
    %c0_i32_1 = arith.constant 0 : i32
    return %c0_i32, %arg0, %c0_i32_0 : i32, i32, i32
  }
  func.func @transform_4(%arg0: i32) -> (i32, i32, i32) {
    %c0_i32 = arith.constant 0 : i32
    %c0_i32_0 = arith.constant 0 : i32
    %c0_i32_1 = arith.constant 0 : i32
    return %arg0, %c0_i32, %c0_i32_0 : i32, i32, i32
  }
  func.func @transform_5(%arg0: i32) -> (i32, i32) {
    %c0_i32 = arith.constant 0 : i32
    %c0_i32_0 = arith.constant 0 : i32
    %c0_i32_1 = arith.constant 0 : i32
    return %c0_i32, %c0_i32_0 : i32, i32
  }
  func.func @transform_6(%arg0: i32) -> (i32, i32) {
    %c0_i32 = arith.constant 0 : i32
    %c0_i32_0 = arith.constant 0 : i32
    %c0_i32_1 = arith.constant 0 : i32
    return %c0_i32, %c0_i32_0 : i32, i32
  }
  func.func @transform_7(%arg0: i32) -> (i32, i32) {
    %c0_i32 = arith.constant 0 : i32
    %c0_i32_0 = arith.constant 0 : i32
    %c0_i32_1 = arith.constant 0 : i32
    return %c0_i32, %c0_i32_0 : i32, i32
  }
}

</mosaic_0001>

<sc_bundles>
// kernel: kernel.10.cloned.1.call-start
scs
__scs_entry_jumppad:
0x0: {  	(pc) =	sbr.rel $0x88, $3  }
0x1: {  	(tag) =	ssettag $0x0;
	lr =	simm.s32 $0x1  }
0x2: {  	[smem:$0x3F96] =	sst lr;
	_ =	strace $0xD0000000  }
0x3: {  	_ = 	snop  }
0x4: {  	_ = 	snop  }
0x5: {  	_ = 	snop  }
0x6: {  	_ = 	snop  }
0x7: {  	_ = 	snop  }
__scs_overlays_trampoline_lowered:
0x8: {  	[smem:$0x3FA5] =	sst s0  }
0x9: {  	[smem:$0x3FA6] =	sst s1  }
0xa: {  	[smem:$0x3FA7] =	sst s2  }
0xb: {  	[smem:$0x3FA8] =	sst s3  }
0xc: {  	[smem:$0x3FA9] =	sst s4  }
0xd: {  	[smem:$0x3FAA] =	sst s5  }
0xe: {  	[smem:$0x3FAB] =	sst s6  }
0xf: {  	[smem:$0x3FAC] =	sst s7  }
0x10: {  	[smem:$0x3FAD] =	sst s8  }
0x11: {  	[smem:$0x3FAE] =	sst s9;
	s0 =	simm.s32 @!p0 $0x0  }
0x12: {  	s1 =	sld [smem:$0x3F94];
	s0 =	simm.s32 @p0 $0x1  }
0x13: {  	[smem:$0x3FAF] =	sst s0;
	s0 =	simm.s32 @!p1 $0x0  }
0x14: {  	s2 =	sld [smem:$0x3F93];
	s0 =	simm.s32 @p1 $0x1  }
0x15: {  	[smem:$0x3FB0] =	sst s0;
	s0 =	simm.s32 @!p2 $0x0  }
0x16: {  	s3 =	sld [smem:$0x3FDB];
	s0 =	simm.s32 @p2 $0x1  }
0x17: {  	s4 =	simm.s32 $0x1BF5;
	[smem:$0x3FB2] =	sst s0  }
0x18: {  	s0 =	sld [smem:$0x3F95];
	_ =	swait.ge [sflag:s4], $0x0  }
0x19: {  	s7 =	sld [smem:$0x3F96]  }
0x1a: {  	s8 =	sadd.s32 $0xFFFFE003, lr  }
0x1b: {  	s9 =	sadd.s32 $0xFFFFFEF7, lr;
	s5 =	simm.s32 $0xFFFFFFFF;
	p2 =	slt.u32 s8, $0xFFFFF086  }
0x1c: {  	p1 =	slt.u32 s9, $0xF7A;
	s5 =	simm.s32 @!p2 $0x0  }
0x1d: {  	s5 =	simm.s32 @p1 $0x1;
	p0 =	seq.s32 s7, s2  }
0x1e: {  	s7 =	smul.u32 @!p0 $0xF7A, s2;
	p2 =	seq.s32 @!p0 s5, $0x0  }
0x1f: {  	s9 =	smul.u32 $0xF7A, s1;
	s8 =	simm.s32 @!p0 $0x1BF5;
	p2 =	por !p2, p0  }
0x20: {  	[sflag:s8] =	ssyncset.s32 @!p0 $0xFFFFF086;
	s6 =	sadd.s32 @!p0 s3, s7;
	s7 =	simm.s32 @!p0 $0x108  }
0x21: {  	s3 =	sadd.s32 s3, s9;
	s6 =	sadd.s32 @!p0 $0x88, s6;
	s7 =	simm.s32 @p2 $0x1082  }
0x22: {  	[simem:s7], [sflag:s8] =	dma.local @!p0 [hbm:s6], $0xF7A  }
0x23: {  	s9 =	sor.u32 $0xD0000000, s2;
	s6 =	simm.s32 $0x108;
	_ =	swait.ge @!p0 [sflag:s8], $0x0  }
0x24: {  	s3 =	sadd.s32 $0x88, s3;
	s6 =	simm.s32 @!p1 $0x1082;
	[sflag:s4] =	ssyncset.s32 $0xFFFFF086  }
0x25: {  	[simem:s6], [sflag:s4] =	dma.local [hbm:s3], $0xF7A  }
0x26: {  	[smem:$0x3F96] =	sst s1;
	(tag) =	ssettag s2;
	_ =	strace s9  }
0x27: {  	s1 =	sld [smem:$0x3FA6]  }
0x28: {  	s2 =	sld [smem:$0x3FA7]  }
0x29: {  	s4 =	sld [smem:$0x3FA9]  }
0x2a: {  	p0 =	seq.s32 s5, $0x0;
	s5 =	sld [smem:$0x3FAA]  }
0x2b: {  	s6 =	sld [smem:$0x3FAB]  }
0x2c: {  	s7 =	sld [smem:$0x3FAC]  }
0x2d: {  	s3 =	simm.s32 $0x108;
	s8 =	sld [smem:$0x3FAD]  }
0x2e: {  	s3 =	simm.s32 @!p0 $0x1082;
	s9 =	sld [smem:$0x3FAE]  }
0x2f: {  	lr =	sadd.s32 s0, s3;
	s0 =	sld [smem:$0x3FA5]  }
0x30: {  	s3 =	sld [smem:$0x3FA8]  }
0x31: {  	[smem:$0x3FB1] =	sst s10  }
0x32: {  	s10 =	sld [smem:$0x3FAF];
	_ =	sdelay $0x3  }
0x33: {  	p0 =	seq.s32 s10, $0x1;
	s10 =	sld [smem:$0x3FB1];
	_ =	sdelay $0x3  }
0x34: {  	[smem:$0x3FB1] =	sst s10  }
0x35: {  	s10 =	sld [smem:$0x3FB0];
	_ =	sdelay $0x3  }
0x36: {  	p1 =	seq.s32 s10, $0x1;
	s10 =	sld [smem:$0x3FB1];
	_ =	sdelay $0x3  }
0x37: {  	[smem:$0x3FB1] =	sst s10  }
0x38: {  	s10 =	sld [smem:$0x3FB2]  }
0x39: {  	_ = 	snop;
	(pc) =	sbr.ind lr, $3  }
0x3a: {  	_ = 	snop  }
0x3b: {  	_ = 	snop  }
0x3c: {  	p2 =	seq.s32 s10, $0x1;
	s10 =	sld [smem:$0x3FB1]  }
0x3d: {  	_ =	shalt  }
0x3e: {  	_ =	shalt  }
0x3f: {  	_ =	shalt  }
0x40: {  	_ =	shalt  }
0x41: {  	_ =	shalt  }
0x42: {  	_ =	shalt  }
0x43: {  	_ =	shalt  }
0x44: {  	_ =	shalt  }
0x45: {  	_ =	shalt  }
0x46: {  	_ =	shalt  }
0x47: {  	_ =	shalt  }
0x48: {  	_ =	shalt  }
0x49: {  	_ =	shalt  }
0x4a: {  	_ =	shalt  }
0x4b: {  	_ =	shalt  }
0x4c: {  	_ =	shalt  }
0x4d: {  	_ =	shalt  }
0x4e: {  	_ =	shalt  }
0x4f: {  	_ =	shalt  }
0x50: {  	_ =	shalt  }
0x51: {  	_ =	shalt  }
0x52: {  	_ =	shalt  }
0x53: {  	_ =	shalt  }
0x54: {  	_ =	shalt  }
0x55: {  	_ =	shalt  }
0x56: {  	_ =	shalt  }
0x57: {  	_ =	shalt  }
0x58: {  	_ =	shalt  }
0x59: {  	_ =	shalt  }
0x5a: {  	_ =	shalt  }
0x5b: {  	_ =	shalt  }
0x5c: {  	_ =	shalt  }
0x5d: {  	_ =	shalt  }
0x5e: {  	_ =	shalt  }
0x5f: {  	_ =	shalt  }
0x60: {  	_ =	shalt  }
0x61: {  	_ =	shalt  }
0x62: {  	_ =	shalt  }
0x63: {  	_ =	shalt  }
0x64: {  	_ =	shalt  }
0x65: {  	_ =	shalt  }
0x66: {  	_ =	shalt  }
0x67: {  	_ =	shalt  }
0x68: {  	_ =	shalt  }
0x69: {  	_ =	shalt  }
0x6a: {  	_ =	shalt  }
0x6b: {  	_ =	shalt  }
0x6c: {  	_ =	shalt  }
0x6d: {  	_ =	shalt  }
0x6e: {  	_ =	shalt  }
0x6f: {  	_ =	shalt  }
0x70: {  	_ =	shalt  }
0x71: {  	_ =	shalt  }
0x72: {  	_ =	shalt  }
0x73: {  	_ =	shalt  }
0x74: {  	_ =	shalt  }
0x75: {  	_ =	shalt  }
0x76: {  	_ =	shalt  }
0x77: {  	_ =	shalt  }
0x78: {  	_ =	shalt  }
0x79: {  	_ =	shalt  }
0x7a: {  	_ =	shalt  }
0x7b: {  	_ =	shalt  }
0x7c: {  	_ =	shalt  }
0x7d: {  	_ =	shalt  }
0x7e: {  	_ =	shalt  }
0x7f: {  	_ =	shalt  }
0x80: {  	_ =	shalt  }
0x81: {  	_ =	shalt  }
0x82: {  	_ =	shalt  }
0x83: {  	_ =	shalt  }
0x84: {  	_ =	shalt  }
0x85: {  	_ =	shalt  }
0x86: {  	_ =	shalt  }
0x87: {  	_ =	shalt  }
.Lfunc_end0:
.L_simem_size_0:
called_computation_lowered:
.L_overlay_start_0:
0x88: {  	s2 =	sld [smem:$0x3FD9]  }
0x89: {  	s3 =	sld [smem:$0x3FFE];
	_ =	sdelay $0x1  }
0x8a: {  	s1 =	srdreg.scid  }
0x8b: {  	s0 =	sand.u32 $0x1, s1  }
0x8c: {  	s16 =	sshll.u32 s0, $0xA;
	s2 =	sadd.s32 s3, s2  }
0x8d: {  	s2 =	sadd.s32 s2, s16  }
0x8e: {  	[smem:$0x3FBD] =	sst s2  }
0x8f: {  	_ = 	snop  }
0x90: {  	(tm) =	ssettm $0x1  }
0x91: {  	s17 =	sld [smem:$0x3FFB];
	_ =	sdelay $0x3  }
0x92: {  	_ =	strace s17  }
0x93: {  	s2 =	sld [smem:$0x3FFC];
	_ =	sdelay $0x3  }
0x94: {  	_ =	strace s2  }
0x95: {  	s2 =	sld [smem:$0x3FFD];
	_ =	sdelay $0x3  }
0x96: {  	_ =	strace s2  }
0x97: {  	_ =	strace $0x8FFFFFFF  }
0x98: {  	s18 =	sld [smem:$0x3FDB];
	_ =	sdelay $0x1  }
0x99: {  	s19 =	simm.s32 $_scs_section_size  }
0x9a: {  	s4 =	simm.s32 $_size__tile_overlayer_lowered;
	s5 =	simm.s32 $_tile_overlayer_lowered  }
0x9b: {  	s22 =	simm.s32 $0x1BFF;
	s21 =	sshll.u32 s5, $0x1;
	s2 =	sadd.s32 s19, s18  }
0x9c: {  	s6 =	simm.s32 $0x0;
	s20 =	sshll.u32 s4, $0x1;
	s4 =	sadd.s32 s21, s2  }
0x9d: {  	[timem:s6], [sflag:s22] =	dma.local [hbm:s4], s20  }
0x9e: {  	_ =	swait.ge [sflag:s22], s20  }
0x9f: {  	s3 =	ssub.s32 $0x0, s20;
	[sflag:s22] =	ssyncset.done $0x0  }
0xa0: {  	[sflag:s22] =	ssyncadd.s32 s3;
	_ =	sdelay $0x1  }
0xa1: {  	s23 =	simm.s32 $0x1B8B  }
0xa2: {  	_ =	swait.ge [sflag:s23], $0x1  }
0xa3: {  	[sflag:s23] =	ssyncset.done $0x0  }
0xa4: {  	s25 =	simm.s32 $0x1B8E;
	s24 =	sld [smem:$0x3FFE];
	[sflag:s23] =	ssyncadd.s32 $0xFFFFFFFF  }
0xa5: {  	s26 =	simm.s32 $execute0_lowered;
	[smem:$0x3FD2] =	sst s25  }
0xa6: {  	s4 =	sshll.u32 s26, $0x1;
	_ =	strace $0x80000046;
	[dreg:$0x1] =	wrdreg $0xFFFFFFFF  }
0xa7: {  	s28 =	simm.s32 $_size_execute0_lowered;
	s2 =	sadd.s32 s2, s4;
	[dreg:$0x0] =	wrdreg $0x0  }
0xa8: {  	s4 =	sshll.u32 s28, $0x1;
	[dreg:$0x2] =	wrdreg s2  }
0xa9: {  	[dreg:$0x3] =	wrdreg s4  }
0xaa: {  	[dreg:$0x4] =	wrdreg $0xC0  }
0xab: {  	_ =	task [dreg:s6], $0x5FFFF  }
0xac: {  	[dreg:$0x1] =	wrdreg $0xFFFFFFFF  }
0xad: {  	[dreg:$0x0] =	wrdreg $0x60  }
0xae: {  	[dreg:$0x2] =	wrdreg s24  }
0xaf: {  	[dreg:$0x3] =	wrdreg $0x54000  }
0xb0: {  	[dreg:$0x4] =	wrdreg $0x9  }
0xb1: {  	_ =	task.clear_ibuf [dreg:s6], $0x5FFFF;
	_ =	strace $0x90000046  }
0xb2: {  	s29 =	simm.s32 $0x9;
	_ =	strace $0x80000048  }
0xb3: {  	_ =	swait.ge [sflag:s29], $0x1  }
0xb4: {  	[sflag:s29] =	ssyncadd.s32 $0xFFFFFFFF  }
0xb5: {  	_ =	strace $0x90000048  }
0xb6: {  	_ =	sfence  }
0xb7: {  	s30 =	sld [smem:$0x0];
	_ =	sdelay $0x2  }
0xb8: {  	s31 =	sshll.u32 s1, $0xD;
	s1 =	sshrl.u32 s1, $0x2  }
0xb9: {  	s3 =	sand.u32 $0x4000, s31;
	s1 =	sadd.s32 s1, s30  }
0xba: {  	s0 =	sor.u32 s3, s0;
	s1 =	sshll.u32 s1, $0x11  }
0xbb: {  	s0 =	sor.u32 s1, s0  }
0xbc: {  	s0 =	sadd.s32 $0x8F2B, s0  }
0xbd: {  	[sflag:s0] =	ssyncadd.remote.s32 $0x1  }
0xbe: {  	_ =	sfence.sel $0xFFFF  }
0xbf: {  	[dreg:$0x0] =	wrdreg $0xFFFFFFFF;
	(pc) =	sbr.abs _section_cstart, $3  }
0xc0: {  	[dreg:$0x1] =	wrdreg $0xFFFFFFFF  }
0xc1: {  	_ =	task.clear_ibuf [dreg:s6], $0x2FFFF;
	_ =	strace $0x9FFFFFFF  }
0xc2: {  	(tm) =	ssettm $0x7FFFFFFF  }
0xc3: {  	_ =	shalt  }
tec
execute0_lowered:
.L_overlay_start_1:
0x0: {  	(tag) =	ssettag $0x1  }
0x1: {  	s0 =	srdreg.scid;
	s4 =	rddreg [dreg:$0x0]  }
0x2: {  	s14 =	stileid.u32;
	s2 =	rddreg [dreg:$0x1];
	s3 =	simm.s32 $0x0  }
0x3: {  	s12 =	simm.s32 $0x1400;
	s13 =	simm.s32 $0x2;
	s16 =	simm.s32 $0x80  }
0x4: {  	s19 =	simm.s32 $0x100;
	s20 =	simm.s32 $0xC80;
	s21 =	simm.s32 $0xD00  }
0x5: {  	s22 =	simm.s32 $0xD80;
	s23 =	simm.s32 $0xE00;
	s28 =	simm.s32 $0x1000  }
0x6: {  	s29 =	simm.s32 $0x1080;
	s30 =	simm.s32 $0x1100;
	s31 =	simm.s32 $0x1180  }
0x7: {  	s15 =	simm.s32 $0x1280;
	s0 =	sand.u32 $0x1, s0;
	s1 =	smul.u32 $0x2800, s14  }
0x8: {  	[smem:$0x7FF] =	sst s3;
	s24 =	sadd.s32 $0x8600, s4;
	s9 =	sadd.s32 $0x30E00, s4  }
0x9: {  	p0 =	sne.s32 s14, $0x0;
	p1 =	seq.s32 s14, $0x1;
	s5 =	smul.u32 $0x1400, s0  }
0xa: {  	s14 =	simm.s32 $0x1;
	_ =	strace $0x80000047;
	s8 =	smul.u32 $0x140000, s0  }
0xb: {  	s6 =	ssub.s32 $0x2, s0;
	[dreg:$0x3] =	wrdreg s24;
	s0 =	smul.u32 $0x28000, s0  }
0xc: {  	s24 =	simm.s32 $0xE80;
	s7 =	sshrl.u32 s6, $0x1;
	s1 =	sadd.s32 s5, s1  }
0xd: {  	s5 =	sadd.s32 $0x30600, s4;
	s7 =	ssub.s32 s6, s7;
	s8 =	sshrl.u32 s8, $0x3  }
0xe: {  	s6 =	sadd.s32 $0xA0000, s2;
	s1 =	sshrl.u32 s1, $0x3;
	s25 =	sadd.s32 s9, s8  }
0xf: {  	s9 =	sadd.s32 s9, s0;
	s11 =	smax.u32 s7, $0x1;
	s26 =	sshrl.u32 s6, $0x3  }
0x10: {  	s7 =	simm.s32 $0x1380;
	s0 =	simm.s32 $0x0;
	s1 =	sadd.s32 s1, s4  }
0x11: {  	s4 =	sadd.s32 $0x1C600, s4;
	s10 =	sadd.s32 $0x14000, s25;
	[dreg:$0x5] =	wrdreg s26  }
0x12: {  	s25 =	simm.s32 $0xF00;
	s26 =	simm.s32 $0xF80;
	[dreg:$0x4] =	wrdreg s4  }
0x13: {  	s8 =	sadd.s32 $0x3600, s1;
	s1 =	simm.s32 $0x1200;
	s4 =	simm.s32 $0x1300  }
.LBB2_1:
.Ltmp0:
0x14: {  	(pc) =	sbr.rel @p1 .LBB2_4-.Ltmp0, $4  }
0x15: {  	[tilespmem:s12], [sflag:$0x2] =	stream.linear.gather [hbm4b:s5+s3], $0x4000, $0x38;
	[tilespmem:$0x19400] =	vst v63  }
0x16: {  	_ =	swait.ge [sflag:s13], $0x4000  }
0x17: {  	[sflag:s13] =	ssyncset.done $0x0  }
0x18: {  	[sflag:s13] =	ssyncadd.s32 $0xFFFFC000  }
.Ltmp1:
0x19: {  	(pc) =	sbr.rel @p0 .LBB2_6-.Ltmp1, $2  }
0x1a: {  	_ =	sdelay $0x2  }
0x1b: {  	p2 =	por $0x0, $0x0  }
.Ltmp2:
0x1c: {  	(pc) =	sbr.rel .LBB2_5-.Ltmp2, $4  }
0x1d: {  	_ = 	snop  }
0x1e: {  	s17 =	sshrl.u32 s2, $0x3;
	s18 =	rddreg [dreg:$0x3];
	s20 =	simm.s32 $0x1C02  }
0x1f: {  	[spmem:s17], [sflag:s20] =	dma.local [hbm:s18], $0x14000  }
0x20: {  	s20 =	simm.s32 $0xC80  }
.LBB2_4:
0x21: {  	s17 =	rddreg [dreg:$0x4]  }
0x22: {  	s18 =	rddreg [dreg:$0x5];
	s19 =	simm.s32 $0x1C42  }
0x23: {  	[spmem:s18], [sflag:s19] =	dma.local [hbm:s17], $0x14000  }
0x24: {  	s19 =	simm.s32 $0x100  }
.LBB2_5:
0x25: {  	_ =	swait.ge [sflag:s13], $0x14000  }
0x26: {  	[sflag:s13] =	ssyncset.done $0x0  }
0x27: {  	p2 =	por p0, p0;
	[sflag:s13] =	ssyncadd.s32 $0xFFFEC000  }
.LBB2_6:
0x28: {  	[bflag:$0x0] =	sbarrier.arrive $0xFFFF  }
0x29: {  	[tilespmem:s3], [sflag:$0x2] =	stream.linear.gather [hbm4b:s8+s3], $0x1400, $0x38;
	[tilespmem:$0x19400] =	vst v63  }
0x2a: {  	_ =	swait.ge [sflag:s13], $0x1400  }
0x2b: {  	[sflag:s13] =	ssyncset.done $0x0  }
0x2c: {  	[sflag:s13] =	ssyncadd.s32 $0xFFFFEC00  }
0x2d: {  	[spmem:s2] =	stream.indirect.scatter.add.f32 [tilespmem:s12], [sflag:$0x1], $0x80, s3, s16, $0xb8;
	[tilespmem:$0x19400] =	vst v63  }
0x2e: {  	_ = 	snop  }
0x2f: {  	[spmem:s2] =	stream.indirect.scatter.add.f32 [tilespmem:s12], [sflag:$0x1], $0x80, s16, s16, $0xb8;
	[tilespmem:$0x19400] =	vst v63  }
0x30: {  	_ = 	snop  }
0x31: {  	[spmem:s2] =	stream.indirect.scatter.add.f32 [tilespmem:s12], [sflag:$0x1], $0x80, s19, s16, $0xb8;
	[tilespmem:$0x19400] =	vst v63  }
0x32: {  	s17 =	simm.s32 $0x180  }
0x33: {  	[spmem:s2] =	stream.indirect.scatter.add.f32 [tilespmem:s12], [sflag:$0x1], $0x80, s17, s16, $0xb8;
	[tilespmem:$0x19400] =	vst v63  }
0x34: {  	s18 =	simm.s32 $0x200  }
0x35: {  	[spmem:s2] =	stream.indirect.scatter.add.f32 [tilespmem:s12], [sflag:$0x1], $0x80, s18, s16, $0xb8;
	[tilespmem:$0x19400] =	vst v63  }
0x36: {  	s18 =	simm.s32 $0x280  }
0x37: {  	[spmem:s2] =	stream.indirect.scatter.add.f32 [tilespmem:s12], [sflag:$0x1], $0x80, s18, s16, $0xb8;
	[tilespmem:$0x19400] =	vst v63  }
0x38: {  	s18 =	simm.s32 $0x300  }
0x39: {  	[spmem:s2] =	stream.indirect.scatter.add.f32 [tilespmem:s12], [sflag:$0x1], $0x80, s18, s16, $0xb8;
	[tilespmem:$0x19400] =	vst v63  }
0x3a: {  	s18 =	simm.s32 $0x380  }
0x3b: {  	[spmem:s2] =	stream.indirect.scatter.add.f32 [tilespmem:s12], [sflag:$0x1], $0x80, s18, s16, $0xb8;
	[tilespmem:$0x19400] =	vst v63  }
0x3c: {  	s18 =	simm.s32 $0x400  }
0x3d: {  	[spmem:s2] =	stream.indirect.scatter.add.f32 [tilespmem:s12], [sflag:$0x1], $0x80, s18, s16, $0xb8;
	[tilespmem:$0x19400] =	vst v63  }
0x3e: {  	s18 =	simm.s32 $0x480  }
0x3f: {  	[spmem:s2] =	stream.indirect.scatter.add.f32 [tilespmem:s12], [sflag:$0x1], $0x80, s18, s16, $0xb8;
	[tilespmem:$0x19400] =	vst v63  }
0x40: {  	s18 =	simm.s32 $0x500  }
0x41: {  	[spmem:s2] =	stream.indirect.scatter.add.f32 [tilespmem:s12], [sflag:$0x1], $0x80, s18, s16, $0xb8;
	[tilespmem:$0x19400] =	vst v63  }
0x42: {  	s18 =	simm.s32 $0x580  }
0x43: {  	[spmem:s2] =	stream.indirect.scatter.add.f32 [tilespmem:s12], [sflag:$0x1], $0x80, s18, s16, $0xb8;
	[tilespmem:$0x19400] =	vst v63  }
0x44: {  	s18 =	simm.s32 $0x600  }
0x45: {  	[spmem:s2] =	stream.indirect.scatter.add.f32 [tilespmem:s12], [sflag:$0x1], $0x80, s18, s16, $0xb8;
	[tilespmem:$0x19400] =	vst v63  }
0x46: {  	s18 =	simm.s32 $0x680  }
0x47: {  	[spmem:s2] =	stream.indirect.scatter.add.f32 [tilespmem:s12], [sflag:$0x1], $0x80, s18, s16, $0xb8;
	[tilespmem:$0x19400] =	vst v63  }
0x48: {  	s18 =	simm.s32 $0x700  }
0x49: {  	[spmem:s2] =	stream.indirect.scatter.add.f32 [tilespmem:s12], [sflag:$0x1], $0x80, s18, s16, $0xb8;
	[tilespmem:$0x19400] =	vst v63  }
0x4a: {  	s18 =	simm.s32 $0x780  }
0x4b: {  	[spmem:s2] =	stream.indirect.scatter.add.f32 [tilespmem:s12], [sflag:$0x1], $0x80, s18, s16, $0xb8;
	[tilespmem:$0x19400] =	vst v63  }
0x4c: {  	s18 =	simm.s32 $0x800  }
0x4d: {  	[spmem:s2] =	stream.indirect.scatter.add.f32 [tilespmem:s12], [sflag:$0x1], $0x80, s18, s16, $0xb8;
	[tilespmem:$0x19400] =	vst v63  }
0x4e: {  	s18 =	simm.s32 $0x880  }
0x4f: {  	[spmem:s2] =	stream.indirect.scatter.add.f32 [tilespmem:s12], [sflag:$0x1], $0x80, s18, s16, $0xb8;
	[tilespmem:$0x19400] =	vst v63  }
0x50: {  	s18 =	simm.s32 $0x900  }
0x51: {  	[spmem:s2] =	stream.indirect.scatter.add.f32 [tilespmem:s12], [sflag:$0x1], $0x80, s18, s16, $0xb8;
	[tilespmem:$0x19400] =	vst v63  }
0x52: {  	s18 =	simm.s32 $0x980  }
0x53: {  	[spmem:s2] =	stream.indirect.scatter.add.f32 [tilespmem:s12], [sflag:$0x1], $0x80, s18, s16, $0xb8;
	[tilespmem:$0x19400] =	vst v63  }
0x54: {  	s18 =	simm.s32 $0xA00  }
0x55: {  	[spmem:s2] =	stream.indirect.scatter.add.f32 [tilespmem:s12], [sflag:$0x1], $0x80, s18, s16, $0xb8;
	[tilespmem:$0x19400] =	vst v63  }
0x56: {  	s18 =	simm.s32 $0xA80  }
0x57: {  	[spmem:s2] =	stream.indirect.scatter.add.f32 [tilespmem:s12], [sflag:$0x1], $0x80, s18, s16, $0xb8;
	[tilespmem:$0x19400] =	vst v63  }
0x58: {  	s18 =	simm.s32 $0xB00  }
0x59: {  	[spmem:s2] =	stream.indirect.scatter.add.f32 [tilespmem:s12], [sflag:$0x1], $0x80, s18, s16, $0xb8;
	[tilespmem:$0x19400] =	vst v63  }
0x5a: {  	s18 =	simm.s32 $0xB80  }
0x5b: {  	[spmem:s2] =	stream.indirect.scatter.add.f32 [tilespmem:s12], [sflag:$0x1], $0x80, s18, s16, $0xb8;
	[tilespmem:$0x19400] =	vst v63  }
0x5c: {  	s18 =	simm.s32 $0xC00  }
0x5d: {  	[spmem:s2] =	stream.indirect.scatter.add.f32 [tilespmem:s12], [sflag:$0x1], $0x80, s18, s16, $0xb8;
	[tilespmem:$0x19400] =	vst v63  }
0x5e: {  	_ = 	snop  }
0x5f: {  	[spmem:s2] =	stream.indirect.scatter.add.f32 [tilespmem:s12], [sflag:$0x1], $0x80, s20, s16, $0xb8;
	[tilespmem:$0x19400] =	vst v63  }
0x60: {  	_ = 	snop  }
0x61: {  	[spmem:s2] =	stream.indirect.scatter.add.f32 [tilespmem:s12], [sflag:$0x1], $0x80, s21, s16, $0xb8;
	[tilespmem:$0x19400] =	vst v63  }
0x62: {  	_ = 	snop  }
0x63: {  	[spmem:s2] =	stream.indirect.scatter.add.f32 [tilespmem:s12], [sflag:$0x1], $0x80, s22, s16, $0xb8;
	[tilespmem:$0x19400] =	vst v63  }
0x64: {  	_ = 	snop  }
0x65: {  	[spmem:s2] =	stream.indirect.scatter.add.f32 [tilespmem:s12], [sflag:$0x1], $0x80, s23, s16, $0xb8;
	[tilespmem:$0x19400] =	vst v63  }
0x66: {  	_ = 	snop  }
0x67: {  	[spmem:s2] =	stream.indirect.scatter.add.f32 [tilespmem:s12], [sflag:$0x1], $0x80, s24, s16, $0xb8;
	[tilespmem:$0x19400] =	vst v63  }
0x68: {  	_ = 	snop  }
0x69: {  	[spmem:s2] =	stream.indirect.scatter.add.f32 [tilespmem:s12], [sflag:$0x1], $0x80, s25, s16, $0xb8;
	[tilespmem:$0x19400] =	vst v63  }
0x6a: {  	_ = 	snop  }
0x6b: {  	[spmem:s2] =	stream.indirect.scatter.add.f32 [tilespmem:s12], [sflag:$0x1], $0x80, s26, s16, $0xb8;
	[tilespmem:$0x19400] =	vst v63  }
0x6c: {  	_ = 	snop  }
0x6d: {  	[spmem:s2] =	stream.indirect.scatter.add.f32 [tilespmem:s12], [sflag:$0x1], $0x80, s28, s16, $0xb8;
	[tilespmem:$0x19400] =	vst v63  }
0x6e: {  	_ = 	snop  }
0x6f: {  	[spmem:s2] =	stream.indirect.scatter.add.f32 [tilespmem:s12], [sflag:$0x1], $0x80, s29, s16, $0xb8;
	[tilespmem:$0x19400] =	vst v63  }
0x70: {  	_ = 	snop  }
0x71: {  	[spmem:s2] =	stream.indirect.scatter.add.f32 [tilespmem:s12], [sflag:$0x1], $0x80, s30, s16, $0xb8;
	[tilespmem:$0x19400] =	vst v63  }
0x72: {  	_ = 	snop  }
0x73: {  	[spmem:s2] =	stream.indirect.scatter.add.f32 [tilespmem:s12], [sflag:$0x1], $0x80, s31, s16, $0xb8;
	[tilespmem:$0x19400] =	vst v63  }
0x74: {  	_ = 	snop  }
0x75: {  	[spmem:s2] =	stream.indirect.scatter.add.f32 [tilespmem:s12], [sflag:$0x1], $0x80, s1, s16, $0xb8;
	[tilespmem:$0x19400] =	vst v63  }
0x76: {  	_ = 	snop  }
0x77: {  	[spmem:s2] =	stream.indirect.scatter.add.f32 [tilespmem:s12], [sflag:$0x1], $0x80, s15, s16, $0xb8;
	[tilespmem:$0x19400] =	vst v63  }
0x78: {  	_ = 	snop  }
0x79: {  	[spmem:s2] =	stream.indirect.scatter.add.f32 [tilespmem:s12], [sflag:$0x1], $0x80, s4, s16, $0xb8;
	[tilespmem:$0x19400] =	vst v63  }
0x7a: {  	_ = 	snop  }
0x7b: {  	[spmem:s2] =	stream.indirect.scatter.add.f32 [tilespmem:s12], [sflag:$0x1], $0x80, s7, s16, $0xb8;
	[tilespmem:$0x19400] =	vst v63  }
0x7c: {  	_ =	swait.ge [sflag:s14], $0x4000  }
0x7d: {  	s17 =	simm.s32 $0x27;
	[sflag:s14] =	ssyncset.done $0x0  }
.LBB2_7:
0x7e: {  	p3 =	sne.s32 s17, $0x1;
	s17 =	sadd.s32 $0xFFFFFFFF, s17;
	[sflag:s14] =	ssyncadd.s32 $0xFFFFC000  }
.Ltmp3:
0x7f: {  	(pc) =	sbr.rel @p3 .LBB2_7-.Ltmp3, $3  }
0x80: {  	_ =	sdelay $0x1  }
0x81: {  	_ =	swait.ge [sflag:s14], $0x4000  }
0x82: {  	[sflag:s14] =	ssyncset.done $0x0  }
0x83: {  	[sflag:s14] =	ssyncadd.s32 $0xFFFFC000  }
0x84: {  	s17 =	sshrl.u32 @!p0 s2, $0x3;
	s18 =	simm.s32 @!p0 $0x1C02;
	[bflag:$0x0] =	sbarrier.arrive $0xFFFF  }
0x85: {  	[hbm:s9], [sflag:s18] =	dma.local @!p0 [spmem:s17], $0x14000  }
0x86: {  	s17 =	simm.s32 @!p0 $0x2  }
0x87: {  	s0 =	sadd.s32 $0x1, s0;
	s18 =	stileid.u32;
	_ =	swait.ge @!p0 [sflag:s17], $0x14000  }
0x88: {  	p3 =	sne.s32 s0, s11;
	s18 =	sshll.u32 @p2 s18, $0x6;
	[sflag:s17] =	ssyncset.done @!p0 $0x0  }
0x89: {  	[sflag:s17] =	ssyncadd.s32 @!p0 $0xFFFEC000;
	s17 =	sor.u32 @p2 $0x1C02, s18;
	s18 =	sshrl.u32 @p2 s6, $0x3  }
0x8a: {  	[hbm:s10], [sflag:s17] =	dma.local @p2 [spmem:s18], $0x14000  }
.Ltmp4:
0x8b: {  	_ = 	snop;
	(pc) =	sbr.rel @p3 .LBB2_1-.Ltmp4, $4  }
0x8c: {  	s17 =	simm.s32 @p2 $0x2  }
0x8d: {  	_ =	swait.ge @p2 [sflag:s17], $0x14000  }
0x8e: {  	[sflag:s17] =	ssyncset.done @p2 $0x0  }
0x8f: {  	[sflag:s17] =	ssyncadd.s32 @p2 $0xFFFEC000  }
0x90: {  	_ =	sfence.sel $0x180000  }
0x91: {  	[bflag:$0x0] =	sbarrier.arrive $0xFFFF  }
0x92: {  	_ =	strace $0x90000047  }
0x93: {  	s0 =	stileid.u32;
	[bflag:$0x2] =	sbarrier.arrive $0xFFFF  }
0x94: {  	p0 =	sne.s32 s0, $0x0;
	s0 =	rddreg [dreg:$0x2]  }
0x95: {  	s0 =	sadd.s32 @!p0 $0x100000, s0  }
0x96: {  	[sflag:s0] =	ssyncadd.tile.s32 @!p0 $0x1;
	_ =	shalt  }
.Lfunc_end2:
_tile_overlayer_lowered:
.L_overlay_start_2:
0x97: {  	(tag) =	ssettag $0x2  }
0x98: {  	s0 =	rddreg [dreg:$0x0];
	s2 =	stileid.u32  }
0x99: {  	s1 =	rddreg [dreg:$0x1];
	p0 =	sne.s32 s2, $0x0  }
0x9a: {  	s3 =	rddreg [dreg:$0x2];
	[bflag:$0x3] =	sbarrier.arrive $0xFFFF;
	s2 =	simm.s32 @!p0 $0x1C02  }
0x9b: {  	[timem:s3], [sflag:s2] =	dma.local @!p0 [hbm:s0], s1  }
0x9c: {  	s0 =	simm.s32 @!p0 $0x2  }
0x9d: {  	_ =	swait.ge @!p0 [sflag:s0], s1  }
0x9e: {  	s1 =	ssub.s32 @!p0 $0x0, s1;
	[sflag:s0] =	ssyncset.done @!p0 $0x0  }
0x9f: {  	[sflag:s0] =	ssyncadd.s32 @!p0 s1  }
0xa0: {  	[bflag:$0x3] =	sbarrier.arrive $0xFFFF  }
0xa1: {  	_ =	shalt  }

// kernel: kernel.13.cloned.1.call-start
scs
__scs_entry_jumppad:
0x0: {  	(pc) =	sbr.rel $0x88, $3  }
0x1: {  	(tag) =	ssettag $0x0;
	lr =	simm.s32 $0x1  }
0x2: {  	[smem:$0x3F96] =	sst lr;
	_ =	strace $0xD0000000  }
0x3: {  	_ = 	snop  }
0x4: {  	_ = 	snop  }
0x5: {  	_ = 	snop  }
0x6: {  	_ = 	snop  }
0x7: {  	_ = 	snop  }
__scs_overlays_trampoline_lowered:
0x8: {  	[smem:$0x3FA5] =	sst s0  }
0x9: {  	[smem:$0x3FA6] =	sst s1  }
0xa: {  	[smem:$0x3FA7] =	sst s2  }
0xb: {  	[smem:$0x3FA8] =	sst s3  }
0xc: {  	[smem:$0x3FA9] =	sst s4  }
0xd: {  	[smem:$0x3FAA] =	sst s5  }
0xe: {  	[smem:$0x3FAB] =	sst s6  }
0xf: {  	[smem:$0x3FAC] =	sst s7  }
0x10: {  	[smem:$0x3FAD] =	sst s8  }
0x11: {  	[smem:$0x3FAE] =	sst s9;
	s0 =	simm.s32 @!p0 $0x0  }
0x12: {  	s1 =	sld [smem:$0x3F94];
	s0 =	simm.s32 @p0 $0x1  }
0x13: {  	[smem:$0x3FAF] =	sst s0;
	s0 =	simm.s32 @!p1 $0x0  }
0x14: {  	s2 =	sld [smem:$0x3F93];
	s0 =	simm.s32 @p1 $0x1  }
0x15: {  	[smem:$0x3FB0] =	sst s0;
	s0 =	simm.s32 @!p2 $0x0  }
0x16: {  	s3 =	sld [smem:$0x3FDB];
	s0 =	simm.s32 @p2 $0x1  }
0x17: {  	s4 =	simm.s32 $0x1BF5;
	[smem:$0x3FB2] =	sst s0  }
0x18: {  	s0 =	sld [smem:$0x3F95];
	_ =	swait.ge [sflag:s4], $0x0  }
0x19: {  	s7 =	sld [smem:$0x3F96]  }
0x1a: {  	s8 =	sadd.s32 $0xFFFFE003, lr  }
0x1b: {  	s9 =	sadd.s32 $0xFFFFFEF7, lr;
	s5 =	simm.s32 $0xFFFFFFFF;
	p2 =	slt.u32 s8, $0xFFFFF086  }
0x1c: {  	p1 =	slt.u32 s9, $0xF7A;
	s5 =	simm.s32 @!p2 $0x0  }
0x1d: {  	s5 =	simm.s32 @p1 $0x1;
	p0 =	seq.s32 s7, s2  }
0x1e: {  	s7 =	smul.u32 @!p0 $0xF7A, s2;
	p2 =	seq.s32 @!p0 s5, $0x0  }
0x1f: {  	s9 =	smul.u32 $0xF7A, s1;
	s8 =	simm.s32 @!p0 $0x1BF5;
	p2 =	por !p2, p0  }
0x20: {  	[sflag:s8] =	ssyncset.s32 @!p0 $0xFFFFF086;
	s6 =	sadd.s32 @!p0 s3, s7;
	s7 =	simm.s32 @!p0 $0x108  }
0x21: {  	s3 =	sadd.s32 s3, s9;
	s6 =	sadd.s32 @!p0 $0x88, s6;
	s7 =	simm.s32 @p2 $0x1082  }
0x22: {  	[simem:s7], [sflag:s8] =	dma.local @!p0 [hbm:s6], $0xF7A  }
0x23: {  	s9 =	sor.u32 $0xD0000000, s2;
	s6 =	simm.s32 $0x108;
	_ =	swait.ge @!p0 [sflag:s8], $0x0  }
0x24: {  	s3 =	sadd.s32 $0x88, s3;
	s6 =	simm.s32 @!p1 $0x1082;
	[sflag:s4] =	ssyncset.s32 $0xFFFFF086  }
0x25: {  	[simem:s6], [sflag:s4] =	dma.local [hbm:s3], $0xF7A  }
0x26: {  	[smem:$0x3F96] =	sst s1;
	(tag) =	ssettag s2;
	_ =	strace s9  }
0x27: {  	s1 =	sld [smem:$0x3FA6]  }
0x28: {  	s2 =	sld [smem:$0x3FA7]  }
0x29: {  	s4 =	sld [smem:$0x3FA9]  }
0x2a: {  	p0 =	seq.s32 s5, $0x0;
	s5 =	sld [smem:$0x3FAA]  }
0x2b: {  	s6 =	sld [smem:$0x3FAB]  }
0x2c: {  	s7 =	sld [smem:$0x3FAC]  }
0x2d: {  	s3 =	simm.s32 $0x108;
	s8 =	sld [smem:$0x3FAD]  }
0x2e: {  	s3 =	simm.s32 @!p0 $0x1082;
	s9 =	sld [smem:$0x3FAE]  }
0x2f: {  	lr =	sadd.s32 s0, s3;
	s0 =	sld [smem:$0x3FA5]  }
0x30: {  	s3 =	sld [smem:$0x3FA8]  }
0x31: {  	[smem:$0x3FB1] =	sst s10  }
0x32: {  	s10 =	sld [smem:$0x3FAF];
	_ =	sdelay $0x3  }
0x33: {  	p0 =	seq.s32 s10, $0x1;
	s10 =	sld [smem:$0x3FB1];
	_ =	sdelay $0x3  }
0x34: {  	[smem:$0x3FB1] =	sst s10  }
0x35: {  	s10 =	sld [smem:$0x3FB0];
	_ =	sdelay $0x3  }
0x36: {  	p1 =	seq.s32 s10, $0x1;
	s10 =	sld [smem:$0x3FB1];
	_ =	sdelay $0x3  }
0x37: {  	[smem:$0x3FB1] =	sst s10  }
0x38: {  	s10 =	sld [smem:$0x3FB2]  }
0x39: {  	_ = 	snop;
	(pc) =	sbr.ind lr, $3  }
0x3a: {  	_ = 	snop  }
0x3b: {  	_ = 	snop  }
0x3c: {  	p2 =	seq.s32 s10, $0x1;
	s10 =	sld [smem:$0x3FB1]  }
0x3d: {  	_ =	shalt  }
0x3e: {  	_ =	shalt  }
0x3f: {  	_ =	shalt  }
0x40: {  	_ =	shalt  }
0x41: {  	_ =	shalt  }
0x42: {  	_ =	shalt  }
0x43: {  	_ =	shalt  }
0x44: {  	_ =	shalt  }
0x45: {  	_ =	shalt  }
0x46: {  	_ =	shalt  }
0x47: {  	_ =	shalt  }
0x48: {  	_ =	shalt  }
0x49: {  	_ =	shalt  }
0x4a: {  	_ =	shalt  }
0x4b: {  	_ =	shalt  }
0x4c: {  	_ =	shalt  }
0x4d: {  	_ =	shalt  }
0x4e: {  	_ =	shalt  }
0x4f: {  	_ =	shalt  }
0x50: {  	_ =	shalt  }
0x51: {  	_ =	shalt  }
0x52: {  	_ =	shalt  }
0x53: {  	_ =	shalt  }
0x54: {  	_ =	shalt  }
0x55: {  	_ =	shalt  }
0x56: {  	_ =	shalt  }
0x57: {  	_ =	shalt  }
0x58: {  	_ =	shalt  }
0x59: {  	_ =	shalt  }
0x5a: {  	_ =	shalt  }
0x5b: {  	_ =	shalt  }
0x5c: {  	_ =	shalt  }
0x5d: {  	_ =	shalt  }
0x5e: {  	_ =	shalt  }
0x5f: {  	_ =	shalt  }
0x60: {  	_ =	shalt  }
0x61: {  	_ =	shalt  }
0x62: {  	_ =	shalt  }
0x63: {  	_ =	shalt  }
0x64: {  	_ =	shalt  }
0x65: {  	_ =	shalt  }
0x66: {  	_ =	shalt  }
0x67: {  	_ =	shalt  }
0x68: {  	_ =	shalt  }
0x69: {  	_ =	shalt  }
0x6a: {  	_ =	shalt  }
0x6b: {  	_ =	shalt  }
0x6c: {  	_ =	shalt  }
0x6d: {  	_ =	shalt  }
0x6e: {  	_ =	shalt  }
0x6f: {  	_ =	shalt  }
0x70: {  	_ =	shalt  }
0x71: {  	_ =	shalt  }
0x72: {  	_ =	shalt  }
0x73: {  	_ =	shalt  }
0x74: {  	_ =	shalt  }
0x75: {  	_ =	shalt  }
0x76: {  	_ =	shalt  }
0x77: {  	_ =	shalt  }
0x78: {  	_ =	shalt  }
0x79: {  	_ =	shalt  }
0x7a: {  	_ =	shalt  }
0x7b: {  	_ =	shalt  }
0x7c: {  	_ =	shalt  }
0x7d: {  	_ =	shalt  }
0x7e: {  	_ =	shalt  }
0x7f: {  	_ =	shalt  }
0x80: {  	_ =	shalt  }
0x81: {  	_ =	shalt  }
0x82: {  	_ =	shalt  }
0x83: {  	_ =	shalt  }
0x84: {  	_ =	shalt  }
0x85: {  	_ =	shalt  }
0x86: {  	_ =	shalt  }
0x87: {  	_ =	shalt  }
.Lfunc_end0:
.L_simem_size_0:
called_computation.1_lowered:
.L_overlay_start_0:
0x88: {  	s2 =	sld [smem:$0x3FD9]  }
0x89: {  	s3 =	sld [smem:$0x3FFE];
	_ =	sdelay $0x1  }
0x8a: {  	s1 =	srdreg.scid  }
0x8b: {  	s0 =	sand.u32 $0x1, s1  }
0x8c: {  	s16 =	sshll.u32 s0, $0xA;
	s2 =	sadd.s32 s3, s2  }
0x8d: {  	s2 =	sadd.s32 s2, s16  }
0x8e: {  	[smem:$0x3FBD] =	sst s2  }
0x8f: {  	_ = 	snop  }
0x90: {  	(tm) =	ssettm $0x1  }
0x91: {  	s17 =	sld [smem:$0x3FFB];
	_ =	sdelay $0x3  }
0x92: {  	_ =	strace s17  }
0x93: {  	s2 =	sld [smem:$0x3FFC];
	_ =	sdelay $0x3  }
0x94: {  	_ =	strace s2  }
0x95: {  	s2 =	sld [smem:$0x3FFD];
	_ =	sdelay $0x3  }
0x96: {  	_ =	strace s2  }
0x97: {  	_ =	strace $0x8FFFFFFF  }
0x98: {  	s18 =	sld [smem:$0x3FDB];
	_ =	sdelay $0x1  }
0x99: {  	s19 =	simm.s32 $_scs_section_size  }
0x9a: {  	s4 =	simm.s32 $_size__tile_overlayer_lowered;
	s5 =	simm.s32 $_tile_overlayer_lowered  }
0x9b: {  	s22 =	simm.s32 $0x1BFF;
	s21 =	sshll.u32 s5, $0x1;
	s2 =	sadd.s32 s19, s18  }
0x9c: {  	s6 =	simm.s32 $0x0;
	s20 =	sshll.u32 s4, $0x1;
	s4 =	sadd.s32 s21, s2  }
0x9d: {  	[timem:s6], [sflag:s22] =	dma.local [hbm:s4], s20  }
0x9e: {  	_ =	swait.ge [sflag:s22], s20  }
0x9f: {  	s3 =	ssub.s32 $0x0, s20;
	[sflag:s22] =	ssyncset.done $0x0  }
0xa0: {  	[sflag:s22] =	ssyncadd.s32 s3;
	_ =	sdelay $0x1  }
0xa1: {  	s23 =	simm.s32 $0x1B8B  }
0xa2: {  	_ =	swait.ge [sflag:s23], $0x1  }
0xa3: {  	[sflag:s23] =	ssyncset.done $0x0  }
0xa4: {  	s25 =	simm.s32 $0x1B8E;
	s24 =	sld [smem:$0x3FFE];
	[sflag:s23] =	ssyncadd.s32 $0xFFFFFFFF  }
0xa5: {  	s26 =	simm.s32 $execute0_lowered;
	[smem:$0x3FD2] =	sst s25  }
0xa6: {  	s4 =	sshll.u32 s26, $0x1;
	_ =	strace $0x80000049;
	[dreg:$0x1] =	wrdreg $0xFFFFFFFF  }
0xa7: {  	s28 =	simm.s32 $_size_execute0_lowered;
	s2 =	sadd.s32 s2, s4;
	[dreg:$0x0] =	wrdreg $0x0  }
0xa8: {  	s4 =	sshll.u32 s28, $0x1;
	[dreg:$0x2] =	wrdreg s2  }
0xa9: {  	[dreg:$0x3] =	wrdreg s4  }
0xaa: {  	[dreg:$0x4] =	wrdreg $0xC0  }
0xab: {  	_ =	task [dreg:s6], $0x5FFFF  }
0xac: {  	[dreg:$0x1] =	wrdreg $0xFFFFFFFF  }
0xad: {  	[dreg:$0x0] =	wrdreg $0x60  }
0xae: {  	[dreg:$0x2] =	wrdreg s24  }
0xaf: {  	[dreg:$0x3] =	wrdreg $0xA8000  }
0xb0: {  	[dreg:$0x4] =	wrdreg $0x9  }
0xb1: {  	_ =	task.clear_ibuf [dreg:s6], $0x5FFFF;
	_ =	strace $0x90000049  }
0xb2: {  	s29 =	simm.s32 $0x9;
	_ =	strace $0x8000004B  }
0xb3: {  	_ =	swait.ge [sflag:s29], $0x1  }
0xb4: {  	[sflag:s29] =	ssyncadd.s32 $0xFFFFFFFF  }
0xb5: {  	_ =	strace $0x9000004B  }
0xb6: {  	_ =	sfence  }
0xb7: {  	s30 =	sld [smem:$0x0];
	_ =	sdelay $0x2  }
0xb8: {  	s31 =	sshll.u32 s1, $0xD;
	s1 =	sshrl.u32 s1, $0x2  }
0xb9: {  	s3 =	sand.u32 $0x4000, s31;
	s1 =	sadd.s32 s1, s30  }
0xba: {  	s0 =	sor.u32 s3, s0;
	s1 =	sshll.u32 s1, $0x11  }
0xbb: {  	s0 =	sor.u32 s1, s0  }
0xbc: {  	s0 =	sadd.s32 $0x8F2B, s0  }
0xbd: {  	[sflag:s0] =	ssyncadd.remote.s32 $0x1  }
0xbe: {  	_ =	sfence.sel $0xFFFF  }
0xbf: {  	[dreg:$0x0] =	wrdreg $0xFFFFFFFF;
	(pc) =	sbr.abs _section_cstart, $3  }
0xc0: {  	[dreg:$0x1] =	wrdreg $0xFFFFFFFF  }
0xc1: {  	_ =	task.clear_ibuf [dreg:s6], $0x2FFFF;
	_ =	strace $0x9FFFFFFF  }
0xc2: {  	(tm) =	ssettm $0x7FFFFFFF  }
0xc3: {  	_ =	shalt  }
tec
execute0_lowered:
.L_overlay_start_1:
0x0: {  	(tag) =	ssettag $0x1  }
0x1: {  	s0 =	srdreg.scid;
	s7 =	rddreg [dreg:$0x0]  }
0x2: {  	s2 =	rddreg [dreg:$0x1];
	s3 =	simm.s32 $0x0;
	s17 =	simm.s32 $0x3  }
0x3: {  	s18 =	simm.s32 $0x1400;
	s19 =	simm.s32 $0x80;
	s20 =	simm.s32 $0x2800  }
0x4: {  	s21 =	simm.s32 $0x6800;
	s22 =	simm.s32 $0x1;
	s23 =	simm.s32 $0x2  }
0x5: {  	s24 =	simm.s32 $0x1380;
	s25 =	simm.s32 $0x2700;
	s26 =	simm.s32 $0x2780  }
0x6: {  	s28 =	simm.s32 $0x1C03;
	s6 =	sand.u32 $0x1, s0;
	s0 =	stileid.u32  }
0x7: {  	[smem:$0x7FF] =	sst s3;
	s13 =	sadd.s32 $0xDAE00, s7;
	s12 =	smul.u32 $0x28000, s6  }
0x8: {  	s5 =	smul.u32 $0x2800, s0;
	_ =	strace $0x8000004A;
	s31 =	ssub.s32 $0x2, s6  }
0x9: {  	s14 =	smul.u32 $0x140000, s6;
	p0 =	sne.s32 s0, $0x0;
	s6 =	sadd.s32 $0xA0000, s2  }
0xa: {  	p1 =	seq.s32 s0, $0x1;
	s9 =	sshrl.u32 s31, $0x1;
	s4 =	sadd.s32 s5, s12  }
0xb: {  	s5 =	sshrl.u32 s5, $0x3;
	s15 =	ssub.s32 s31, s9;
	s14 =	sshrl.u32 s14, $0x3  }
0xc: {  	s12 =	sadd.s32 s13, s12;
	s8 =	sshrl.u32 s4, $0x3;
	s4 =	sadd.s32 $0x8AE00, s7  }
0xd: {  	s11 =	sadd.s32 s5, s7;
	s5 =	sadd.s32 $0x8600, s7;
	s14 =	sadd.s32 s13, s14  }
0xe: {  	s10 =	sadd.s32 s8, s7;
	s7 =	sadd.s32 $0x1C600, s7;
	s9 =	sadd.s32 $0x3600, s11  }
0xf: {  	s11 =	sadd.s32 $0x3880, s11;
	s13 =	sadd.s32 $0x14000, s14;
	s14 =	smax.u32 s15, $0x1  }
0x10: {  	s15 =	sshrl.u32 s6, $0x3;
	s8 =	sadd.s32 $0x80E00, s10;
	s10 =	sadd.s32 $0x81080, s10  }
.LBB2_1:
.Ltmp0:
0x11: {  	(pc) =	sbr.rel @p1 .LBB2_4-.Ltmp0, $1  }
0x12: {  	_ =	sdelay $0x3  }
.Ltmp1:
0x13: {  	(pc) =	sbr.rel @p0 .LBB2_6-.Ltmp1, $2  }
0x14: {  	_ =	sdelay $0x2  }
0x15: {  	p2 =	por $0x0, $0x0  }
.Ltmp2:
0x16: {  	(pc) =	sbr.rel .LBB2_5-.Ltmp2, $3  }
0x17: {  	_ =	sdelay $0x1  }
0x18: {  	s29 =	sshrl.u32 s2, $0x3  }
0x19: {  	[spmem:s29], [sflag:s28] =	dma.local [hbm:s5], $0x14000  }
.LBB2_4:
0x1a: {  	s1 =	simm.s32 $0x1C43  }
0x1b: {  	[spmem:s15], [sflag:s1] =	dma.local [hbm:s7], $0x14000  }
.LBB2_5:
0x1c: {  	_ =	swait.ge [sflag:s17], $0x14000  }
0x1d: {  	[sflag:s17] =	ssyncset.done $0x0  }
0x1e: {  	p2 =	por p0, p0;
	[sflag:s17] =	ssyncadd.s32 $0xFFFEC000  }
.LBB2_6:
0x1f: {  	[bflag:$0x0] =	sbarrier.arrive $0xFFFF;
	s29 =	simm.s32 $0x0  }
0x20: {  	[tilespmem:s29], [sflag:$0x3] =	stream.linear.gather [hbm4b:s8+s29], $0x1400, $0x38;
	[tilespmem:$0x1E800] =	vst v63  }
0x21: {  	_ =	swait.ge [sflag:s17], $0x1400  }
0x22: {  	[sflag:s17] =	ssyncset.done $0x0  }
0x23: {  	[sflag:s17] =	ssyncadd.s32 $0xFFFFEC00  }
0x24: {  	[tilespmem:s18], [sflag:$0x3] =	stream.linear.gather [hbm4b:s9+s29], $0x1400, $0x38;
	[tilespmem:$0x1E800] =	vst v63  }
0x25: {  	_ =	swait.ge [sflag:s17], $0x1400  }
0x26: {  	[sflag:s17] =	ssyncset.done $0x0  }
0x27: {  	[sflag:s17] =	ssyncadd.s32 $0xFFFFEC00  }
0x28: {  	[tilespmem:s20], [sflag:$0x1] =	stream.indirect.gather [hbm4b:s4+s19], $0x80, s29, s19, $0xb8;
	[tilespmem:$0x1E800] =	vst v63  }
0x29: {  	s29 =	simm.s32 $0x80  }
0x2a: {  	[tilespmem:s21], [sflag:$0x2] =	stream.indirect.gather [hbm4b:s4+s19], $0x80, s29, s19, $0xb8;
	[tilespmem:$0x1E800] =	vst v63  }
0x2b: {  	_ =	swait.ge [sflag:s22], $0x4000  }
0x2c: {  	[sflag:s22] =	ssyncset.done $0x0  }
0x2d: {  	s29 =	simm.s32 $0x1400;
	[sflag:s22] =	ssyncadd.s32 $0xFFFFC000  }
0x2e: {  	[spmem:s2] =	stream.indirect.scatter.add.f32 [tilespmem:s20], [sflag:$0x3], $0x80, s29, s19, $0xb8;
	[tilespmem:$0x1E800] =	vst v63  }
0x2f: {  	_ =	swait.ge [sflag:s17], $0x4000  }
0x30: {  	[sflag:s17] =	ssyncset.done $0x0  }
0x31: {  	s29 =	simm.s32 $0x100;
	[sflag:s17] =	ssyncadd.s32 $0xFFFFC000  }
0x32: {  	[tilespmem:s20], [sflag:$0x1] =	stream.indirect.gather [hbm4b:s4+s19], $0x80, s29, s19, $0xb8;
	[tilespmem:$0x1E800] =	vst v63  }
0x33: {  	_ =	swait.ge [sflag:s23], $0x4000  }
0x34: {  	[sflag:s23] =	ssyncset.done $0x0  }
0x35: {  	s29 =	simm.s32 $0x1480;
	[sflag:s23] =	ssyncadd.s32 $0xFFFFC000  }
0x36: {  	[spmem:s2] =	stream.indirect.scatter.add.f32 [tilespmem:s21], [sflag:$0x3], $0x80, s29, s19, $0xb8;
	[tilespmem:$0x1E800] =	vst v63  }
0x37: {  	_ =	swait.ge [sflag:s17], $0x4000  }
0x38: {  	s30 =	simm.s32 $0x800;
	s29 =	simm.s32 $0x100;
	[sflag:s17] =	ssyncset.done $0x0  }
.LBB2_7:
0x39: {  	s31 =	sadd.s32 $0x80, s29  }
0x3a: {  	[sflag:s17] =	ssyncadd.s32 $0xFFFFC000;
	s1 =	smov.u32 s30;
	s16 =	sadd.s32 $0x400, s30  }
0x3b: {  	[tilespmem:s21], [sflag:$0x2] =	stream.indirect.gather [hbm4b:s4+s19], $0x80, s31, s19, $0xb8;
	[tilespmem:$0x1E800] =	vst v63  }
0x3c: {  	p3 =	sne.s32 s30, $0x4800;
	_ =	swait.ge [sflag:s22], $0x4000  }
0x3d: {  	[sflag:s22] =	ssyncset.done $0x0  }
0x3e: {  	s30 =	sadd.s32 $0x1400, s29;
	[sflag:s22] =	ssyncadd.s32 $0xFFFFC000  }
0x3f: {  	[spmem:s2] =	stream.indirect.scatter.add.f32 [tilespmem:s20], [sflag:$0x3], $0x80, s30, s19, $0xb8;
	[tilespmem:$0x1E800] =	vst v63  }
0x40: {  	_ =	swait.ge [sflag:s17], $0x4000  }
0x41: {  	[sflag:s17] =	ssyncset.done $0x0  }
0x42: {  	s30 =	sadd.s32 $0x100, s29;
	[sflag:s17] =	ssyncadd.s32 $0xFFFFC000  }
0x43: {  	[tilespmem:s20], [sflag:$0x1] =	stream.indirect.gather [hbm4b:s4+s19], $0x80, s30, s19, $0xb8;
	[tilespmem:$0x1E800] =	vst v63  }
0x44: {  	_ =	swait.ge [sflag:s23], $0x4000  }
.Ltmp3:
0x45: {  	[sflag:s23] =	ssyncset.done $0x0;
	(pc) =	sbr.rel @p3 .LBB2_7-.Ltmp3, $4  }
0x46: {  	s29 =	sadd.s32 $0x1480, s29;
	[sflag:s23] =	ssyncadd.s32 $0xFFFFC000  }
0x47: {  	[spmem:s2] =	stream.indirect.scatter.add.f32 [tilespmem:s21], [sflag:$0x3], $0x80, s29, s19, $0xb8;
	[tilespmem:$0x1E800] =	vst v63  }
0x48: {  	_ =	swait.ge [sflag:s17], $0x4000  }
0x49: {  	s30 =	smov.u32 s16;
	s29 =	sshra.s32 s1, $0x2;
	[sflag:s17] =	ssyncset.done $0x0  }
0x4a: {  	s1 =	sadd.s32 $0x80, s29;
	[sflag:s17] =	ssyncadd.s32 $0xFFFFC000  }
0x4b: {  	[tilespmem:s21], [sflag:$0x2] =	stream.indirect.gather [hbm4b:s4+s19], $0x80, s1, s19, $0xb8;
	[tilespmem:$0x1E800] =	vst v63  }
0x4c: {  	_ =	swait.ge [sflag:s22], $0x4000  }
0x4d: {  	[sflag:s22] =	ssyncset.done $0x0  }
0x4e: {  	s16 =	sadd.s32 $0x1400, s29;
	[sflag:s22] =	ssyncadd.s32 $0xFFFFC000  }
0x4f: {  	[spmem:s2] =	stream.indirect.scatter.add.f32 [tilespmem:s20], [sflag:$0x3], $0x80, s16, s19, $0xb8;
	[tilespmem:$0x1E800] =	vst v63  }
0x50: {  	_ =	swait.ge [sflag:s17], $0x4000  }
0x51: {  	[sflag:s17] =	ssyncset.done $0x0  }
0x52: {  	s31 =	sadd.s32 $0x100, s29;
	[sflag:s17] =	ssyncadd.s32 $0xFFFFC000  }
0x53: {  	[tilespmem:s20], [sflag:$0x1] =	stream.indirect.gather [hbm4b:s4+s19], $0x80, s31, s19, $0xb8;
	[tilespmem:$0x1E800] =	vst v63  }
0x54: {  	_ =	swait.ge [sflag:s23], $0x4000  }
0x55: {  	[sflag:s23] =	ssyncset.done $0x0  }
0x56: {  	s16 =	sadd.s32 $0x1480, s29;
	[sflag:s23] =	ssyncadd.s32 $0xFFFFC000  }
0x57: {  	[spmem:s2] =	stream.indirect.scatter.add.f32 [tilespmem:s21], [sflag:$0x3], $0x80, s16, s19, $0xb8;
	[tilespmem:$0x1E800] =	vst v63  }
0x58: {  	_ =	swait.ge [sflag:s17], $0x4000  }
0x59: {  	[sflag:s17] =	ssyncset.done $0x0  }
0x5a: {  	[sflag:s17] =	ssyncadd.s32 $0xFFFFC000  }
0x5b: {  	[tilespmem:s21], [sflag:$0x2] =	stream.indirect.gather [hbm4b:s4+s19], $0x80, s24, s19, $0xb8;
	[tilespmem:$0x1E800] =	vst v63  }
0x5c: {  	_ =	swait.ge [sflag:s22], $0x4000  }
0x5d: {  	[sflag:s22] =	ssyncset.done $0x0  }
0x5e: {  	[sflag:s22] =	ssyncadd.s32 $0xFFFFC000  }
0x5f: {  	[spmem:s2] =	stream.indirect.scatter.add.f32 [tilespmem:s20], [sflag:$0x3], $0x80, s25, s19, $0xb8;
	[tilespmem:$0x1E800] =	vst v63  }
0x60: {  	_ =	swait.ge [sflag:s17], $0x4000  }
0x61: {  	[sflag:s17] =	ssyncset.done $0x0  }
0x62: {  	[sflag:s17] =	ssyncadd.s32 $0xFFFFC000  }
0x63: {  	_ =	swait.ge [sflag:s23], $0x4000  }
0x64: {  	[sflag:s23] =	ssyncset.done $0x0  }
0x65: {  	[sflag:s23] =	ssyncadd.s32 $0xFFFFC000  }
0x66: {  	[spmem:s2] =	stream.indirect.scatter.add.f32 [tilespmem:s21], [sflag:$0x3], $0x80, s26, s19, $0xb8;
	[tilespmem:$0x1E800] =	vst v63  }
0x67: {  	_ =	swait.ge [sflag:s17], $0x4000  }
0x68: {  	[sflag:s17] =	ssyncset.done $0x0  }
0x69: {  	s31 =	simm.s32 $0x0;
	[sflag:s17] =	ssyncadd.s32 $0xFFFFC000  }
0x6a: {  	[tilespmem:s31], [sflag:$0x3] =	stream.linear.gather [hbm4b:s10+s31], $0x1400, $0x38;
	[tilespmem:$0x1E800] =	vst v63  }
0x6b: {  	_ =	swait.ge [sflag:s17], $0x1400  }
0x6c: {  	[sflag:s17] =	ssyncset.done $0x0  }
0x6d: {  	[sflag:s17] =	ssyncadd.s32 $0xFFFFEC00  }
0x6e: {  	[tilespmem:s18], [sflag:$0x3] =	stream.linear.gather [hbm4b:s11+s31], $0x1400, $0x38;
	[tilespmem:$0x1E800] =	vst v63  }
0x6f: {  	_ =	swait.ge [sflag:s17], $0x1400  }
0x70: {  	[sflag:s17] =	ssyncset.done $0x0  }
0x71: {  	[sflag:s17] =	ssyncadd.s32 $0xFFFFEC00  }
0x72: {  	[tilespmem:s20], [sflag:$0x1] =	stream.indirect.gather [hbm4b:s4+s19], $0x80, s31, s19, $0xb8;
	[tilespmem:$0x1E800] =	vst v63  }
0x73: {  	s16 =	simm.s32 $0x80  }
0x74: {  	[tilespmem:s21], [sflag:$0x2] =	stream.indirect.gather [hbm4b:s4+s19], $0x80, s16, s19, $0xb8;
	[tilespmem:$0x1E800] =	vst v63  }
0x75: {  	_ =	swait.ge [sflag:s22], $0x4000  }
0x76: {  	[sflag:s22] =	ssyncset.done $0x0  }
0x77: {  	s31 =	simm.s32 $0x1400;
	[sflag:s22] =	ssyncadd.s32 $0xFFFFC000  }
0x78: {  	[spmem:s2] =	stream.indirect.scatter.add.f32 [tilespmem:s20], [sflag:$0x3], $0x80, s31, s19, $0xb8;
	[tilespmem:$0x1E800] =	vst v63  }
0x79: {  	_ =	swait.ge [sflag:s17], $0x4000  }
0x7a: {  	[sflag:s17] =	ssyncset.done $0x0  }
0x7b: {  	s16 =	simm.s32 $0x100;
	[sflag:s17] =	ssyncadd.s32 $0xFFFFC000  }
0x7c: {  	[tilespmem:s20], [sflag:$0x1] =	stream.indirect.gather [hbm4b:s4+s19], $0x80, s16, s19, $0xb8;
	[tilespmem:$0x1E800] =	vst v63  }
0x7d: {  	_ =	swait.ge [sflag:s23], $0x4000  }
0x7e: {  	[sflag:s23] =	ssyncset.done $0x0  }
0x7f: {  	s31 =	simm.s32 $0x1480;
	[sflag:s23] =	ssyncadd.s32 $0xFFFFC000  }
0x80: {  	[spmem:s2] =	stream.indirect.scatter.add.f32 [tilespmem:s21], [sflag:$0x3], $0x80, s31, s19, $0xb8;
	[tilespmem:$0x1E800] =	vst v63  }
0x81: {  	_ =	swait.ge [sflag:s17], $0x4000  }
0x82: {  	s30 =	simm.s32 $0x800;
	s29 =	simm.s32 $0x100;
	[sflag:s17] =	ssyncset.done $0x0  }
.LBB2_9:
0x83: {  	s1 =	sadd.s32 $0x80, s29  }
0x84: {  	[sflag:s17] =	ssyncadd.s32 $0xFFFFC000;
	s16 =	smov.u32 s30;
	s31 =	sadd.s32 $0x400, s30  }
0x85: {  	[tilespmem:s21], [sflag:$0x2] =	stream.indirect.gather [hbm4b:s4+s19], $0x80, s1, s19, $0xb8;
	[tilespmem:$0x1E800] =	vst v63  }
0x86: {  	p3 =	sne.s32 s30, $0x4800;
	_ =	swait.ge [sflag:s22], $0x4000  }
0x87: {  	[sflag:s22] =	ssyncset.done $0x0  }
0x88: {  	s1 =	sadd.s32 $0x1400, s29;
	[sflag:s22] =	ssyncadd.s32 $0xFFFFC000  }
0x89: {  	[spmem:s2] =	stream.indirect.scatter.add.f32 [tilespmem:s20], [sflag:$0x3], $0x80, s1, s19, $0xb8;
	[tilespmem:$0x1E800] =	vst v63  }
0x8a: {  	_ =	swait.ge [sflag:s17], $0x4000  }
0x8b: {  	[sflag:s17] =	ssyncset.done $0x0  }
0x8c: {  	s1 =	sadd.s32 $0x100, s29;
	[sflag:s17] =	ssyncadd.s32 $0xFFFFC000  }
0x8d: {  	[tilespmem:s20], [sflag:$0x1] =	stream.indirect.gather [hbm4b:s4+s19], $0x80, s1, s19, $0xb8;
	[tilespmem:$0x1E800] =	vst v63  }
0x8e: {  	_ =	swait.ge [sflag:s23], $0x4000  }
.Ltmp4:
0x8f: {  	[sflag:s23] =	ssyncset.done $0x0;
	(pc) =	sbr.rel @p3 .LBB2_9-.Ltmp4, $4  }
0x90: {  	s1 =	sadd.s32 $0x1480, s29;
	[sflag:s23] =	ssyncadd.s32 $0xFFFFC000  }
0x91: {  	[spmem:s2] =	stream.indirect.scatter.add.f32 [tilespmem:s21], [sflag:$0x3], $0x80, s1, s19, $0xb8;
	[tilespmem:$0x1E800] =	vst v63  }
0x92: {  	_ =	swait.ge [sflag:s17], $0x4000  }
0x93: {  	s30 =	smov.u32 s31;
	s29 =	sshra.s32 s16, $0x2;
	[sflag:s17] =	ssyncset.done $0x0  }
0x94: {  	s1 =	sadd.s32 $0x80, s29;
	[sflag:s17] =	ssyncadd.s32 $0xFFFFC000  }
0x95: {  	[tilespmem:s21], [sflag:$0x2] =	stream.indirect.gather [hbm4b:s4+s19], $0x80, s1, s19, $0xb8;
	[tilespmem:$0x1E800] =	vst v63  }
0x96: {  	_ =	swait.ge [sflag:s22], $0x4000  }
0x97: {  	[sflag:s22] =	ssyncset.done $0x0  }
0x98: {  	s16 =	sadd.s32 $0x1400, s29;
	[sflag:s22] =	ssyncadd.s32 $0xFFFFC000  }
0x99: {  	[spmem:s2] =	stream.indirect.scatter.add.f32 [tilespmem:s20], [sflag:$0x3], $0x80, s16, s19, $0xb8;
	[tilespmem:$0x1E800] =	vst v63  }
0x9a: {  	_ =	swait.ge [sflag:s17], $0x4000  }
0x9b: {  	[sflag:s17] =	ssyncset.done $0x0  }
0x9c: {  	s30 =	sadd.s32 $0x100, s29;
	[sflag:s17] =	ssyncadd.s32 $0xFFFFC000  }
0x9d: {  	[tilespmem:s20], [sflag:$0x1] =	stream.indirect.gather [hbm4b:s4+s19], $0x80, s30, s19, $0xb8;
	[tilespmem:$0x1E800] =	vst v63  }
0x9e: {  	_ =	swait.ge [sflag:s23], $0x4000  }
0x9f: {  	[sflag:s23] =	ssyncset.done $0x0  }
0xa0: {  	s31 =	sadd.s32 $0x1480, s29;
	[sflag:s23] =	ssyncadd.s32 $0xFFFFC000  }
0xa1: {  	[spmem:s2] =	stream.indirect.scatter.add.f32 [tilespmem:s21], [sflag:$0x3], $0x80, s31, s19, $0xb8;
	[tilespmem:$0x1E800] =	vst v63  }
0xa2: {  	_ =	swait.ge [sflag:s17], $0x4000  }
0xa3: {  	[sflag:s17] =	ssyncset.done $0x0  }
0xa4: {  	[sflag:s17] =	ssyncadd.s32 $0xFFFFC000  }
0xa5: {  	[tilespmem:s21], [sflag:$0x2] =	stream.indirect.gather [hbm4b:s4+s19], $0x80, s24, s19, $0xb8;
	[tilespmem:$0x1E800] =	vst v63  }
0xa6: {  	_ =	swait.ge [sflag:s22], $0x4000  }
0xa7: {  	[sflag:s22] =	ssyncset.done $0x0  }
0xa8: {  	[sflag:s22] =	ssyncadd.s32 $0xFFFFC000  }
0xa9: {  	[spmem:s2] =	stream.indirect.scatter.add.f32 [tilespmem:s20], [sflag:$0x3], $0x80, s25, s19, $0xb8;
	[tilespmem:$0x1E800] =	vst v63  }
0xaa: {  	_ =	swait.ge [sflag:s17], $0x4000  }
0xab: {  	[sflag:s17] =	ssyncset.done $0x0  }
0xac: {  	[sflag:s17] =	ssyncadd.s32 $0xFFFFC000  }
0xad: {  	_ =	swait.ge [sflag:s23], $0x4000  }
0xae: {  	[sflag:s23] =	ssyncset.done $0x0  }
0xaf: {  	[sflag:s23] =	ssyncadd.s32 $0xFFFFC000  }
0xb0: {  	[spmem:s2] =	stream.indirect.scatter.add.f32 [tilespmem:s21], [sflag:$0x3], $0x80, s26, s19, $0xb8;
	[tilespmem:$0x1E800] =	vst v63  }
0xb1: {  	_ =	swait.ge [sflag:s17], $0x4000  }
0xb2: {  	[sflag:s17] =	ssyncset.done $0x0  }
0xb3: {  	[sflag:s17] =	ssyncadd.s32 $0xFFFFC000  }
0xb4: {  	s1 =	sshrl.u32 @!p0 s2, $0x3;
	s16 =	simm.s32 @!p0 $0x1C03;
	[bflag:$0x0] =	sbarrier.arrive $0xFFFF  }
0xb5: {  	[hbm:s12], [sflag:s16] =	dma.local @!p0 [spmem:s1], $0x14000  }
0xb6: {  	s1 =	simm.s32 @!p0 $0x3  }
0xb7: {  	s3 =	sadd.s32 $0x1, s3;
	_ =	swait.ge @!p0 [sflag:s1], $0x14000  }
0xb8: {  	p3 =	sne.s32 s3, s14;
	s16 =	sshll.u32 @p2 s0, $0x6;
	[sflag:s1] =	ssyncset.done @!p0 $0x0  }
0xb9: {  	[sflag:s1] =	ssyncadd.s32 @!p0 $0xFFFEC000;
	s1 =	sor.u32 @p2 $0x1C03, s16;
	s16 =	sshrl.u32 @p2 s6, $0x3  }
0xba: {  	[hbm:s13], [sflag:s1] =	dma.local @p2 [spmem:s16], $0x14000  }
.Ltmp5:
0xbb: {  	_ = 	snop;
	(pc) =	sbr.rel @p3 .LBB2_1-.Ltmp5, $4  }
0xbc: {  	s1 =	simm.s32 @p2 $0x3  }
0xbd: {  	_ =	swait.ge @p2 [sflag:s1], $0x14000  }
0xbe: {  	[sflag:s1] =	ssyncset.done @p2 $0x0  }
0xbf: {  	[sflag:s1] =	ssyncadd.s32 @p2 $0xFFFEC000  }
0xc0: {  	_ =	sfence.sel $0x180000  }
0xc1: {  	[bflag:$0x0] =	sbarrier.arrive $0xFFFF  }
0xc2: {  	_ =	strace $0x9000004A  }
0xc3: {  	[bflag:$0x2] =	sbarrier.arrive $0xFFFF  }
0xc4: {  	p0 =	sne.s32 s0, $0x0;
	s0 =	rddreg [dreg:$0x2]  }
0xc5: {  	s0 =	sadd.s32 @!p0 $0x100000, s0  }
0xc6: {  	[sflag:s0] =	ssyncadd.tile.s32 @!p0 $0x1;
	_ =	shalt  }
.Lfunc_end2:
_tile_overlayer_lowered:
.L_overlay_start_2:
0xc7: {  	(tag) =	ssettag $0x2  }
0xc8: {  	s0 =	rddreg [dreg:$0x0];
	s2 =	stileid.u32  }
0xc9: {  	s1 =	rddreg [dreg:$0x1];
	p0 =	sne.s32 s2, $0x0  }
0xca: {  	s3 =	rddreg [dreg:$0x2];
	[bflag:$0x3] =	sbarrier.arrive $0xFFFF;
	s2 =	simm.s32 @!p0 $0x1C03  }
0xcb: {  	[timem:s3], [sflag:s2] =	dma.local @!p0 [hbm:s0], s1  }
0xcc: {  	s0 =	simm.s32 @!p0 $0x3  }
0xcd: {  	_ =	swait.ge @!p0 [sflag:s0], s1  }
0xce: {  	s1 =	ssub.s32 @!p0 $0x0, s1;
	[sflag:s0] =	ssyncset.done @!p0 $0x0  }
0xcf: {  	[sflag:s0] =	ssyncadd.s32 @!p0 s1  }
0xd0: {  	[bflag:$0x3] =	sbarrier.arrive $0xFFFF  }
0xd1: {  	_ =	shalt  }

// kernel: kernel.16.cloned.1.call-start
scs
__scs_entry_jumppad:
0x0: {  	(pc) =	sbr.rel $0x88, $3  }
0x1: {  	(tag) =	ssettag $0x0;
	lr =	simm.s32 $0x1  }
0x2: {  	[smem:$0x3F96] =	sst lr;
	_ =	strace $0xD0000000  }
0x3: {  	_ = 	snop  }
0x4: {  	_ = 	snop  }
0x5: {  	_ = 	snop  }
0x6: {  	_ = 	snop  }
0x7: {  	_ = 	snop  }
__scs_overlays_trampoline_lowered:
0x8: {  	[smem:$0x3FA5] =	sst s0  }
0x9: {  	[smem:$0x3FA6] =	sst s1  }
0xa: {  	[smem:$0x3FA7] =	sst s2  }
0xb: {  	[smem:$0x3FA8] =	sst s3  }
0xc: {  	[smem:$0x3FA9] =	sst s4  }
0xd: {  	[smem:$0x3FAA] =	sst s5  }
0xe: {  	[smem:$0x3FAB] =	sst s6  }
0xf: {  	[smem:$0x3FAC] =	sst s7  }
0x10: {  	[smem:$0x3FAD] =	sst s8  }
0x11: {  	[smem:$0x3FAE] =	sst s9;
	s0 =	simm.s32 @!p0 $0x0  }
0x12: {  	s1 =	sld [smem:$0x3F94];
	s0 =	simm.s32 @p0 $0x1  }
0x13: {  	[smem:$0x3FAF] =	sst s0;
	s0 =	simm.s32 @!p1 $0x0  }
0x14: {  	s2 =	sld [smem:$0x3F93];
	s0 =	simm.s32 @p1 $0x1  }
0x15: {  	[smem:$0x3FB0] =	sst s0;
	s0 =	simm.s32 @!p2 $0x0  }
0x16: {  	s3 =	sld [smem:$0x3FDB];
	s0 =	simm.s32 @p2 $0x1  }
0x17: {  	s4 =	simm.s32 $0x1BF5;
	[smem:$0x3FB2] =	sst s0  }
0x18: {  	s0 =	sld [smem:$0x3F95];
	_ =	swait.ge [sflag:s4], $0x0  }
0x19: {  	s7 =	sld [smem:$0x3F96]  }
0x1a: {  	s8 =	sadd.s32 $0xFFFFE003, lr  }
0x1b: {  	s9 =	sadd.s32 $0xFFFFFEF7, lr;
	s5 =	simm.s32 $0xFFFFFFFF;
	p2 =	slt.u32 s8, $0xFFFFF086  }
0x1c: {  	p1 =	slt.u32 s9, $0xF7A;
	s5 =	simm.s32 @!p2 $0x0  }
0x1d: {  	s5 =	simm.s32 @p1 $0x1;
	p0 =	seq.s32 s7, s2  }
0x1e: {  	s7 =	smul.u32 @!p0 $0xF7A, s2;
	p2 =	seq.s32 @!p0 s5, $0x0  }
0x1f: {  	s9 =	smul.u32 $0xF7A, s1;
	s8 =	simm.s32 @!p0 $0x1BF5;
	p2 =	por !p2, p0  }
0x20: {  	[sflag:s8] =	ssyncset.s32 @!p0 $0xFFFFF086;
	s6 =	sadd.s32 @!p0 s3, s7;
	s7 =	simm.s32 @!p0 $0x108  }
0x21: {  	s3 =	sadd.s32 s3, s9;
	s6 =	sadd.s32 @!p0 $0x88, s6;
	s7 =	simm.s32 @p2 $0x1082  }
0x22: {  	[simem:s7], [sflag:s8] =	dma.local @!p0 [hbm:s6], $0xF7A  }
0x23: {  	s9 =	sor.u32 $0xD0000000, s2;
	s6 =	simm.s32 $0x108;
	_ =	swait.ge @!p0 [sflag:s8], $0x0  }
0x24: {  	s3 =	sadd.s32 $0x88, s3;
	s6 =	simm.s32 @!p1 $0x1082;
	[sflag:s4] =	ssyncset.s32 $0xFFFFF086  }
0x25: {  	[simem:s6], [sflag:s4] =	dma.local [hbm:s3], $0xF7A  }
0x26: {  	[smem:$0x3F96] =	sst s1;
	(tag) =	ssettag s2;
	_ =	strace s9  }
0x27: {  	s1 =	sld [smem:$0x3FA6]  }
0x28: {  	s2 =	sld [smem:$0x3FA7]  }
0x29: {  	s4 =	sld [smem:$0x3FA9]  }
0x2a: {  	p0 =	seq.s32 s5, $0x0;
	s5 =	sld [smem:$0x3FAA]  }
0x2b: {  	s6 =	sld [smem:$0x3FAB]  }
0x2c: {  	s7 =	sld [smem:$0x3FAC]  }
0x2d: {  	s3 =	simm.s32 $0x108;
	s8 =	sld [smem:$0x3FAD]  }
0x2e: {  	s3 =	simm.s32 @!p0 $0x1082;
	s9 =	sld [smem:$0x3FAE]  }
0x2f: {  	lr =	sadd.s32 s0, s3;
	s0 =	sld [smem:$0x3FA5]  }
0x30: {  	s3 =	sld [smem:$0x3FA8]  }
0x31: {  	[smem:$0x3FB1] =	sst s10  }
0x32: {  	s10 =	sld [smem:$0x3FAF];
	_ =	sdelay $0x3  }
0x33: {  	p0 =	seq.s32 s10, $0x1;
	s10 =	sld [smem:$0x3FB1];
	_ =	sdelay $0x3  }
0x34: {  	[smem:$0x3FB1] =	sst s10  }
0x35: {  	s10 =	sld [smem:$0x3FB0];
	_ =	sdelay $0x3  }
0x36: {  	p1 =	seq.s32 s10, $0x1;
	s10 =	sld [smem:$0x3FB1];
	_ =	sdelay $0x3  }
0x37: {  	[smem:$0x3FB1] =	sst s10  }
0x38: {  	s10 =	sld [smem:$0x3FB2]  }
0x39: {  	_ = 	snop;
	(pc) =	sbr.ind lr, $3  }
0x3a: {  	_ = 	snop  }
0x3b: {  	_ = 	snop  }
0x3c: {  	p2 =	seq.s32 s10, $0x1;
	s10 =	sld [smem:$0x3FB1]  }
0x3d: {  	_ =	shalt  }
0x3e: {  	_ =	shalt  }
0x3f: {  	_ =	shalt  }
0x40: {  	_ =	shalt  }
0x41: {  	_ =	shalt  }
0x42: {  	_ =	shalt  }
0x43: {  	_ =	shalt  }
0x44: {  	_ =	shalt  }
0x45: {  	_ =	shalt  }
0x46: {  	_ =	shalt  }
0x47: {  	_ =	shalt  }
0x48: {  	_ =	shalt  }
0x49: {  	_ =	shalt  }
0x4a: {  	_ =	shalt  }
0x4b: {  	_ =	shalt  }
0x4c: {  	_ =	shalt  }
0x4d: {  	_ =	shalt  }
0x4e: {  	_ =	shalt  }
0x4f: {  	_ =	shalt  }
0x50: {  	_ =	shalt  }
0x51: {  	_ =	shalt  }
0x52: {  	_ =	shalt  }
0x53: {  	_ =	shalt  }
0x54: {  	_ =	shalt  }
0x55: {  	_ =	shalt  }
0x56: {  	_ =	shalt  }
0x57: {  	_ =	shalt  }
0x58: {  	_ =	shalt  }
0x59: {  	_ =	shalt  }
0x5a: {  	_ =	shalt  }
0x5b: {  	_ =	shalt  }
0x5c: {  	_ =	shalt  }
0x5d: {  	_ =	shalt  }
0x5e: {  	_ =	shalt  }
0x5f: {  	_ =	shalt  }
0x60: {  	_ =	shalt  }
0x61: {  	_ =	shalt  }
0x62: {  	_ =	shalt  }
0x63: {  	_ =	shalt  }
0x64: {  	_ =	shalt  }
0x65: {  	_ =	shalt  }
0x66: {  	_ =	shalt  }
0x67: {  	_ =	shalt  }
0x68: {  	_ =	shalt  }
0x69: {  	_ =	shalt  }
0x6a: {  	_ =	shalt  }
0x6b: {  	_ =	shalt  }
0x6c: {  	_ =	shalt  }
0x6d: {  	_ =	shalt  }
0x6e: {  	_ =	shalt  }
0x6f: {  	_ =	shalt  }
0x70: {  	_ =	shalt  }
0x71: {  	_ =	shalt  }
0x72: {  	_ =	shalt  }
0x73: {  	_ =	shalt  }
0x74: {  	_ =	shalt  }
0x75: {  	_ =	shalt  }
0x76: {  	_ =	shalt  }
0x77: {  	_ =	shalt  }
0x78: {  	_ =	shalt  }
0x79: {  	_ =	shalt  }
0x7a: {  	_ =	shalt  }
0x7b: {  	_ =	shalt  }
0x7c: {  	_ =	shalt  }
0x7d: {  	_ =	shalt  }
0x7e: {  	_ =	shalt  }
0x7f: {  	_ =	shalt  }
0x80: {  	_ =	shalt  }
0x81: {  	_ =	shalt  }
0x82: {  	_ =	shalt  }
0x83: {  	_ =	shalt  }
0x84: {  	_ =	shalt  }
0x85: {  	_ =	shalt  }
0x86: {  	_ =	shalt  }
0x87: {  	_ =	shalt  }
.Lfunc_end0:
.L_simem_size_0:
called_computation.2_lowered:
.L_overlay_start_0:
0x88: {  	s2 =	sld [smem:$0x3FD9]  }
0x89: {  	s3 =	sld [smem:$0x3FFE];
	_ =	sdelay $0x1  }
0x8a: {  	s1 =	srdreg.scid  }
0x8b: {  	s0 =	sand.u32 $0x1, s1  }
0x8c: {  	s16 =	sshll.u32 s0, $0xA;
	s2 =	sadd.s32 s3, s2  }
0x8d: {  	s2 =	sadd.s32 s2, s16  }
0x8e: {  	[smem:$0x3FBD] =	sst s2  }
0x8f: {  	_ = 	snop  }
0x90: {  	(tm) =	ssettm $0x1  }
0x91: {  	s17 =	sld [smem:$0x3FFB];
	_ =	sdelay $0x3  }
0x92: {  	_ =	strace s17  }
0x93: {  	s2 =	sld [smem:$0x3FFC];
	_ =	sdelay $0x3  }
0x94: {  	_ =	strace s2  }
0x95: {  	s2 =	sld [smem:$0x3FFD];
	_ =	sdelay $0x3  }
0x96: {  	_ =	strace s2  }
0x97: {  	_ =	strace $0x8FFFFFFF  }
0x98: {  	s18 =	sld [smem:$0x3FDB];
	_ =	sdelay $0x1  }
0x99: {  	s19 =	simm.s32 $_scs_section_size  }
0x9a: {  	s4 =	simm.s32 $_size__tile_overlayer_lowered;
	s5 =	simm.s32 $_tile_overlayer_lowered  }
0x9b: {  	s22 =	simm.s32 $0x1BFF;
	s21 =	sshll.u32 s5, $0x1;
	s2 =	sadd.s32 s19, s18  }
0x9c: {  	s6 =	simm.s32 $0x0;
	s20 =	sshll.u32 s4, $0x1;
	s4 =	sadd.s32 s21, s2  }
0x9d: {  	[timem:s6], [sflag:s22] =	dma.local [hbm:s4], s20  }
0x9e: {  	_ =	swait.ge [sflag:s22], s20  }
0x9f: {  	s3 =	ssub.s32 $0x0, s20;
	[sflag:s22] =	ssyncset.done $0x0  }
0xa0: {  	[sflag:s22] =	ssyncadd.s32 s3;
	_ =	sdelay $0x1  }
0xa1: {  	s23 =	simm.s32 $0x1B8B  }
0xa2: {  	_ =	swait.ge [sflag:s23], $0x1  }
0xa3: {  	[sflag:s23] =	ssyncset.done $0x0  }
0xa4: {  	s25 =	simm.s32 $0x1B8E;
	s24 =	sld [smem:$0x3FFE];
	[sflag:s23] =	ssyncadd.s32 $0xFFFFFFFF  }
0xa5: {  	s26 =	simm.s32 $execute0_lowered;
	[smem:$0x3FD2] =	sst s25  }
0xa6: {  	s4 =	sshll.u32 s26, $0x1;
	_ =	strace $0x8000004C;
	[dreg:$0x1] =	wrdreg $0xFFFFFFFF  }
0xa7: {  	s28 =	simm.s32 $_size_execute0_lowered;
	s2 =	sadd.s32 s2, s4;
	[dreg:$0x0] =	wrdreg $0x0  }
0xa8: {  	s4 =	sshll.u32 s28, $0x1;
	[dreg:$0x2] =	wrdreg s2  }
0xa9: {  	[dreg:$0x3] =	wrdreg s4  }
0xaa: {  	[dreg:$0x4] =	wrdreg $0xC0  }
0xab: {  	_ =	task [dreg:s6], $0x5FFFF  }
0xac: {  	[dreg:$0x1] =	wrdreg $0xFFFFFFFF  }
0xad: {  	[dreg:$0x0] =	wrdreg $0x60  }
0xae: {  	[dreg:$0x2] =	wrdreg s24  }
0xaf: {  	[dreg:$0x3] =	wrdreg $0xA8000  }
0xb0: {  	[dreg:$0x4] =	wrdreg $0x9  }
0xb1: {  	_ =	task.clear_ibuf [dreg:s6], $0x5FFFF;
	_ =	strace $0x9000004C  }
0xb2: {  	s29 =	simm.s32 $0x9;
	_ =	strace $0x8000004E  }
0xb3: {  	_ =	swait.ge [sflag:s29], $0x1  }
0xb4: {  	[sflag:s29] =	ssyncadd.s32 $0xFFFFFFFF  }
0xb5: {  	_ =	strace $0x9000004E  }
0xb6: {  	_ =	sfence  }
0xb7: {  	s30 =	sld [smem:$0x0];
	_ =	sdelay $0x2  }
0xb8: {  	s31 =	sshll.u32 s1, $0xD;
	s1 =	sshrl.u32 s1, $0x2  }
0xb9: {  	s3 =	sand.u32 $0x4000, s31;
	s1 =	sadd.s32 s1, s30  }
0xba: {  	s0 =	sor.u32 s3, s0;
	s1 =	sshll.u32 s1, $0x11  }
0xbb: {  	s0 =	sor.u32 s1, s0  }
0xbc: {  	s0 =	sadd.s32 $0x8F2B, s0  }
0xbd: {  	[sflag:s0] =	ssyncadd.remote.s32 $0x1  }
0xbe: {  	_ =	sfence.sel $0xFFFF  }
0xbf: {  	[dreg:$0x0] =	wrdreg $0xFFFFFFFF;
	(pc) =	sbr.abs _section_cstart, $3  }
0xc0: {  	[dreg:$0x1] =	wrdreg $0xFFFFFFFF  }
0xc1: {  	_ =	task.clear_ibuf [dreg:s6], $0x2FFFF;
	_ =	strace $0x9FFFFFFF  }
0xc2: {  	(tm) =	ssettm $0x7FFFFFFF  }
0xc3: {  	_ =	shalt  }
tec
execute0_lowered:
.L_overlay_start_1:
0x0: {  	(tag) =	ssettag $0x1  }
0x1: {  	s0 =	srdreg.scid;
	s7 =	rddreg [dreg:$0x0]  }
0x2: {  	s2 =	rddreg [dreg:$0x1];
	s3 =	simm.s32 $0x0;
	s17 =	simm.s32 $0x3  }
0x3: {  	s18 =	simm.s32 $0x1400;
	s19 =	simm.s32 $0x80;
	s20 =	simm.s32 $0x2800  }
0x4: {  	s21 =	simm.s32 $0x6800;
	s22 =	simm.s32 $0x1;
	s23 =	simm.s32 $0x2  }
0x5: {  	s24 =	simm.s32 $0x1380;
	s25 =	simm.s32 $0x2700;
	s26 =	simm.s32 $0x2780  }
0x6: {  	s28 =	simm.s32 $0x1C03;
	s6 =	sand.u32 $0x1, s0;
	s0 =	stileid.u32  }
0x7: {  	[smem:$0x7FF] =	sst s3;
	s13 =	sadd.s32 $0xDAE00, s7;
	s12 =	smul.u32 $0x28000, s6  }
0x8: {  	s5 =	smul.u32 $0x2800, s0;
	_ =	strace $0x8000004D;
	s31 =	ssub.s32 $0x2, s6  }
0x9: {  	s14 =	smul.u32 $0x140000, s6;
	p0 =	sne.s32 s0, $0x0;
	s6 =	sadd.s32 $0xA0000, s2  }
0xa: {  	p1 =	seq.s32 s0, $0x1;
	s9 =	sshrl.u32 s31, $0x1;
	s4 =	sadd.s32 s5, s12  }
0xb: {  	s5 =	sshrl.u32 s5, $0x3;
	s15 =	ssub.s32 s31, s9;
	s14 =	sshrl.u32 s14, $0x3  }
0xc: {  	s12 =	sadd.s32 s13, s12;
	s8 =	sshrl.u32 s4, $0x3;
	s4 =	sadd.s32 $0x8AE00, s7  }
0xd: {  	s11 =	sadd.s32 s5, s7;
	s5 =	sadd.s32 $0x8600, s7;
	s14 =	sadd.s32 s13, s14  }
0xe: {  	s10 =	sadd.s32 s8, s7;
	s7 =	sadd.s32 $0x1C600, s7;
	s9 =	sadd.s32 $0x3600, s11  }
0xf: {  	s11 =	sadd.s32 $0x3880, s11;
	s13 =	sadd.s32 $0x14000, s14;
	s14 =	smax.u32 s15, $0x1  }
0x10: {  	s15 =	sshrl.u32 s6, $0x3;
	s8 =	sadd.s32 $0x80E00, s10;
	s10 =	sadd.s32 $0x81080, s10  }
.LBB2_1:
.Ltmp0:
0x11: {  	(pc) =	sbr.rel @p1 .LBB2_4-.Ltmp0, $1  }
0x12: {  	_ =	sdelay $0x3  }
.Ltmp1:
0x13: {  	(pc) =	sbr.rel @p0 .LBB2_6-.Ltmp1, $2  }
0x14: {  	_ =	sdelay $0x2  }
0x15: {  	p2 =	por $0x0, $0x0  }
.Ltmp2:
0x16: {  	(pc) =	sbr.rel .LBB2_5-.Ltmp2, $3  }
0x17: {  	_ =	sdelay $0x1  }
0x18: {  	s29 =	sshrl.u32 s2, $0x3  }
0x19: {  	[spmem:s29], [sflag:s28] =	dma.local [hbm:s5], $0x14000  }
.LBB2_4:
0x1a: {  	s1 =	simm.s32 $0x1C43  }
0x1b: {  	[spmem:s15], [sflag:s1] =	dma.local [hbm:s7], $0x14000  }
.LBB2_5:
0x1c: {  	_ =	swait.ge [sflag:s17], $0x14000  }
0x1d: {  	[sflag:s17] =	ssyncset.done $0x0  }
0x1e: {  	p2 =	por p0, p0;
	[sflag:s17] =	ssyncadd.s32 $0xFFFEC000  }
.LBB2_6:
0x1f: {  	[bflag:$0x0] =	sbarrier.arrive $0xFFFF;
	s29 =	simm.s32 $0x0  }
0x20: {  	[tilespmem:s29], [sflag:$0x3] =	stream.linear.gather [hbm4b:s8+s29], $0x1400, $0x38;
	[tilespmem:$0x1E800] =	vst v63  }
0x21: {  	_ =	swait.ge [sflag:s17], $0x1400  }
0x22: {  	[sflag:s17] =	ssyncset.done $0x0  }
0x23: {  	[sflag:s17] =	ssyncadd.s32 $0xFFFFEC00  }
0x24: {  	[tilespmem:s18], [sflag:$0x3] =	stream.linear.gather [hbm4b:s9+s29], $0x1400, $0x38;
	[tilespmem:$0x1E800] =	vst v63  }
0x25: {  	_ =	swait.ge [sflag:s17], $0x1400  }
0x26: {  	[sflag:s17] =	ssyncset.done $0x0  }
0x27: {  	[sflag:s17] =	ssyncadd.s32 $0xFFFFEC00  }
0x28: {  	[tilespmem:s20], [sflag:$0x1] =	stream.indirect.gather [hbm4b:s4+s19], $0x80, s29, s19, $0xb8;
	[tilespmem:$0x1E800] =	vst v63  }
0x29: {  	s29 =	simm.s32 $0x80  }
0x2a: {  	[tilespmem:s21], [sflag:$0x2] =	stream.indirect.gather [hbm4b:s4+s19], $0x80, s29, s19, $0xb8;
	[tilespmem:$0x1E800] =	vst v63  }
0x2b: {  	_ =	swait.ge [sflag:s22], $0x4000  }
0x2c: {  	[sflag:s22] =	ssyncset.done $0x0  }
0x2d: {  	s29 =	simm.s32 $0x1400;
	[sflag:s22] =	ssyncadd.s32 $0xFFFFC000  }
0x2e: {  	[spmem:s2] =	stream.indirect.scatter.add.f32 [tilespmem:s20], [sflag:$0x3], $0x80, s29, s19, $0xb8;
	[tilespmem:$0x1E800] =	vst v63  }
0x2f: {  	_ =	swait.ge [sflag:s17], $0x4000  }
0x30: {  	[sflag:s17] =	ssyncset.done $0x0  }
0x31: {  	s29 =	simm.s32 $0x100;
	[sflag:s17] =	ssyncadd.s32 $0xFFFFC000  }
0x32: {  	[tilespmem:s20], [sflag:$0x1] =	stream.indirect.gather [hbm4b:s4+s19], $0x80, s29, s19, $0xb8;
	[tilespmem:$0x1E800] =	vst v63  }
0x33: {  	_ =	swait.ge [sflag:s23], $0x4000  }
0x34: {  	[sflag:s23] =	ssyncset.done $0x0  }
0x35: {  	s29 =	simm.s32 $0x1480;
	[sflag:s23] =	ssyncadd.s32 $0xFFFFC000  }
0x36: {  	[spmem:s2] =	stream.indirect.scatter.add.f32 [tilespmem:s21], [sflag:$0x3], $0x80, s29, s19, $0xb8;
	[tilespmem:$0x1E800] =	vst v63  }
0x37: {  	_ =	swait.ge [sflag:s17], $0x4000  }
0x38: {  	s30 =	simm.s32 $0x800;
	s29 =	simm.s32 $0x100;
	[sflag:s17] =	ssyncset.done $0x0  }
.LBB2_7:
0x39: {  	s31 =	sadd.s32 $0x80, s29  }
0x3a: {  	[sflag:s17] =	ssyncadd.s32 $0xFFFFC000;
	s1 =	smov.u32 s30;
	s16 =	sadd.s32 $0x400, s30  }
0x3b: {  	[tilespmem:s21], [sflag:$0x2] =	stream.indirect.gather [hbm4b:s4+s19], $0x80, s31, s19, $0xb8;
	[tilespmem:$0x1E800] =	vst v63  }
0x3c: {  	p3 =	sne.s32 s30, $0x4800;
	_ =	swait.ge [sflag:s22], $0x4000  }
0x3d: {  	[sflag:s22] =	ssyncset.done $0x0  }
0x3e: {  	s30 =	sadd.s32 $0x1400, s29;
	[sflag:s22] =	ssyncadd.s32 $0xFFFFC000  }
0x3f: {  	[spmem:s2] =	stream.indirect.scatter.add.f32 [tilespmem:s20], [sflag:$0x3], $0x80, s30, s19, $0xb8;
	[tilespmem:$0x1E800] =	vst v63  }
0x40: {  	_ =	swait.ge [sflag:s17], $0x4000  }
0x41: {  	[sflag:s17] =	ssyncset.done $0x0  }
0x42: {  	s30 =	sadd.s32 $0x100, s29;
	[sflag:s17] =	ssyncadd.s32 $0xFFFFC000  }
0x43: {  	[tilespmem:s20], [sflag:$0x1] =	stream.indirect.gather [hbm4b:s4+s19], $0x80, s30, s19, $0xb8;
	[tilespmem:$0x1E800] =	vst v63  }
0x44: {  	_ =	swait.ge [sflag:s23], $0x4000  }
.Ltmp3:
0x45: {  	[sflag:s23] =	ssyncset.done $0x0;
	(pc) =	sbr.rel @p3 .LBB2_7-.Ltmp3, $4  }
0x46: {  	s29 =	sadd.s32 $0x1480, s29;
	[sflag:s23] =	ssyncadd.s32 $0xFFFFC000  }
0x47: {  	[spmem:s2] =	stream.indirect.scatter.add.f32 [tilespmem:s21], [sflag:$0x3], $0x80, s29, s19, $0xb8;
	[tilespmem:$0x1E800] =	vst v63  }
0x48: {  	_ =	swait.ge [sflag:s17], $0x4000  }
0x49: {  	s30 =	smov.u32 s16;
	s29 =	sshra.s32 s1, $0x2;
	[sflag:s17] =	ssyncset.done $0x0  }
0x4a: {  	s1 =	sadd.s32 $0x80, s29;
	[sflag:s17] =	ssyncadd.s32 $0xFFFFC000  }
0x4b: {  	[tilespmem:s21], [sflag:$0x2] =	stream.indirect.gather [hbm4b:s4+s19], $0x80, s1, s19, $0xb8;
	[tilespmem:$0x1E800] =	vst v63  }
0x4c: {  	_ =	swait.ge [sflag:s22], $0x4000  }
0x4d: {  	[sflag:s22] =	ssyncset.done $0x0  }
0x4e: {  	s16 =	sadd.s32 $0x1400, s29;
	[sflag:s22] =	ssyncadd.s32 $0xFFFFC000  }
0x4f: {  	[spmem:s2] =	stream.indirect.scatter.add.f32 [tilespmem:s20], [sflag:$0x3], $0x80, s16, s19, $0xb8;
	[tilespmem:$0x1E800] =	vst v63  }
0x50: {  	_ =	swait.ge [sflag:s17], $0x4000  }
0x51: {  	[sflag:s17] =	ssyncset.done $0x0  }
0x52: {  	s31 =	sadd.s32 $0x100, s29;
	[sflag:s17] =	ssyncadd.s32 $0xFFFFC000  }
0x53: {  	[tilespmem:s20], [sflag:$0x1] =	stream.indirect.gather [hbm4b:s4+s19], $0x80, s31, s19, $0xb8;
	[tilespmem:$0x1E800] =	vst v63  }
0x54: {  	_ =	swait.ge [sflag:s23], $0x4000  }
0x55: {  	[sflag:s23] =	ssyncset.done $0x0  }
0x56: {  	s16 =	sadd.s32 $0x1480, s29;
	[sflag:s23] =	ssyncadd.s32 $0xFFFFC000  }
0x57: {  	[spmem:s2] =	stream.indirect.scatter.add.f32 [tilespmem:s21], [sflag:$0x3], $0x80, s16, s19, $0xb8;
	[tilespmem:$0x1E800] =	vst v63  }
0x58: {  	_ =	swait.ge [sflag:s17], $0x4000  }
0x59: {  	[sflag:s17] =	ssyncset.done $0x0  }
0x5a: {  	[sflag:s17] =	ssyncadd.s32 $0xFFFFC000  }
0x5b: {  	[tilespmem:s21], [sflag:$0x2] =	stream.indirect.gather [hbm4b:s4+s19], $0x80, s24, s19, $0xb8;
	[tilespmem:$0x1E800] =	vst v63  }
0x5c: {  	_ =	swait.ge [sflag:s22], $0x4000  }
0x5d: {  	[sflag:s22] =	ssyncset.done $0x0  }
0x5e: {  	[sflag:s22] =	ssyncadd.s32 $0xFFFFC000  }
0x5f: {  	[spmem:s2] =	stream.indirect.scatter.add.f32 [tilespmem:s20], [sflag:$0x3], $0x80, s25, s19, $0xb8;
	[tilespmem:$0x1E800] =	vst v63  }
0x60: {  	_ =	swait.ge [sflag:s17], $0x4000  }
0x61: {  	[sflag:s17] =	ssyncset.done $0x0  }
0x62: {  	[sflag:s17] =	ssyncadd.s32 $0xFFFFC000  }
0x63: {  	_ =	swait.ge [sflag:s23], $0x4000  }
0x64: {  	[sflag:s23] =	ssyncset.done $0x0  }
0x65: {  	[sflag:s23] =	ssyncadd.s32 $0xFFFFC000  }
0x66: {  	[spmem:s2] =	stream.indirect.scatter.add.f32 [tilespmem:s21], [sflag:$0x3], $0x80, s26, s19, $0xb8;
	[tilespmem:$0x1E800] =	vst v63  }
0x67: {  	_ =	swait.ge [sflag:s17], $0x4000  }
0x68: {  	[sflag:s17] =	ssyncset.done $0x0  }
0x69: {  	s31 =	simm.s32 $0x0;
	[sflag:s17] =	ssyncadd.s32 $0xFFFFC000  }
0x6a: {  	[tilespmem:s31], [sflag:$0x3] =	stream.linear.gather [hbm4b:s10+s31], $0x1400, $0x38;
	[tilespmem:$0x1E800] =	vst v63  }
0x6b: {  	_ =	swait.ge [sflag:s17], $0x1400  }
0x6c: {  	[sflag:s17] =	ssyncset.done $0x0  }
0x6d: {  	[sflag:s17] =	ssyncadd.s32 $0xFFFFEC00  }
0x6e: {  	[tilespmem:s18], [sflag:$0x3] =	stream.linear.gather [hbm4b:s11+s31], $0x1400, $0x38;
	[tilespmem:$0x1E800] =	vst v63  }
0x6f: {  	_ =	swait.ge [sflag:s17], $0x1400  }
0x70: {  	[sflag:s17] =	ssyncset.done $0x0  }
0x71: {  	[sflag:s17] =	ssyncadd.s32 $0xFFFFEC00  }
0x72: {  	[tilespmem:s20], [sflag:$0x1] =	stream.indirect.gather [hbm4b:s4+s19], $0x80, s31, s19, $0xb8;
	[tilespmem:$0x1E800] =	vst v63  }
0x73: {  	s16 =	simm.s32 $0x80  }
0x74: {  	[tilespmem:s21], [sflag:$0x2] =	stream.indirect.gather [hbm4b:s4+s19], $0x80, s16, s19, $0xb8;
	[tilespmem:$0x1E800] =	vst v63  }
0x75: {  	_ =	swait.ge [sflag:s22], $0x4000  }
0x76: {  	[sflag:s22] =	ssyncset.done $0x0  }
0x77: {  	s31 =	simm.s32 $0x1400;
	[sflag:s22] =	ssyncadd.s32 $0xFFFFC000  }
0x78: {  	[spmem:s2] =	stream.indirect.scatter.add.f32 [tilespmem:s20], [sflag:$0x3], $0x80, s31, s19, $0xb8;
	[tilespmem:$0x1E800] =	vst v63  }
0x79: {  	_ =	swait.ge [sflag:s17], $0x4000  }
0x7a: {  	[sflag:s17] =	ssyncset.done $0x0  }
0x7b: {  	s16 =	simm.s32 $0x100;
	[sflag:s17] =	ssyncadd.s32 $0xFFFFC000  }
0x7c: {  	[tilespmem:s20], [sflag:$0x1] =	stream.indirect.gather [hbm4b:s4+s19], $0x80, s16, s19, $0xb8;
	[tilespmem:$0x1E800] =	vst v63  }
0x7d: {  	_ =	swait.ge [sflag:s23], $0x4000  }
0x7e: {  	[sflag:s23] =	ssyncset.done $0x0  }
0x7f: {  	s31 =	simm.s32 $0x1480;
	[sflag:s23] =	ssyncadd.s32 $0xFFFFC000  }
0x80: {  	[spmem:s2] =	stream.indirect.scatter.add.f32 [tilespmem:s21], [sflag:$0x3], $0x80, s31, s19, $0xb8;
	[tilespmem:$0x1E800] =	vst v63  }
0x81: {  	_ =	swait.ge [sflag:s17], $0x4000  }
0x82: {  	s30 =	simm.s32 $0x800;
	s29 =	simm.s32 $0x100;
	[sflag:s17] =	ssyncset.done $0x0  }
.LBB2_9:
0x83: {  	s1 =	sadd.s32 $0x80, s29  }
0x84: {  	[sflag:s17] =	ssyncadd.s32 $0xFFFFC000;
	s16 =	smov.u32 s30;
	s31 =	sadd.s32 $0x400, s30  }
0x85: {  	[tilespmem:s21], [sflag:$0x2] =	stream.indirect.gather [hbm4b:s4+s19], $0x80, s1, s19, $0xb8;
	[tilespmem:$0x1E800] =	vst v63  }
0x86: {  	p3 =	sne.s32 s30, $0x4800;
	_ =	swait.ge [sflag:s22], $0x4000  }
0x87: {  	[sflag:s22] =	ssyncset.done $0x0  }
0x88: {  	s1 =	sadd.s32 $0x1400, s29;
	[sflag:s22] =	ssyncadd.s32 $0xFFFFC000  }
0x89: {  	[spmem:s2] =	stream.indirect.scatter.add.f32 [tilespmem:s20], [sflag:$0x3], $0x80, s1, s19, $0xb8;
	[tilespmem:$0x1E800] =	vst v63  }
0x8a: {  	_ =	swait.ge [sflag:s17], $0x4000  }
0x8b: {  	[sflag:s17] =	ssyncset.done $0x0  }
0x8c: {  	s1 =	sadd.s32 $0x100, s29;
	[sflag:s17] =	ssyncadd.s32 $0xFFFFC000  }
0x8d: {  	[tilespmem:s20], [sflag:$0x1] =	stream.indirect.gather [hbm4b:s4+s19], $0x80, s1, s19, $0xb8;
	[tilespmem:$0x1E800] =	vst v63  }
0x8e: {  	_ =	swait.ge [sflag:s23], $0x4000  }
.Ltmp4:
0x8f: {  	[sflag:s23] =	ssyncset.done $0x0;
	(pc) =	sbr.rel @p3 .LBB2_9-.Ltmp4, $4  }
0x90: {  	s1 =	sadd.s32 $0x1480, s29;
	[sflag:s23] =	ssyncadd.s32 $0xFFFFC000  }
0x91: {  	[spmem:s2] =	stream.indirect.scatter.add.f32 [tilespmem:s21], [sflag:$0x3], $0x80, s1, s19, $0xb8;
	[tilespmem:$0x1E800] =	vst v63  }
0x92: {  	_ =	swait.ge [sflag:s17], $0x4000  }
0x93: {  	s30 =	smov.u32 s31;
	s29 =	sshra.s32 s16, $0x2;
	[sflag:s17] =	ssyncset.done $0x0  }
0x94: {  	s1 =	sadd.s32 $0x80, s29;
	[sflag:s17] =	ssyncadd.s32 $0xFFFFC000  }
0x95: {  	[tilespmem:s21], [sflag:$0x2] =	stream.indirect.gather [hbm4b:s4+s19], $0x80, s1, s19, $0xb8;
	[tilespmem:$0x1E800] =	vst v63  }
0x96: {  	_ =	swait.ge [sflag:s22], $0x4000  }
0x97: {  	[sflag:s22] =	ssyncset.done $0x0  }
0x98: {  	s16 =	sadd.s32 $0x1400, s29;
	[sflag:s22] =	ssyncadd.s32 $0xFFFFC000  }
0x99: {  	[spmem:s2] =	stream.indirect.scatter.add.f32 [tilespmem:s20], [sflag:$0x3], $0x80, s16, s19, $0xb8;
	[tilespmem:$0x1E800] =	vst v63  }
0x9a: {  	_ =	swait.ge [sflag:s17], $0x4000  }
0x9b: {  	[sflag:s17] =	ssyncset.done $0x0  }
0x9c: {  	s30 =	sadd.s32 $0x100, s29;
	[sflag:s17] =	ssyncadd.s32 $0xFFFFC000  }
0x9d: {  	[tilespmem:s20], [sflag:$0x1] =	stream.indirect.gather [hbm4b:s4+s19], $0x80, s30, s19, $0xb8;
	[tilespmem:$0x1E800] =	vst v63  }
0x9e: {  	_ =	swait.ge [sflag:s23], $0x4000  }
0x9f: {  	[sflag:s23] =	ssyncset.done $0x0  }
0xa0: {  	s31 =	sadd.s32 $0x1480, s29;
	[sflag:s23] =	ssyncadd.s32 $0xFFFFC000  }
0xa1: {  	[spmem:s2] =	stream.indirect.scatter.add.f32 [tilespmem:s21], [sflag:$0x3], $0x80, s31, s19, $0xb8;
	[tilespmem:$0x1E800] =	vst v63  }
0xa2: {  	_ =	swait.ge [sflag:s17], $0x4000  }
0xa3: {  	[sflag:s17] =	ssyncset.done $0x0  }
0xa4: {  	[sflag:s17] =	ssyncadd.s32 $0xFFFFC000  }
0xa5: {  	[tilespmem:s21], [sflag:$0x2] =	stream.indirect.gather [hbm4b:s4+s19], $0x80, s24, s19, $0xb8;
	[tilespmem:$0x1E800] =	vst v63  }
0xa6: {  	_ =	swait.ge [sflag:s22], $0x4000  }
0xa7: {  	[sflag:s22] =	ssyncset.done $0x0  }
0xa8: {  	[sflag:s22] =	ssyncadd.s32 $0xFFFFC000  }
0xa9: {  	[spmem:s2] =	stream.indirect.scatter.add.f32 [tilespmem:s20], [sflag:$0x3], $0x80, s25, s19, $0xb8;
	[tilespmem:$0x1E800] =	vst v63  }
0xaa: {  	_ =	swait.ge [sflag:s17], $0x4000  }
0xab: {  	[sflag:s17] =	ssyncset.done $0x0  }
0xac: {  	[sflag:s17] =	ssyncadd.s32 $0xFFFFC000  }
0xad: {  	_ =	swait.ge [sflag:s23], $0x4000  }
0xae: {  	[sflag:s23] =	ssyncset.done $0x0  }
0xaf: {  	[sflag:s23] =	ssyncadd.s32 $0xFFFFC000  }
0xb0: {  	[spmem:s2] =	stream.indirect.scatter.add.f32 [tilespmem:s21], [sflag:$0x3], $0x80, s26, s19, $0xb8;
	[tilespmem:$0x1E800] =	vst v63  }
0xb1: {  	_ =	swait.ge [sflag:s17], $0x4000  }
0xb2: {  	[sflag:s17] =	ssyncset.done $0x0  }
0xb3: {  	[sflag:s17] =	ssyncadd.s32 $0xFFFFC000  }
0xb4: {  	s1 =	sshrl.u32 @!p0 s2, $0x3;
	s16 =	simm.s32 @!p0 $0x1C03;
	[bflag:$0x0] =	sbarrier.arrive $0xFFFF  }
0xb5: {  	[hbm:s12], [sflag:s16] =	dma.local @!p0 [spmem:s1], $0x14000  }
0xb6: {  	s1 =	simm.s32 @!p0 $0x3  }
0xb7: {  	s3 =	sadd.s32 $0x1, s3;
	_ =	swait.ge @!p0 [sflag:s1], $0x14000  }
0xb8: {  	p3 =	sne.s32 s3, s14;
	s16 =	sshll.u32 @p2 s0, $0x6;
	[sflag:s1] =	ssyncset.done @!p0 $0x0  }
0xb9: {  	[sflag:s1] =	ssyncadd.s32 @!p0 $0xFFFEC000;
	s1 =	sor.u32 @p2 $0x1C03, s16;
	s16 =	sshrl.u32 @p2 s6, $0x3  }
0xba: {  	[hbm:s13], [sflag:s1] =	dma.local @p2 [spmem:s16], $0x14000  }
.Ltmp5:
0xbb: {  	_ = 	snop;
	(pc) =	sbr.rel @p3 .LBB2_1-.Ltmp5, $4  }
0xbc: {  	s1 =	simm.s32 @p2 $0x3  }
0xbd: {  	_ =	swait.ge @p2 [sflag:s1], $0x14000  }
0xbe: {  	[sflag:s1] =	ssyncset.done @p2 $0x0  }
0xbf: {  	[sflag:s1] =	ssyncadd.s32 @p2 $0xFFFEC000  }
0xc0: {  	_ =	sfence.sel $0x180000  }
0xc1: {  	[bflag:$0x0] =	sbarrier.arrive $0xFFFF  }
0xc2: {  	_ =	strace $0x9000004D  }
0xc3: {  	[bflag:$0x2] =	sbarrier.arrive $0xFFFF  }
0xc4: {  	p0 =	sne.s32 s0, $0x0;
	s0 =	rddreg [dreg:$0x2]  }
0xc5: {  	s0 =	sadd.s32 @!p0 $0x100000, s0  }
0xc6: {  	[sflag:s0] =	ssyncadd.tile.s32 @!p0 $0x1;
	_ =	shalt  }
.Lfunc_end2:
_tile_overlayer_lowered:
.L_overlay_start_2:
0xc7: {  	(tag) =	ssettag $0x2  }
0xc8: {  	s0 =	rddreg [dreg:$0x0];
	s2 =	stileid.u32  }
0xc9: {  	s1 =	rddreg [dreg:$0x1];
	p0 =	sne.s32 s2, $0x0  }
0xca: {  	s3 =	rddreg [dreg:$0x2];
	[bflag:$0x3] =	sbarrier.arrive $0xFFFF;
	s2 =	simm.s32 @!p0 $0x1C03  }
0xcb: {  	[timem:s3], [sflag:s2] =	dma.local @!p0 [hbm:s0], s1  }
0xcc: {  	s0 =	simm.s32 @!p0 $0x3  }
0xcd: {  	_ =	swait.ge @!p0 [sflag:s0], s1  }
0xce: {  	s1 =	ssub.s32 @!p0 $0x0, s1;
	[sflag:s0] =	ssyncset.done @!p0 $0x0  }
0xcf: {  	[sflag:s0] =	ssyncadd.s32 @!p0 s1  }
0xd0: {  	[bflag:$0x3] =	sbarrier.arrive $0xFFFF  }
0xd1: {  	_ =	shalt  }

// kernel: kernel.19.cloned.1.call-start
scs
__scs_entry_jumppad:
0x0: {  	(pc) =	sbr.rel $0x88, $3  }
0x1: {  	(tag) =	ssettag $0x0;
	lr =	simm.s32 $0x1  }
0x2: {  	[smem:$0x3F96] =	sst lr;
	_ =	strace $0xD0000000  }
0x3: {  	_ = 	snop  }
0x4: {  	_ = 	snop  }
0x5: {  	_ = 	snop  }
0x6: {  	_ = 	snop  }
0x7: {  	_ = 	snop  }
__scs_overlays_trampoline_lowered:
0x8: {  	[smem:$0x3FA5] =	sst s0  }
0x9: {  	[smem:$0x3FA6] =	sst s1  }
0xa: {  	[smem:$0x3FA7] =	sst s2  }
0xb: {  	[smem:$0x3FA8] =	sst s3  }
0xc: {  	[smem:$0x3FA9] =	sst s4  }
0xd: {  	[smem:$0x3FAA] =	sst s5  }
0xe: {  	[smem:$0x3FAB] =	sst s6  }
0xf: {  	[smem:$0x3FAC] =	sst s7  }
0x10: {  	[smem:$0x3FAD] =	sst s8  }
0x11: {  	[smem:$0x3FAE] =	sst s9;
	s0 =	simm.s32 @!p0 $0x0  }
0x12: {  	s1 =	sld [smem:$0x3F94];
	s0 =	simm.s32 @p0 $0x1  }
0x13: {  	[smem:$0x3FAF] =	sst s0;
	s0 =	simm.s32 @!p1 $0x0  }
0x14: {  	s2 =	sld [smem:$0x3F93];
	s0 =	simm.s32 @p1 $0x1  }
0x15: {  	[smem:$0x3FB0] =	sst s0;
	s0 =	simm.s32 @!p2 $0x0  }
0x16: {  	s3 =	sld [smem:$0x3FDB];
	s0 =	simm.s32 @p2 $0x1  }
0x17: {  	s4 =	simm.s32 $0x1BF5;
	[smem:$0x3FB2] =	sst s0  }
0x18: {  	s0 =	sld [smem:$0x3F95];
	_ =	swait.ge [sflag:s4], $0x0  }
0x19: {  	s7 =	sld [smem:$0x3F96]  }
0x1a: {  	s8 =	sadd.s32 $0xFFFFE003, lr  }
0x1b: {  	s9 =	sadd.s32 $0xFFFFFEF7, lr;
	s5 =	simm.s32 $0xFFFFFFFF;
	p2 =	slt.u32 s8, $0xFFFFF086  }
0x1c: {  	p1 =	slt.u32 s9, $0xF7A;
	s5 =	simm.s32 @!p2 $0x0  }
0x1d: {  	s5 =	simm.s32 @p1 $0x1;
	p0 =	seq.s32 s7, s2  }
0x1e: {  	s7 =	smul.u32 @!p0 $0xF7A, s2;
	p2 =	seq.s32 @!p0 s5, $0x0  }
0x1f: {  	s9 =	smul.u32 $0xF7A, s1;
	s8 =	simm.s32 @!p0 $0x1BF5;
	p2 =	por !p2, p0  }
0x20: {  	[sflag:s8] =	ssyncset.s32 @!p0 $0xFFFFF086;
	s6 =	sadd.s32 @!p0 s3, s7;
	s7 =	simm.s32 @!p0 $0x108  }
0x21: {  	s3 =	sadd.s32 s3, s9;
	s6 =	sadd.s32 @!p0 $0x88, s6;
	s7 =	simm.s32 @p2 $0x1082  }
0x22: {  	[simem:s7], [sflag:s8] =	dma.local @!p0 [hbm:s6], $0xF7A  }
0x23: {  	s9 =	sor.u32 $0xD0000000, s2;
	s6 =	simm.s32 $0x108;
	_ =	swait.ge @!p0 [sflag:s8], $0x0  }
0x24: {  	s3 =	sadd.s32 $0x88, s3;
	s6 =	simm.s32 @!p1 $0x1082;
	[sflag:s4] =	ssyncset.s32 $0xFFFFF086  }
0x25: {  	[simem:s6], [sflag:s4] =	dma.local [hbm:s3], $0xF7A  }
0x26: {  	[smem:$0x3F96] =	sst s1;
	(tag) =	ssettag s2;
	_ =	strace s9  }
0x27: {  	s1 =	sld [smem:$0x3FA6]  }
0x28: {  	s2 =	sld [smem:$0x3FA7]  }
0x29: {  	s4 =	sld [smem:$0x3FA9]  }
0x2a: {  	p0 =	seq.s32 s5, $0x0;
	s5 =	sld [smem:$0x3FAA]  }
0x2b: {  	s6 =	sld [smem:$0x3FAB]  }
0x2c: {  	s7 =	sld [smem:$0x3FAC]  }
0x2d: {  	s3 =	simm.s32 $0x108;
	s8 =	sld [smem:$0x3FAD]  }
0x2e: {  	s3 =	simm.s32 @!p0 $0x1082;
	s9 =	sld [smem:$0x3FAE]  }
0x2f: {  	lr =	sadd.s32 s0, s3;
	s0 =	sld [smem:$0x3FA5]  }
0x30: {  	s3 =	sld [smem:$0x3FA8]  }
0x31: {  	[smem:$0x3FB1] =	sst s10  }
0x32: {  	s10 =	sld [smem:$0x3FAF];
	_ =	sdelay $0x3  }
0x33: {  	p0 =	seq.s32 s10, $0x1;
	s10 =	sld [smem:$0x3FB1];
	_ =	sdelay $0x3  }
0x34: {  	[smem:$0x3FB1] =	sst s10  }
0x35: {  	s10 =	sld [smem:$0x3FB0];
	_ =	sdelay $0x3  }
0x36: {  	p1 =	seq.s32 s10, $0x1;
	s10 =	sld [smem:$0x3FB1];
	_ =	sdelay $0x3  }
0x37: {  	[smem:$0x3FB1] =	sst s10  }
0x38: {  	s10 =	sld [smem:$0x3FB2]  }
0x39: {  	_ = 	snop;
	(pc) =	sbr.ind lr, $3  }
0x3a: {  	_ = 	snop  }
0x3b: {  	_ = 	snop  }
0x3c: {  	p2 =	seq.s32 s10, $0x1;
	s10 =	sld [smem:$0x3FB1]  }
0x3d: {  	_ =	shalt  }
0x3e: {  	_ =	shalt  }
0x3f: {  	_ =	shalt  }
0x40: {  	_ =	shalt  }
0x41: {  	_ =	shalt  }
0x42: {  	_ =	shalt  }
0x43: {  	_ =	shalt  }
0x44: {  	_ =	shalt  }
0x45: {  	_ =	shalt  }
0x46: {  	_ =	shalt  }
0x47: {  	_ =	shalt  }
0x48: {  	_ =	shalt  }
0x49: {  	_ =	shalt  }
0x4a: {  	_ =	shalt  }
0x4b: {  	_ =	shalt  }
0x4c: {  	_ =	shalt  }
0x4d: {  	_ =	shalt  }
0x4e: {  	_ =	shalt  }
0x4f: {  	_ =	shalt  }
0x50: {  	_ =	shalt  }
0x51: {  	_ =	shalt  }
0x52: {  	_ =	shalt  }
0x53: {  	_ =	shalt  }
0x54: {  	_ =	shalt  }
0x55: {  	_ =	shalt  }
0x56: {  	_ =	shalt  }
0x57: {  	_ =	shalt  }
0x58: {  	_ =	shalt  }
0x59: {  	_ =	shalt  }
0x5a: {  	_ =	shalt  }
0x5b: {  	_ =	shalt  }
0x5c: {  	_ =	shalt  }
0x5d: {  	_ =	shalt  }
0x5e: {  	_ =	shalt  }
0x5f: {  	_ =	shalt  }
0x60: {  	_ =	shalt  }
0x61: {  	_ =	shalt  }
0x62: {  	_ =	shalt  }
0x63: {  	_ =	shalt  }
0x64: {  	_ =	shalt  }
0x65: {  	_ =	shalt  }
0x66: {  	_ =	shalt  }
0x67: {  	_ =	shalt  }
0x68: {  	_ =	shalt  }
0x69: {  	_ =	shalt  }
0x6a: {  	_ =	shalt  }
0x6b: {  	_ =	shalt  }
0x6c: {  	_ =	shalt  }
0x6d: {  	_ =	shalt  }
0x6e: {  	_ =	shalt  }
0x6f: {  	_ =	shalt  }
0x70: {  	_ =	shalt  }
0x71: {  	_ =	shalt  }
0x72: {  	_ =	shalt  }
0x73: {  	_ =	shalt  }
0x74: {  	_ =	shalt  }
0x75: {  	_ =	shalt  }
0x76: {  	_ =	shalt  }
0x77: {  	_ =	shalt  }
0x78: {  	_ =	shalt  }
0x79: {  	_ =	shalt  }
0x7a: {  	_ =	shalt  }
0x7b: {  	_ =	shalt  }
0x7c: {  	_ =	shalt  }
0x7d: {  	_ =	shalt  }
0x7e: {  	_ =	shalt  }
0x7f: {  	_ =	shalt  }
0x80: {  	_ =	shalt  }
0x81: {  	_ =	shalt  }
0x82: {  	_ =	shalt  }
0x83: {  	_ =	shalt  }
0x84: {  	_ =	shalt  }
0x85: {  	_ =	shalt  }
0x86: {  	_ =	shalt  }
0x87: {  	_ =	shalt  }
.Lfunc_end0:
.L_simem_size_0:
called_computation.3_lowered:
.L_overlay_start_0:
0x88: {  	s2 =	sld [smem:$0x3FD9]  }
0x89: {  	s3 =	sld [smem:$0x3FFE];
	_ =	sdelay $0x1  }
0x8a: {  	s1 =	srdreg.scid  }
0x8b: {  	s0 =	sand.u32 $0x1, s1  }
0x8c: {  	s16 =	sshll.u32 s0, $0xA;
	s2 =	sadd.s32 s3, s2  }
0x8d: {  	s2 =	sadd.s32 s2, s16  }
0x8e: {  	[smem:$0x3FBD] =	sst s2  }
0x8f: {  	_ = 	snop  }
0x90: {  	(tm) =	ssettm $0x1  }
0x91: {  	s17 =	sld [smem:$0x3FFB];
	_ =	sdelay $0x3  }
0x92: {  	_ =	strace s17  }
0x93: {  	s2 =	sld [smem:$0x3FFC];
	_ =	sdelay $0x3  }
0x94: {  	_ =	strace s2  }
0x95: {  	s2 =	sld [smem:$0x3FFD];
	_ =	sdelay $0x3  }
0x96: {  	_ =	strace s2  }
0x97: {  	_ =	strace $0x8FFFFFFF  }
0x98: {  	s18 =	sld [smem:$0x3FDB];
	_ =	sdelay $0x1  }
0x99: {  	s19 =	simm.s32 $_scs_section_size  }
0x9a: {  	s4 =	simm.s32 $_size__tile_overlayer_lowered;
	s5 =	simm.s32 $_tile_overlayer_lowered  }
0x9b: {  	s22 =	simm.s32 $0x1BFF;
	s21 =	sshll.u32 s5, $0x1;
	s2 =	sadd.s32 s19, s18  }
0x9c: {  	s6 =	simm.s32 $0x0;
	s20 =	sshll.u32 s4, $0x1;
	s4 =	sadd.s32 s21, s2  }
0x9d: {  	[timem:s6], [sflag:s22] =	dma.local [hbm:s4], s20  }
0x9e: {  	_ =	swait.ge [sflag:s22], s20  }
0x9f: {  	s3 =	ssub.s32 $0x0, s20;
	[sflag:s22] =	ssyncset.done $0x0  }
0xa0: {  	[sflag:s22] =	ssyncadd.s32 s3;
	_ =	sdelay $0x1  }
0xa1: {  	s23 =	simm.s32 $0x1B8B  }
0xa2: {  	_ =	swait.ge [sflag:s23], $0x1  }
0xa3: {  	[sflag:s23] =	ssyncset.done $0x0  }
0xa4: {  	s25 =	simm.s32 $0x1B8E;
	s24 =	sld [smem:$0x3FFE];
	[sflag:s23] =	ssyncadd.s32 $0xFFFFFFFF  }
0xa5: {  	s26 =	simm.s32 $execute0_lowered;
	[smem:$0x3FD2] =	sst s25  }
0xa6: {  	s4 =	sshll.u32 s26, $0x1;
	_ =	strace $0x8000004F;
	[dreg:$0x1] =	wrdreg $0xFFFFFFFF  }
0xa7: {  	s28 =	simm.s32 $_size_execute0_lowered;
	s2 =	sadd.s32 s2, s4;
	[dreg:$0x0] =	wrdreg $0x0  }
0xa8: {  	s4 =	sshll.u32 s28, $0x1;
	[dreg:$0x2] =	wrdreg s2  }
0xa9: {  	[dreg:$0x3] =	wrdreg s4  }
0xaa: {  	[dreg:$0x4] =	wrdreg $0xC0  }
0xab: {  	_ =	task [dreg:s6], $0x5FFFF  }
0xac: {  	[dreg:$0x1] =	wrdreg $0xFFFFFFFF  }
0xad: {  	[dreg:$0x0] =	wrdreg $0x60  }
0xae: {  	[dreg:$0x2] =	wrdreg s24  }
0xaf: {  	[dreg:$0x3] =	wrdreg $0xA8000  }
0xb0: {  	[dreg:$0x4] =	wrdreg $0x9  }
0xb1: {  	_ =	task.clear_ibuf [dreg:s6], $0x5FFFF;
	_ =	strace $0x9000004F  }
0xb2: {  	s29 =	simm.s32 $0x9;
	_ =	strace $0x80000051  }
0xb3: {  	_ =	swait.ge [sflag:s29], $0x1  }
0xb4: {  	[sflag:s29] =	ssyncadd.s32 $0xFFFFFFFF  }
0xb5: {  	_ =	strace $0x90000051  }
0xb6: {  	_ =	sfence  }
0xb7: {  	s30 =	sld [smem:$0x0];
	_ =	sdelay $0x2  }
0xb8: {  	s31 =	sshll.u32 s1, $0xD;
	s1 =	sshrl.u32 s1, $0x2  }
0xb9: {  	s3 =	sand.u32 $0x4000, s31;
	s1 =	sadd.s32 s1, s30  }
0xba: {  	s0 =	sor.u32 s3, s0;
	s1 =	sshll.u32 s1, $0x11  }
0xbb: {  	s0 =	sor.u32 s1, s0  }
0xbc: {  	s0 =	sadd.s32 $0x8F2B, s0  }
0xbd: {  	[sflag:s0] =	ssyncadd.remote.s32 $0x1  }
0xbe: {  	_ =	sfence.sel $0xFFFF  }
0xbf: {  	[dreg:$0x0] =	wrdreg $0xFFFFFFFF;
	(pc) =	sbr.abs _section_cstart, $3  }
0xc0: {  	[dreg:$0x1] =	wrdreg $0xFFFFFFFF  }
0xc1: {  	_ =	task.clear_ibuf [dreg:s6], $0x2FFFF;
	_ =	strace $0x9FFFFFFF  }
0xc2: {  	(tm) =	ssettm $0x7FFFFFFF  }
0xc3: {  	_ =	shalt  }
tec
execute0_lowered:
.L_overlay_start_1:
0x0: {  	(tag) =	ssettag $0x1  }
0x1: {  	s0 =	srdreg.scid;
	s7 =	rddreg [dreg:$0x0]  }
0x2: {  	s2 =	rddreg [dreg:$0x1];
	s3 =	simm.s32 $0x0;
	s17 =	simm.s32 $0x3  }
0x3: {  	s18 =	simm.s32 $0x1400;
	s19 =	simm.s32 $0x80;
	s20 =	simm.s32 $0x2800  }
0x4: {  	s21 =	simm.s32 $0x6800;
	s22 =	simm.s32 $0x1;
	s23 =	simm.s32 $0x2  }
0x5: {  	s24 =	simm.s32 $0x1380;
	s25 =	simm.s32 $0x2700;
	s26 =	simm.s32 $0x2780  }
0x6: {  	s28 =	simm.s32 $0x1C03;
	s6 =	sand.u32 $0x1, s0;
	s0 =	stileid.u32  }
0x7: {  	[smem:$0x7FF] =	sst s3;
	s13 =	sadd.s32 $0xDAE00, s7;
	s12 =	smul.u32 $0x28000, s6  }
0x8: {  	s5 =	smul.u32 $0x2800, s0;
	_ =	strace $0x80000050;
	s31 =	ssub.s32 $0x2, s6  }
0x9: {  	s14 =	smul.u32 $0x140000, s6;
	p0 =	sne.s32 s0, $0x0;
	s6 =	sadd.s32 $0xA0000, s2  }
0xa: {  	p1 =	seq.s32 s0, $0x1;
	s9 =	sshrl.u32 s31, $0x1;
	s4 =	sadd.s32 s5, s12  }
0xb: {  	s5 =	sshrl.u32 s5, $0x3;
	s15 =	ssub.s32 s31, s9;
	s14 =	sshrl.u32 s14, $0x3  }
0xc: {  	s12 =	sadd.s32 s13, s12;
	s8 =	sshrl.u32 s4, $0x3;
	s4 =	sadd.s32 $0x8AE00, s7  }
0xd: {  	s11 =	sadd.s32 s5, s7;
	s5 =	sadd.s32 $0x8600, s7;
	s14 =	sadd.s32 s13, s14  }
0xe: {  	s10 =	sadd.s32 s8, s7;
	s7 =	sadd.s32 $0x1C600, s7;
	s9 =	sadd.s32 $0x3600, s11  }
0xf: {  	s11 =	sadd.s32 $0x3880, s11;
	s13 =	sadd.s32 $0x14000, s14;
	s14 =	smax.u32 s15, $0x1  }
0x10: {  	s15 =	sshrl.u32 s6, $0x3;
	s8 =	sadd.s32 $0x80E00, s10;
	s10 =	sadd.s32 $0x81080, s10  }
.LBB2_1:
.Ltmp0:
0x11: {  	(pc) =	sbr.rel @p1 .LBB2_4-.Ltmp0, $1  }
0x12: {  	_ =	sdelay $0x3  }
.Ltmp1:
0x13: {  	(pc) =	sbr.rel @p0 .LBB2_6-.Ltmp1, $2  }
0x14: {  	_ =	sdelay $0x2  }
0x15: {  	p2 =	por $0x0, $0x0  }
.Ltmp2:
0x16: {  	(pc) =	sbr.rel .LBB2_5-.Ltmp2, $3  }
0x17: {  	_ =	sdelay $0x1  }
0x18: {  	s29 =	sshrl.u32 s2, $0x3  }
0x19: {  	[spmem:s29], [sflag:s28] =	dma.local [hbm:s5], $0x14000  }
.LBB2_4:
0x1a: {  	s1 =	simm.s32 $0x1C43  }
0x1b: {  	[spmem:s15], [sflag:s1] =	dma.local [hbm:s7], $0x14000  }
.LBB2_5:
0x1c: {  	_ =	swait.ge [sflag:s17], $0x14000  }
0x1d: {  	[sflag:s17] =	ssyncset.done $0x0  }
0x1e: {  	p2 =	por p0, p0;
	[sflag:s17] =	ssyncadd.s32 $0xFFFEC000  }
.LBB2_6:
0x1f: {  	[bflag:$0x0] =	sbarrier.arrive $0xFFFF;
	s29 =	simm.s32 $0x0  }
0x20: {  	[tilespmem:s29], [sflag:$0x3] =	stream.linear.gather [hbm4b:s8+s29], $0x1400, $0x38;
	[tilespmem:$0x1E800] =	vst v63  }
0x21: {  	_ =	swait.ge [sflag:s17], $0x1400  }
0x22: {  	[sflag:s17] =	ssyncset.done $0x0  }
0x23: {  	[sflag:s17] =	ssyncadd.s32 $0xFFFFEC00  }
0x24: {  	[tilespmem:s18], [sflag:$0x3] =	stream.linear.gather [hbm4b:s9+s29], $0x1400, $0x38;
	[tilespmem:$0x1E800] =	vst v63  }
0x25: {  	_ =	swait.ge [sflag:s17], $0x1400  }
0x26: {  	[sflag:s17] =	ssyncset.done $0x0  }
0x27: {  	[sflag:s17] =	ssyncadd.s32 $0xFFFFEC00  }
0x28: {  	[tilespmem:s20], [sflag:$0x1] =	stream.indirect.gather [hbm4b:s4+s19], $0x80, s29, s19, $0xb8;
	[tilespmem:$0x1E800] =	vst v63  }
0x29: {  	s29 =	simm.s32 $0x80  }
0x2a: {  	[tilespmem:s21], [sflag:$0x2] =	stream.indirect.gather [hbm4b:s4+s19], $0x80, s29, s19, $0xb8;
	[tilespmem:$0x1E800] =	vst v63  }
0x2b: {  	_ =	swait.ge [sflag:s22], $0x4000  }
0x2c: {  	[sflag:s22] =	ssyncset.done $0x0  }
0x2d: {  	s29 =	simm.s32 $0x1400;
	[sflag:s22] =	ssyncadd.s32 $0xFFFFC000  }
0x2e: {  	[spmem:s2] =	stream.indirect.scatter.add.f32 [tilespmem:s20], [sflag:$0x3], $0x80, s29, s19, $0xb8;
	[tilespmem:$0x1E800] =	vst v63  }
0x2f: {  	_ =	swait.ge [sflag:s17], $0x4000  }
0x30: {  	[sflag:s17] =	ssyncset.done $0x0  }
0x31: {  	s29 =	simm.s32 $0x100;
	[sflag:s17] =	ssyncadd.s32 $0xFFFFC000  }
0x32: {  	[tilespmem:s20], [sflag:$0x1] =	stream.indirect.gather [hbm4b:s4+s19], $0x80, s29, s19, $0xb8;
	[tilespmem:$0x1E800] =	vst v63  }
0x33: {  	_ =	swait.ge [sflag:s23], $0x4000  }
0x34: {  	[sflag:s23] =	ssyncset.done $0x0  }
0x35: {  	s29 =	simm.s32 $0x1480;
	[sflag:s23] =	ssyncadd.s32 $0xFFFFC000  }
0x36: {  	[spmem:s2] =	stream.indirect.scatter.add.f32 [tilespmem:s21], [sflag:$0x3], $0x80, s29, s19, $0xb8;
	[tilespmem:$0x1E800] =	vst v63  }
0x37: {  	_ =	swait.ge [sflag:s17], $0x4000  }
0x38: {  	s30 =	simm.s32 $0x800;
	s29 =	simm.s32 $0x100;
	[sflag:s17] =	ssyncset.done $0x0  }
.LBB2_7:
0x39: {  	s31 =	sadd.s32 $0x80, s29  }
0x3a: {  	[sflag:s17] =	ssyncadd.s32 $0xFFFFC000;
	s1 =	smov.u32 s30;
	s16 =	sadd.s32 $0x400, s30  }
0x3b: {  	[tilespmem:s21], [sflag:$0x2] =	stream.indirect.gather [hbm4b:s4+s19], $0x80, s31, s19, $0xb8;
	[tilespmem:$0x1E800] =	vst v63  }
0x3c: {  	p3 =	sne.s32 s30, $0x4800;
	_ =	swait.ge [sflag:s22], $0x4000  }
0x3d: {  	[sflag:s22] =	ssyncset.done $0x0  }
0x3e: {  	s30 =	sadd.s32 $0x1400, s29;
	[sflag:s22] =	ssyncadd.s32 $0xFFFFC000  }
0x3f: {  	[spmem:s2] =	stream.indirect.scatter.add.f32 [tilespmem:s20], [sflag:$0x3], $0x80, s30, s19, $0xb8;
	[tilespmem:$0x1E800] =	vst v63  }
0x40: {  	_ =	swait.ge [sflag:s17], $0x4000  }
0x41: {  	[sflag:s17] =	ssyncset.done $0x0  }
0x42: {  	s30 =	sadd.s32 $0x100, s29;
	[sflag:s17] =	ssyncadd.s32 $0xFFFFC000  }
0x43: {  	[tilespmem:s20], [sflag:$0x1] =	stream.indirect.gather [hbm4b:s4+s19], $0x80, s30, s19, $0xb8;
	[tilespmem:$0x1E800] =	vst v63  }
0x44: {  	_ =	swait.ge [sflag:s23], $0x4000  }
.Ltmp3:
0x45: {  	[sflag:s23] =	ssyncset.done $0x0;
	(pc) =	sbr.rel @p3 .LBB2_7-.Ltmp3, $4  }
0x46: {  	s29 =	sadd.s32 $0x1480, s29;
	[sflag:s23] =	ssyncadd.s32 $0xFFFFC000  }
0x47: {  	[spmem:s2] =	stream.indirect.scatter.add.f32 [tilespmem:s21], [sflag:$0x3], $0x80, s29, s19, $0xb8;
	[tilespmem:$0x1E800] =	vst v63  }
0x48: {  	_ =	swait.ge [sflag:s17], $0x4000  }
0x49: {  	s30 =	smov.u32 s16;
	s29 =	sshra.s32 s1, $0x2;
	[sflag:s17] =	ssyncset.done $0x0  }
0x4a: {  	s1 =	sadd.s32 $0x80, s29;
	[sflag:s17] =	ssyncadd.s32 $0xFFFFC000  }
0x4b: {  	[tilespmem:s21], [sflag:$0x2] =	stream.indirect.gather [hbm4b:s4+s19], $0x80, s1, s19, $0xb8;
	[tilespmem:$0x1E800] =	vst v63  }
0x4c: {  	_ =	swait.ge [sflag:s22], $0x4000  }
0x4d: {  	[sflag:s22] =	ssyncset.done $0x0  }
0x4e: {  	s16 =	sadd.s32 $0x1400, s29;
	[sflag:s22] =	ssyncadd.s32 $0xFFFFC000  }
0x4f: {  	[spmem:s2] =	stream.indirect.scatter.add.f32 [tilespmem:s20], [sflag:$0x3], $0x80, s16, s19, $0xb8;
	[tilespmem:$0x1E800] =	vst v63  }
0x50: {  	_ =	swait.ge [sflag:s17], $0x4000  }
0x51: {  	[sflag:s17] =	ssyncset.done $0x0  }
0x52: {  	s31 =	sadd.s32 $0x100, s29;
	[sflag:s17] =	ssyncadd.s32 $0xFFFFC000  }
0x53: {  	[tilespmem:s20], [sflag:$0x1] =	stream.indirect.gather [hbm4b:s4+s19], $0x80, s31, s19, $0xb8;
	[tilespmem:$0x1E800] =	vst v63  }
0x54: {  	_ =	swait.ge [sflag:s23], $0x4000  }
0x55: {  	[sflag:s23] =	ssyncset.done $0x0  }
0x56: {  	s16 =	sadd.s32 $0x1480, s29;
	[sflag:s23] =	ssyncadd.s32 $0xFFFFC000  }
0x57: {  	[spmem:s2] =	stream.indirect.scatter.add.f32 [tilespmem:s21], [sflag:$0x3], $0x80, s16, s19, $0xb8;
	[tilespmem:$0x1E800] =	vst v63  }
0x58: {  	_ =	swait.ge [sflag:s17], $0x4000  }
0x59: {  	[sflag:s17] =	ssyncset.done $0x0  }
0x5a: {  	[sflag:s17] =	ssyncadd.s32 $0xFFFFC000  }
0x5b: {  	[tilespmem:s21], [sflag:$0x2] =	stream.indirect.gather [hbm4b:s4+s19], $0x80, s24, s19, $0xb8;
	[tilespmem:$0x1E800] =	vst v63  }
0x5c: {  	_ =	swait.ge [sflag:s22], $0x4000  }
0x5d: {  	[sflag:s22] =	ssyncset.done $0x0  }
0x5e: {  	[sflag:s22] =	ssyncadd.s32 $0xFFFFC000  }
0x5f: {  	[spmem:s2] =	stream.indirect.scatter.add.f32 [tilespmem:s20], [sflag:$0x3], $0x80, s25, s19, $0xb8;
	[tilespmem:$0x1E800] =	vst v63  }
0x60: {  	_ =	swait.ge [sflag:s17], $0x4000  }
0x61: {  	[sflag:s17] =	ssyncset.done $0x0  }
0x62: {  	[sflag:s17] =	ssyncadd.s32 $0xFFFFC000  }
0x63: {  	_ =	swait.ge [sflag:s23], $0x4000  }
0x64: {  	[sflag:s23] =	ssyncset.done $0x0  }
0x65: {  	[sflag:s23] =	ssyncadd.s32 $0xFFFFC000  }
0x66: {  	[spmem:s2] =	stream.indirect.scatter.add.f32 [tilespmem:s21], [sflag:$0x3], $0x80, s26, s19, $0xb8;
	[tilespmem:$0x1E800] =	vst v63  }
0x67: {  	_ =	swait.ge [sflag:s17], $0x4000  }
0x68: {  	[sflag:s17] =	ssyncset.done $0x0  }
0x69: {  	s31 =	simm.s32 $0x0;
	[sflag:s17] =	ssyncadd.s32 $0xFFFFC000  }
0x6a: {  	[tilespmem:s31], [sflag:$0x3] =	stream.linear.gather [hbm4b:s10+s31], $0x1400, $0x38;
	[tilespmem:$0x1E800] =	vst v63  }
0x6b: {  	_ =	swait.ge [sflag:s17], $0x1400  }
0x6c: {  	[sflag:s17] =	ssyncset.done $0x0  }
0x6d: {  	[sflag:s17] =	ssyncadd.s32 $0xFFFFEC00  }
0x6e: {  	[tilespmem:s18], [sflag:$0x3] =	stream.linear.gather [hbm4b:s11+s31], $0x1400, $0x38;
	[tilespmem:$0x1E800] =	vst v63  }
0x6f: {  	_ =	swait.ge [sflag:s17], $0x1400  }
0x70: {  	[sflag:s17] =	ssyncset.done $0x0  }
0x71: {  	[sflag:s17] =	ssyncadd.s32 $0xFFFFEC00  }
0x72: {  	[tilespmem:s20], [sflag:$0x1] =	stream.indirect.gather [hbm4b:s4+s19], $0x80, s31, s19, $0xb8;
	[tilespmem:$0x1E800] =	vst v63  }
0x73: {  	s16 =	simm.s32 $0x80  }
0x74: {  	[tilespmem:s21], [sflag:$0x2] =	stream.indirect.gather [hbm4b:s4+s19], $0x80, s16, s19, $0xb8;
	[tilespmem:$0x1E800] =	vst v63  }
0x75: {  	_ =	swait.ge [sflag:s22], $0x4000  }
0x76: {  	[sflag:s22] =	ssyncset.done $0x0  }
0x77: {  	s31 =	simm.s32 $0x1400;
	[sflag:s22] =	ssyncadd.s32 $0xFFFFC000  }
0x78: {  	[spmem:s2] =	stream.indirect.scatter.add.f32 [tilespmem:s20], [sflag:$0x3], $0x80, s31, s19, $0xb8;
	[tilespmem:$0x1E800] =	vst v63  }
0x79: {  	_ =	swait.ge [sflag:s17], $0x4000  }
0x7a: {  	[sflag:s17] =	ssyncset.done $0x0  }
0x7b: {  	s16 =	simm.s32 $0x100;
	[sflag:s17] =	ssyncadd.s32 $0xFFFFC000  }
0x7c: {  	[tilespmem:s20], [sflag:$0x1] =	stream.indirect.gather [hbm4b:s4+s19], $0x80, s16, s19, $0xb8;
	[tilespmem:$0x1E800] =	vst v63  }
0x7d: {  	_ =	swait.ge [sflag:s23], $0x4000  }
0x7e: {  	[sflag:s23] =	ssyncset.done $0x0  }
0x7f: {  	s31 =	simm.s32 $0x1480;
	[sflag:s23] =	ssyncadd.s32 $0xFFFFC000  }
0x80: {  	[spmem:s2] =	stream.indirect.scatter.add.f32 [tilespmem:s21], [sflag:$0x3], $0x80, s31, s19, $0xb8;
	[tilespmem:$0x1E800] =	vst v63  }
0x81: {  	_ =	swait.ge [sflag:s17], $0x4000  }
0x82: {  	s30 =	simm.s32 $0x800;
	s29 =	simm.s32 $0x100;
	[sflag:s17] =	ssyncset.done $0x0  }
.LBB2_9:
0x83: {  	s1 =	sadd.s32 $0x80, s29  }
0x84: {  	[sflag:s17] =	ssyncadd.s32 $0xFFFFC000;
	s16 =	smov.u32 s30;
	s31 =	sadd.s32 $0x400, s30  }
0x85: {  	[tilespmem:s21], [sflag:$0x2] =	stream.indirect.gather [hbm4b:s4+s19], $0x80, s1, s19, $0xb8;
	[tilespmem:$0x1E800] =	vst v63  }
0x86: {  	p3 =	sne.s32 s30, $0x4800;
	_ =	swait.ge [sflag:s22], $0x4000  }
0x87: {  	[sflag:s22] =	ssyncset.done $0x0  }
0x88: {  	s1 =	sadd.s32 $0x1400, s29;
	[sflag:s22] =	ssyncadd.s32 $0xFFFFC000  }
0x89: {  	[spmem:s2] =	stream.indirect.scatter.add.f32 [tilespmem:s20], [sflag:$0x3], $0x80, s1, s19, $0xb8;
	[tilespmem:$0x1E800] =	vst v63  }
0x8a: {  	_ =	swait.ge [sflag:s17], $0x4000  }
0x8b: {  	[sflag:s17] =	ssyncset.done $0x0  }
0x8c: {  	s1 =	sadd.s32 $0x100, s29;
	[sflag:s17] =	ssyncadd.s32 $0xFFFFC000  }
0x8d: {  	[tilespmem:s20], [sflag:$0x1] =	stream.indirect.gather [hbm4b:s4+s19], $0x80, s1, s19, $0xb8;
	[tilespmem:$0x1E800] =	vst v63  }
0x8e: {  	_ =	swait.ge [sflag:s23], $0x4000  }
.Ltmp4:
0x8f: {  	[sflag:s23] =	ssyncset.done $0x0;
	(pc) =	sbr.rel @p3 .LBB2_9-.Ltmp4, $4  }
0x90: {  	s1 =	sadd.s32 $0x1480, s29;
	[sflag:s23] =	ssyncadd.s32 $0xFFFFC000  }
0x91: {  	[spmem:s2] =	stream.indirect.scatter.add.f32 [tilespmem:s21], [sflag:$0x3], $0x80, s1, s19, $0xb8;
	[tilespmem:$0x1E800] =	vst v63  }
0x92: {  	_ =	swait.ge [sflag:s17], $0x4000  }
0x93: {  	s30 =	smov.u32 s31;
	s29 =	sshra.s32 s16, $0x2;
	[sflag:s17] =	ssyncset.done $0x0  }
0x94: {  	s1 =	sadd.s32 $0x80, s29;
	[sflag:s17] =	ssyncadd.s32 $0xFFFFC000  }
0x95: {  	[tilespmem:s21], [sflag:$0x2] =	stream.indirect.gather [hbm4b:s4+s19], $0x80, s1, s19, $0xb8;
	[tilespmem:$0x1E800] =	vst v63  }
0x96: {  	_ =	swait.ge [sflag:s22], $0x4000  }
0x97: {  	[sflag:s22] =	ssyncset.done $0x0  }
0x98: {  	s16 =	sadd.s32 $0x1400, s29;
	[sflag:s22] =	ssyncadd.s32 $0xFFFFC000  }
0x99: {  	[spmem:s2] =	stream.indirect.scatter.add.f32 [tilespmem:s20], [sflag:$0x3], $0x80, s16, s19, $0xb8;
	[tilespmem:$0x1E800] =	vst v63  }
0x9a: {  	_ =	swait.ge [sflag:s17], $0x4000  }
0x9b: {  	[sflag:s17] =	ssyncset.done $0x0  }
0x9c: {  	s30 =	sadd.s32 $0x100, s29;
	[sflag:s17] =	ssyncadd.s32 $0xFFFFC000  }
0x9d: {  	[tilespmem:s20], [sflag:$0x1] =	stream.indirect.gather [hbm4b:s4+s19], $0x80, s30, s19, $0xb8;
	[tilespmem:$0x1E800] =	vst v63  }
0x9e: {  	_ =	swait.ge [sflag:s23], $0x4000  }
0x9f: {  	[sflag:s23] =	ssyncset.done $0x0  }
0xa0: {  	s31 =	sadd.s32 $0x1480, s29;
	[sflag:s23] =	ssyncadd.s32 $0xFFFFC000  }
0xa1: {  	[spmem:s2] =	stream.indirect.scatter.add.f32 [tilespmem:s21], [sflag:$0x3], $0x80, s31, s19, $0xb8;
	[tilespmem:$0x1E800] =	vst v63  }
0xa2: {  	_ =	swait.ge [sflag:s17], $0x4000  }
0xa3: {  	[sflag:s17] =	ssyncset.done $0x0  }
0xa4: {  	[sflag:s17] =	ssyncadd.s32 $0xFFFFC000  }
0xa5: {  	[tilespmem:s21], [sflag:$0x2] =	stream.indirect.gather [hbm4b:s4+s19], $0x80, s24, s19, $0xb8;
	[tilespmem:$0x1E800] =	vst v63  }
0xa6: {  	_ =	swait.ge [sflag:s22], $0x4000  }
0xa7: {  	[sflag:s22] =	ssyncset.done $0x0  }
0xa8: {  	[sflag:s22] =	ssyncadd.s32 $0xFFFFC000  }
0xa9: {  	[spmem:s2] =	stream.indirect.scatter.add.f32 [tilespmem:s20], [sflag:$0x3], $0x80, s25, s19, $0xb8;
	[tilespmem:$0x1E800] =	vst v63  }
0xaa: {  	_ =	swait.ge [sflag:s17], $0x4000  }
0xab: {  	[sflag:s17] =	ssyncset.done $0x0  }
0xac: {  	[sflag:s17] =	ssyncadd.s32 $0xFFFFC000  }
0xad: {  	_ =	swait.ge [sflag:s23], $0x4000  }
0xae: {  	[sflag:s23] =	ssyncset.done $0x0  }
0xaf: {  	[sflag:s23] =	ssyncadd.s32 $0xFFFFC000  }
0xb0: {  	[spmem:s2] =	stream.indirect.scatter.add.f32 [tilespmem:s21], [sflag:$0x3], $0x80, s26, s19, $0xb8;
	[tilespmem:$0x1E800] =	vst v63  }
0xb1: {  	_ =	swait.ge [sflag:s17], $0x4000  }
0xb2: {  	[sflag:s17] =	ssyncset.done $0x0  }
0xb3: {  	[sflag:s17] =	ssyncadd.s32 $0xFFFFC000  }
0xb4: {  	s1 =	sshrl.u32 @!p0 s2, $0x3;
	s16 =	simm.s32 @!p0 $0x1C03;
	[bflag:$0x0] =	sbarrier.arrive $0xFFFF  }
0xb5: {  	[hbm:s12], [sflag:s16] =	dma.local @!p0 [spmem:s1], $0x14000  }
0xb6: {  	s1 =	simm.s32 @!p0 $0x3  }
0xb7: {  	s3 =	sadd.s32 $0x1, s3;
	_ =	swait.ge @!p0 [sflag:s1], $0x14000  }
0xb8: {  	p3 =	sne.s32 s3, s14;
	s16 =	sshll.u32 @p2 s0, $0x6;
	[sflag:s1] =	ssyncset.done @!p0 $0x0  }
0xb9: {  	[sflag:s1] =	ssyncadd.s32 @!p0 $0xFFFEC000;
	s1 =	sor.u32 @p2 $0x1C03, s16;
	s16 =	sshrl.u32 @p2 s6, $0x3  }
0xba: {  	[hbm:s13], [sflag:s1] =	dma.local @p2 [spmem:s16], $0x14000  }
.Ltmp5:
0xbb: {  	_ = 	snop;
	(pc) =	sbr.rel @p3 .LBB2_1-.Ltmp5, $4  }
0xbc: {  	s1 =	simm.s32 @p2 $0x3  }
0xbd: {  	_ =	swait.ge @p2 [sflag:s1], $0x14000  }
0xbe: {  	[sflag:s1] =	ssyncset.done @p2 $0x0  }
0xbf: {  	[sflag:s1] =	ssyncadd.s32 @p2 $0xFFFEC000  }
0xc0: {  	_ =	sfence.sel $0x180000  }
0xc1: {  	[bflag:$0x0] =	sbarrier.arrive $0xFFFF  }
0xc2: {  	_ =	strace $0x90000050  }
0xc3: {  	[bflag:$0x2] =	sbarrier.arrive $0xFFFF  }
0xc4: {  	p0 =	sne.s32 s0, $0x0;
	s0 =	rddreg [dreg:$0x2]  }
0xc5: {  	s0 =	sadd.s32 @!p0 $0x100000, s0  }
0xc6: {  	[sflag:s0] =	ssyncadd.tile.s32 @!p0 $0x1;
	_ =	shalt  }
.Lfunc_end2:
_tile_overlayer_lowered:
.L_overlay_start_2:
0xc7: {  	(tag) =	ssettag $0x2  }
0xc8: {  	s0 =	rddreg [dreg:$0x0];
	s2 =	stileid.u32  }
0xc9: {  	s1 =	rddreg [dreg:$0x1];
	p0 =	sne.s32 s2, $0x0  }
0xca: {  	s3 =	rddreg [dreg:$0x2];
	[bflag:$0x3] =	sbarrier.arrive $0xFFFF;
	s2 =	simm.s32 @!p0 $0x1C03  }
0xcb: {  	[timem:s3], [sflag:s2] =	dma.local @!p0 [hbm:s0], s1  }
0xcc: {  	s0 =	simm.s32 @!p0 $0x3  }
0xcd: {  	_ =	swait.ge @!p0 [sflag:s0], s1  }
0xce: {  	s1 =	ssub.s32 @!p0 $0x0, s1;
	[sflag:s0] =	ssyncset.done @!p0 $0x0  }
0xcf: {  	[sflag:s0] =	ssyncadd.s32 @!p0 s1  }
0xd0: {  	[bflag:$0x3] =	sbarrier.arrive $0xFFFF  }
0xd1: {  	_ =	shalt  }

</sc_bundles>
